<compile_context>
chip_gen: v7x
topology: tpu7x:2x2x1
jax: 0.10.2.dev20260603
libtpu: 0.0.44.dev20260713+nightly
codegen_flags: <defaults>
</compile_context>

<pallas_src>
import functools

import jax
import jax.numpy as jnp
from jax import lax
from jax.experimental import pallas as pl
from jax.experimental.pallas import tpu as pltpu
from jax.experimental.pallas import tpu_sc as plsc

N = 10000
E = 320000
D = 128
H = 128
C = 47

NC = 2
NS = 16
NW = NC * NS
CHUNK = 128
NBUF = 3
PC = 79
EPAD = NW * CHUNK * PC
RPS = 632
NPAD = 10104
LRPS = NPAD - (NS - 1) * RPS


def _agg_sc(p, src_b, dst_b, width):
    mesh = plsc.VectorSubcoreMesh(core_axis_name="c", subcore_axis_name="s")
    scratch = [
        pltpu.VMEM((8, CHUNK), jnp.int32),
        pltpu.VMEM((NBUF * CHUNK, width), jnp.float32),
        pltpu.VMEM_SHARED((NPAD, width), jnp.float32),
        pltpu.SemaphoreType.DMA((NBUF,)),
        pltpu.SemaphoreType.DMA((NBUF,)),
        pltpu.SemaphoreType.DMA((NBUF,)),
    ]

    @functools.partial(
        pl.kernel, mesh=mesh,
        out_type=jax.ShapeDtypeStruct((NC, NPAD, width), jnp.float32),
        scratch_types=scratch)
    def k(p_hbm, src_hbm, dst_hbm, z_hbm, out_hbm, idx_v, ring, acc,
          isem, gsem, ssem):
        c = lax.axis_index("c")
        s = lax.axis_index("s")
        wid = c * NS + s
        base = s * RPS
        @pl.when(s < NS - 1)
        def _():
            pltpu.sync_copy(z_hbm, acc.at[pl.ds(base, RPS)])
        @pl.when(s == NS - 1)
        def _():
            pltpu.sync_copy(z_hbm.at[pl.ds(0, LRPS)], acc.at[pl.ds(base, LRPS)])
        plsc.subcore_barrier()

        def i_descs(j, b):
            return (pltpu.make_async_copy(src_hbm.at[wid * PC + j],
                                          idx_v.at[b], isem.at[b]),
                    pltpu.make_async_copy(dst_hbm.at[wid * PC + j],
                                          idx_v.at[4 + b], isem.at[b]))
        def g_desc(j, b):
            return pltpu.make_async_copy(
                p_hbm.at[idx_v.at[b]],
                ring.at[pl.ds(b * CHUNK, CHUNK)], gsem.at[b])
        def s_desc(j, b):
            return pltpu.make_async_copy(
                ring.at[pl.ds(b * CHUNK, CHUNK)],
                acc.at[idx_v.at[4 + b]], ssem.at[b])

        @pl.loop(0, PC + 2)
        def _(t):
            @pl.when(t >= 2)
            def _():
                j = t - 2
                b = lax.rem(j, NBUF)
                g_desc(j, b).wait()
                pltpu.async_copy(ring.at[pl.ds(b * CHUNK, CHUNK)],
                                 acc.at[idx_v.at[4 + b]], ssem.at[b],
                                 add=True)
            @pl.when(t < PC)
            def _():
                b = lax.rem(t, NBUF)
                @pl.when(t >= NBUF)
                def _():
                    s_desc(t - NBUF, b).wait()
                d0, d1 = i_descs(t, b)
                d0.start()
                d1.start()
            @pl.when(jnp.logical_and(t >= 1, t <= PC))
            def _():
                j = t - 1
                b = lax.rem(j, NBUF)
                d0, d1 = i_descs(j, b)
                d0.wait()
                d1.wait()
                g_desc(j, b).start()
        @pl.loop(PC - NBUF, PC)
        def _(j):
            s_desc(j, lax.rem(j, NBUF)).wait()

        plsc.subcore_barrier()
        @pl.when(s < NS - 1)
        def _():
            pltpu.sync_copy(acc.at[pl.ds(base, RPS)],
                            out_hbm.at[c, pl.ds(base, RPS)])
        @pl.when(s == NS - 1)
        def _():
            pltpu.sync_copy(acc.at[pl.ds(base, LRPS)],
                            out_hbm.at[c, pl.ds(base, LRPS)])

    z = jnp.zeros((RPS, width), jnp.float32)
    return k(p, src_b.reshape(NW * PC, CHUNK), dst_b.reshape(NW * PC, CHUNK), z)


def _deg_sc(dst_b):
    mesh = plsc.VectorSubcoreMesh(core_axis_name="c", subcore_axis_name="s")
    scratch = [
        pltpu.VMEM((PC, CHUNK), jnp.int32),
        pltpu.VMEM((CHUNK, H), jnp.float32),
        pltpu.VMEM_SHARED((NPAD, H), jnp.float32),
        pltpu.SemaphoreType.DMA,
    ]

    @functools.partial(
        pl.kernel, mesh=mesh,
        out_type=jax.ShapeDtypeStruct((NC, NPAD, H), jnp.float32),
        scratch_types=scratch)
    def k(dst_hbm, z_hbm, ones_hbm, cnt_hbm, dst_v, ones_v, acc, sem):
        c = lax.axis_index("c")
        s = lax.axis_index("s")
        wid = c * NS + s
        base = s * RPS
        pltpu.sync_copy(dst_hbm.at[wid], dst_v)
        pltpu.sync_copy(ones_hbm, ones_v)
        @pl.when(s < NS - 1)
        def _():
            pltpu.sync_copy(z_hbm, acc.at[pl.ds(base, RPS)])
        @pl.when(s == NS - 1)
        def _():
            pltpu.sync_copy(z_hbm.at[pl.ds(0, LRPS)], acc.at[pl.ds(base, LRPS)])
        plsc.subcore_barrier()
        DEPTH = 4
        for j in range(DEPTH):
            pltpu.async_copy(ones_v, acc.at[dst_v.at[j]], sem, add=True)
        @pl.loop(DEPTH, PC)
        def _(j):
            pltpu.make_async_copy(ones_v, acc.at[dst_v.at[j - DEPTH]],
                                  sem).wait()
            pltpu.async_copy(ones_v, acc.at[dst_v.at[j]], sem, add=True)
        @pl.loop(PC - DEPTH, PC)
        def _(j):
            pltpu.make_async_copy(ones_v, acc.at[dst_v.at[j]], sem).wait()
        plsc.subcore_barrier()
        @pl.when(s < NS - 1)
        def _():
            pltpu.sync_copy(acc.at[pl.ds(base, RPS)],
                            cnt_hbm.at[c, pl.ds(base, RPS)])
        @pl.when(s == NS - 1)
        def _():
            pltpu.sync_copy(acc.at[pl.ds(base, LRPS)],
                            cnt_hbm.at[c, pl.ds(base, LRPS)])

    z = jnp.zeros((RPS, H), jnp.float32)
    ones = jnp.ones((CHUNK, H), jnp.float32)
    return k(dst_b, z, ones)


_PREC = lax.Precision.DEFAULT


def _prep0(x, Ws, Wn, b):
    def body(x_ref, ws_ref, wn_ref, b_ref, s_ref, p_ref):
        xv = x_ref[...]
        s_ref[...] = jnp.dot(xv, ws_ref[...], precision=_PREC) + b_ref[...]
        p_ref[...] = jnp.dot(xv, wn_ref[...], precision=_PREC)
    return pl.pallas_call(
        body,
        out_shape=(jax.ShapeDtypeStruct((N, H), jnp.float32),
                   jax.ShapeDtypeStruct((N, H), jnp.float32)),
    )(x, Ws, Wn, b.reshape(1, H))


def _combine(s_prev, part, cnt, Ws, Wn, b):
    def body(s_ref, part_ref, cnt_ref, ws_ref, wn_ref, b_ref, s_ref_o, p_ref_o):
        agg = part_ref[0, :N, :] + part_ref[1, :N, :]
        deg = cnt_ref[0, :N, 0:1] + cnt_ref[1, :N, 0:1]
        inv = 1.0 / jnp.maximum(deg, 1.0)
        h = jax.nn.relu(s_ref[...] + agg * inv)
        s_ref_o[...] = jnp.dot(h, ws_ref[...], precision=_PREC) + b_ref[...]
        p_ref_o[...] = jnp.dot(h, wn_ref[...], precision=_PREC)
    ow = Ws.shape[1]
    return pl.pallas_call(
        body,
        out_shape=(jax.ShapeDtypeStruct((N, ow), jnp.float32),
                   jax.ShapeDtypeStruct((N, ow), jnp.float32)),
    )(s_prev, part, cnt, Ws, Wn, b.reshape(1, ow))


def _final(s_prev, part, cnt):
    def body(s_ref, part_ref, cnt_ref, out_ref):
        agg = part_ref[0, :N, :] + part_ref[1, :N, :]
        deg = cnt_ref[0, :N, 0:1] + cnt_ref[1, :N, 0:1]
        inv = 1.0 / jnp.maximum(deg, 1.0)
        out_ref[...] = (s_ref[...] + agg * inv)[:, :C]
    return pl.pallas_call(
        body,
        out_shape=jax.ShapeDtypeStruct((N, C), jnp.float32),
    )(s_prev, part, cnt)


def kernel(x, edge_index, W_self0, W_neigh0, b0, W_self1, W_neigh1, b1,
           W_self2, W_neigh2, b2):
    src = edge_index[0]
    dst = edge_index[1]
    pad = EPAD - E
    src_b = jnp.concatenate([src, jnp.zeros((pad,), jnp.int32)]).reshape(NW, PC, CHUNK)
    dst_b = jnp.concatenate([dst, jnp.full((pad,), N, jnp.int32)]).reshape(NW, PC, CHUNK)

    cnt = _deg_sc(dst_b)
    s0, p0 = _prep0(x, W_self0, W_neigh0, b0)
    part0 = _agg_sc(p0, src_b, dst_b, H)
    s1, p1 = _combine(s0, part0, cnt, W_self1, W_neigh1, b1)
    part1 = _agg_sc(p1, src_b, dst_b, H)
    Ws2 = jnp.pad(W_self2, ((0, 0), (0, H - C)))
    Wn2 = jnp.pad(W_neigh2, ((0, 0), (0, H - C)))
    b2p = jnp.pad(b2, (0, H - C))
    s2, p2 = _combine(s1, part1, cnt, Ws2, Wn2, b2p)
    part2 = _agg_sc(p2, src_b, dst_b, H)
    return _final(s2, part2, cnt)

# --- scband reference (transcript-rebuilt; emitter-appended) ---
"""Pipeline reference for scband-sage-1494648619341 (READ-ONLY COPY).

The authoritative reference and input builder live on the scoring server;
editing this copy changes nothing except your own understanding.
"""

import jax, jax.numpy as jnp
import numpy as np

N = 10000
E = 320000
D = 128
H = 128
C = 47


def setup_inputs(seed: int = 0) -> dict:
    key = jax.random.key(seed)
    ks = jax.random.split(key, 12)
    x = jax.random.normal(ks[0], (N, D), dtype=jnp.float32)
    edge_index = jax.random.randint(ks[1], (2, E), 0, N, dtype=jnp.int32)
    W_self0 = jax.random.normal(ks[2], (D, H), dtype=jnp.float32) * (1.0 / np.sqrt(D))
    W_neigh0 = jax.random.normal(ks[3], (D, H), dtype=jnp.float32) * (1.0 / np.sqrt(D))
    b0 = jnp.zeros((H,), dtype=jnp.float32)
    W_self1 = jax.random.normal(ks[4], (H, H), dtype=jnp.float32) * (1.0 / np.sqrt(H))
    W_neigh1 = jax.random.normal(ks[5], (H, H), dtype=jnp.float32) * (1.0 / np.sqrt(H))
    b1 = jnp.zeros((H,), dtype=jnp.float32)
    W_self2 = jax.random.normal(ks[6], (H, C), dtype=jnp.float32) * (1.0 / np.sqrt(H))
    W_neigh2 = jax.random.normal(ks[7], (H, C), dtype=jnp.float32) * (1.0 / np.sqrt(H))
    b2 = jnp.zeros((C,), dtype=jnp.float32)
    return {"x": x, "edge_index": edge_index,
            "W_self0": W_self0, "W_neigh0": W_neigh0, "b0": b0,
            "W_self1": W_self1, "W_neigh1": W_neigh1, "b1": b1,
            "W_self2": W_self2, "W_neigh2": W_neigh2, "b2": b2}


def _sage_conv(h, edge_index, W_self, W_neigh, b):
    # GraphSAGE mean aggregator: out = h @ W_self + mean_{src->dst}(h_src) @ W_neigh + b
    src = edge_index[0]
    dst = edge_index[1]
    msgs = h[src]  # gather (SparseCore)
    agg = jax.ops.segment_sum(msgs, dst, num_segments=N)  # scatter-add
    deg = jax.ops.segment_sum(jnp.ones((edge_index.shape[1],), dtype=h.dtype), dst, num_segments=N)
    mean = agg / jnp.clip(deg, 1.0, None)[:, None]
    return h @ W_self + mean @ W_neigh + b


def reference(x, edge_index, W_self0, W_neigh0, b0, W_self1, W_neigh1, b1, W_self2, W_neigh2, b2):
    # layer 0
    h = _sage_conv(x, edge_index, W_self0, W_neigh0, b0)
    h = jax.nn.relu(h)  # activation; dropout is identity in eval mode
    # layer 1
    h = _sage_conv(h, edge_index, W_self1, W_neigh1, b1)
    h = jax.nn.relu(h)
    # layer 2 (output)
    h = _sage_conv(h, edge_index, W_self2, W_neigh2, b2)
    return h

if __name__ == "__main__":
    import jax
    _d = setup_inputs()
    print(jax.jit(kernel)(*tuple(_d.values())))

</pallas_src>

<mosaic_0001>
#map = affine_map<(d0, d1) -> (0, 0)>
#map1 = affine_map<(d0, d1) -> (0, 0, 0)>
module attributes {stable_mosaic.version = 14 : i64} {
  func.func @k(%arg0: i32, %arg1: i32, %arg2: memref<10000x128xf32, #tpu.memory_space<hbm>>, %arg3: memref<2528x128xi32, #tpu.memory_space<hbm>>, %arg4: memref<2528x128xi32, #tpu.memory_space<hbm>>, %arg5: memref<632x128xf32, #tpu.memory_space<hbm>>, %arg6: memref<2x10104x128xf32, #tpu.memory_space<hbm>>, %arg7: memref<8x128xi32, #tpu.memory_space<vmem>>, %arg8: memref<384x128xf32, #tpu.memory_space<vmem>>, %arg9: memref<10104x128xf32, #tpu.memory_space<vmem_shared>>, %arg10: memref<3x!tpu.dma_semaphore, #tpu.memory_space<semaphore_mem>>, %arg11: memref<3x!tpu.dma_semaphore, #tpu.memory_space<semaphore_mem>>, %arg12: memref<3x!tpu.dma_semaphore, #tpu.memory_space<semaphore_mem>>) attributes {dimension_semantics = [#tpu.dimension_semantics<core_parallel>, #tpu.dimension_semantics<subcore_parallel>], iteration_bounds = array<i64: 2, 16>, scalar_prefetch = 0 : i64, scratch_operands = 6 : i64, tpu.core_type = #tpu.core_type<sc_vector_subcore>, window_params = [{transform_indices = #map}, {transform_indices = #map}, {transform_indices = #map}, {transform_indices = #map}, {transform_indices = #map1}]} {
    %mul3A = arith.constant 16 : i32
    %mul3A_0 = arith.muli %arg0, %mul3A : i32
    %add3A = arith.addi %mul3A_0, %arg1 : i32
    %mul3A_1 = arith.constant 632 : i32
    %mul3A_2 = arith.muli %arg1, %mul3A_1 : i32
    %lt3A = arith.constant 15 : i32
    %lt3A_3 = arith.cmpi slt, %arg1, %lt3A : i32
    %convert_element_type3A = arith.extui %lt3A_3 : i1 to i32
    %cond3A = arith.constant 0 : i32
    %cond3A_4 = arith.cmpi ne, %convert_element_type3A, %cond3A : i32
    scf.if %cond3A_4 {
      "tpu.region"() ({
        %run_scoped3A = tpu.sem_alloc : memref<!tpu.dma_semaphore, #tpu.memory_space<semaphore_mem>>
        %dma_start3A = arith.constant 0 : i32
        %dma_start3A_29 = tpu.memref_slice %arg9[%mul3A_2, %dma_start3A] : memref<10104x128xf32, #tpu.memory_space<vmem_shared>> -> memref<632x128xf32, #tpu.memory_space<vmem_shared>>
        tpu.enqueue_dma source(%arg5 : memref<632x128xf32, #tpu.memory_space<hbm>>) target(%dma_start3A_29 : memref<632x128xf32, #tpu.memory_space<vmem_shared>>) target_semaphore(%run_scoped3A : memref<!tpu.dma_semaphore, #tpu.memory_space<semaphore_mem>>)
        %dma_wait3A = arith.constant 0 : i32
        %dma_wait3A_30 = tpu.memref_slice %arg9[%mul3A_2, %dma_wait3A] : memref<10104x128xf32, #tpu.memory_space<vmem_shared>> -> memref<632x128xf32, #tpu.memory_space<vmem_shared>>
        tpu.wait_dma2 semaphore(%run_scoped3A : memref<!tpu.dma_semaphore, #tpu.memory_space<semaphore_mem>>) src(%arg5 : memref<632x128xf32, #tpu.memory_space<hbm>>) dst(%dma_wait3A_30 : memref<632x128xf32, #tpu.memory_space<vmem_shared>>)
        tpu.yield
      }) : () -> ()
    } else {
    }
    %eq3A = arith.constant 15 : i32
    %eq3A_5 = arith.cmpi eq, %arg1, %eq3A : i32
    %convert_element_type3A_6 = arith.extui %eq3A_5 : i1 to i32
    %cond3A_7 = arith.constant 0 : i32
    %cond3A_8 = arith.cmpi ne, %convert_element_type3A_6, %cond3A_7 : i32
    scf.if %cond3A_8 {
      "tpu.region"() ({
        %run_scoped3A = tpu.sem_alloc : memref<!tpu.dma_semaphore, #tpu.memory_space<semaphore_mem>>
        %dma_start3A = arith.constant 0 : i32
        %dma_start3A_29 = tpu.memref_slice %arg9[%mul3A_2, %dma_start3A] : memref<10104x128xf32, #tpu.memory_space<vmem_shared>> -> memref<624x128xf32, #tpu.memory_space<vmem_shared>>
        %dma_start3A_30 = arith.constant 0 : i32
        %dma_start3A_31 = arith.constant 0 : i32
        %dma_start3A_32 = tpu.memref_slice %arg5[%dma_start3A_30, %dma_start3A_31] : memref<632x128xf32, #tpu.memory_space<hbm>> -> memref<624x128xf32, #tpu.memory_space<hbm>>
        tpu.enqueue_dma source(%dma_start3A_32 : memref<624x128xf32, #tpu.memory_space<hbm>>) target(%dma_start3A_29 : memref<624x128xf32, #tpu.memory_space<vmem_shared>>) target_semaphore(%run_scoped3A : memref<!tpu.dma_semaphore, #tpu.memory_space<semaphore_mem>>)
        %dma_wait3A = arith.constant 0 : i32
        %dma_wait3A_33 = tpu.memref_slice %arg9[%mul3A_2, %dma_wait3A] : memref<10104x128xf32, #tpu.memory_space<vmem_shared>> -> memref<624x128xf32, #tpu.memory_space<vmem_shared>>
        %dma_wait3A_34 = arith.constant 0 : i32
        %dma_wait3A_35 = arith.constant 0 : i32
        %dma_wait3A_36 = tpu.memref_slice %arg5[%dma_wait3A_34, %dma_wait3A_35] : memref<632x128xf32, #tpu.memory_space<hbm>> -> memref<624x128xf32, #tpu.memory_space<hbm>>
        tpu.wait_dma2 semaphore(%run_scoped3A : memref<!tpu.dma_semaphore, #tpu.memory_space<semaphore_mem>>) src(%dma_wait3A_36 : memref<624x128xf32, #tpu.memory_space<hbm>>) dst(%dma_wait3A_33 : memref<624x128xf32, #tpu.memory_space<vmem_shared>>)
        tpu.yield
      }) : () -> ()
    } else {
    }
    %barrier3A = arith.constant 0 : index
    tpu.barrier barrier_id(%barrier3A)
    %scan3A = arith.constant 0 : i32
    %scan3A_9 = arith.constant 81 : i32
    %scan3A_10 = arith.addi %scan3A, %scan3A_9 : i32
    %scan3A_11 = arith.constant 1 : i32
    scf.for %scan3A_29 = %scan3A to %scan3A_10 step %scan3A_11  : i32 {
      %mul3A_30 = arith.constant 1 : i32
      %mul3A_31 = arith.muli %scan3A_29, %mul3A_30 : i32
      %add3A_32 = arith.constant 0 : i32
      %add3A_33 = arith.addi %add3A_32, %mul3A_31 : i32
      %ge3A = arith.constant 2 : i32
      %ge3A_34 = arith.cmpi sge, %add3A_33, %ge3A : i32
      %convert_element_type3A_35 = arith.extui %ge3A_34 : i1 to i32
      %cond3A_36 = arith.constant 0 : i32
      %cond3A_37 = arith.cmpi ne, %convert_element_type3A_35, %cond3A_36 : i32
      scf.if %cond3A_37 {
        %sub3A = arith.constant 2 : i32
        %sub3A_49 = arith.subi %add3A_33, %sub3A : i32
        %rem3A = arith.constant 3 : i32
        %rem3A_50 = arith.remsi %sub3A_49, %rem3A : i32
        %mul3A_51 = arith.constant 128 : i32
        %mul3A_52 = arith.muli %rem3A_50, %mul3A_51 : i32
        %dma_wait3A = arith.constant 0 : i32
        %dma_wait3A_53 = tpu.memref_slice %arg8[%mul3A_52, %dma_wait3A] : memref<384x128xf32, #tpu.memory_space<vmem>> -> memref<128x128xf32, #tpu.memory_space<vmem>>
        %dma_wait3A_54 = arith.constant 0 : i32
        %dma_wait3A_55 = tpu.memref_slice %arg7[%rem3A_50, %dma_wait3A_54] : memref<8x128xi32, #tpu.memory_space<vmem>> -> memref<1x128xi32, #tpu.memory_space<vmem>>
        %dma_wait3A_56 = tpu.memref_squeeze %dma_wait3A_55 : memref<1x128xi32, #tpu.memory_space<vmem>> -> memref<128xi32, #tpu.memory_space<vmem>>
        %dma_wait3A_57 = arith.constant 0 : i32
        %dma_wait3A_58 = arith.constant 0 : i32
        %dma_wait3A_59 = tpu.memref_slice %arg2[%dma_wait3A_57, %dma_wait3A_58] : memref<10000x128xf32, #tpu.memory_space<hbm>> -> memref<10000x128xf32, #tpu.memory_space<hbm>>
        %dma_wait3A_60 = tpu.memref_slice %arg11[%rem3A_50] : memref<3x!tpu.dma_semaphore, #tpu.memory_space<semaphore_mem>> -> memref<1x!tpu.dma_semaphore, #tpu.memory_space<semaphore_mem>>
        %dma_wait3A_61 = tpu.memref_squeeze %dma_wait3A_60 : memref<1x!tpu.dma_semaphore, #tpu.memory_space<semaphore_mem>> -> memref<!tpu.dma_semaphore, #tpu.memory_space<semaphore_mem>>
        tpu.wait_indirect_dma semaphore(%dma_wait3A_61 : memref<!tpu.dma_semaphore, #tpu.memory_space<semaphore_mem>>) src(%dma_wait3A_59 : memref<10000x128xf32, #tpu.memory_space<hbm>>) dst(%dma_wait3A_53 : memref<128x128xf32, #tpu.memory_space<vmem>>)
        %mul3A_62 = arith.constant 128 : i32
        %mul3A_63 = arith.muli %rem3A_50, %mul3A_62 : i32
        %add3A_64 = arith.constant 4 : i32
        %add3A_65 = arith.addi %add3A_64, %rem3A_50 : i32
        %dma_start3A = arith.constant 0 : i32
        %dma_start3A_66 = tpu.memref_slice %arg8[%mul3A_63, %dma_start3A] : memref<384x128xf32, #tpu.memory_space<vmem>> -> memref<128x128xf32, #tpu.memory_space<vmem>>
        %dma_start3A_67 = arith.constant 0 : i32
        %dma_start3A_68 = tpu.memref_slice %arg7[%add3A_65, %dma_start3A_67] : memref<8x128xi32, #tpu.memory_space<vmem>> -> memref<1x128xi32, #tpu.memory_space<vmem>>
        %dma_start3A_69 = tpu.memref_squeeze %dma_start3A_68 : memref<1x128xi32, #tpu.memory_space<vmem>> -> memref<128xi32, #tpu.memory_space<vmem>>
        %dma_start3A_70 = arith.constant 0 : i32
        %dma_start3A_71 = arith.constant 0 : i32
        %dma_start3A_72 = tpu.memref_slice %arg9[%dma_start3A_70, %dma_start3A_71] : memref<10104x128xf32, #tpu.memory_space<vmem_shared>> -> memref<10104x128xf32, #tpu.memory_space<vmem_shared>>
        %dma_start3A_73 = tpu.memref_slice %arg12[%rem3A_50] : memref<3x!tpu.dma_semaphore, #tpu.memory_space<semaphore_mem>> -> memref<1x!tpu.dma_semaphore, #tpu.memory_space<semaphore_mem>>
        %dma_start3A_74 = tpu.memref_squeeze %dma_start3A_73 : memref<1x!tpu.dma_semaphore, #tpu.memory_space<semaphore_mem>> -> memref<!tpu.dma_semaphore, #tpu.memory_space<semaphore_mem>>
        tpu.enqueue_indirect_dma source(%dma_start3A_66 : memref<128x128xf32, #tpu.memory_space<vmem>>) target(%dma_start3A_72 : memref<10104x128xf32, #tpu.memory_space<vmem_shared>>) offsets(%dma_start3A_69 : memref<128xi32, #tpu.memory_space<vmem>>) semaphore(%dma_start3A_74 : memref<!tpu.dma_semaphore, #tpu.memory_space<semaphore_mem>>) {add = true}
      } else {
      }
      %lt3A_38 = arith.constant 79 : i32
      %lt3A_39 = arith.cmpi slt, %add3A_33, %lt3A_38 : i32
      %convert_element_type3A_40 = arith.extui %lt3A_39 : i1 to i32
      %cond3A_41 = arith.constant 0 : i32
      %cond3A_42 = arith.cmpi ne, %convert_element_type3A_40, %cond3A_41 : i32
      scf.if %cond3A_42 {
        %rem3A = arith.constant 3 : i32
        %rem3A_49 = arith.remsi %add3A_33, %rem3A : i32
        %ge3A_50 = arith.constant 3 : i32
        %ge3A_51 = arith.cmpi sge, %add3A_33, %ge3A_50 : i32
        %convert_element_type3A_52 = arith.extui %ge3A_51 : i1 to i32
        %cond3A_53 = arith.constant 0 : i32
        %cond3A_54 = arith.cmpi ne, %convert_element_type3A_52, %cond3A_53 : i32
        scf.if %cond3A_54 {
          %sub3A = arith.constant 3 : i32
          %sub3A_90 = arith.subi %add3A_33, %sub3A : i32
          %mul3A_91 = arith.constant 128 : i32
          %mul3A_92 = arith.muli %rem3A_49, %mul3A_91 : i32
          %add3A_93 = arith.constant 4 : i32
          %add3A_94 = arith.addi %add3A_93, %rem3A_49 : i32
          %dma_wait3A = arith.constant 0 : i32
          %dma_wait3A_95 = tpu.memref_slice %arg8[%mul3A_92, %dma_wait3A] : memref<384x128xf32, #tpu.memory_space<vmem>> -> memref<128x128xf32, #tpu.memory_space<vmem>>
          %dma_wait3A_96 = arith.constant 0 : i32
          %dma_wait3A_97 = tpu.memref_slice %arg7[%add3A_94, %dma_wait3A_96] : memref<8x128xi32, #tpu.memory_space<vmem>> -> memref<1x128xi32, #tpu.memory_space<vmem>>
          %dma_wait3A_98 = tpu.memref_squeeze %dma_wait3A_97 : memref<1x128xi32, #tpu.memory_space<vmem>> -> memref<128xi32, #tpu.memory_space<vmem>>
          %dma_wait3A_99 = arith.constant 0 : i32
          %dma_wait3A_100 = arith.constant 0 : i32
          %dma_wait3A_101 = tpu.memref_slice %arg9[%dma_wait3A_99, %dma_wait3A_100] : memref<10104x128xf32, #tpu.memory_space<vmem_shared>> -> memref<10104x128xf32, #tpu.memory_space<vmem_shared>>
          %dma_wait3A_102 = tpu.memref_slice %arg12[%rem3A_49] : memref<3x!tpu.dma_semaphore, #tpu.memory_space<semaphore_mem>> -> memref<1x!tpu.dma_semaphore, #tpu.memory_space<semaphore_mem>>
          %dma_wait3A_103 = tpu.memref_squeeze %dma_wait3A_102 : memref<1x!tpu.dma_semaphore, #tpu.memory_space<semaphore_mem>> -> memref<!tpu.dma_semaphore, #tpu.memory_space<semaphore_mem>>
          tpu.wait_indirect_dma semaphore(%dma_wait3A_103 : memref<!tpu.dma_semaphore, #tpu.memory_space<semaphore_mem>>) src(%dma_wait3A_95 : memref<128x128xf32, #tpu.memory_space<vmem>>) dst(%dma_wait3A_101 : memref<10104x128xf32, #tpu.memory_space<vmem_shared>>)
        } else {
        }
        %mul3A_55 = arith.constant 79 : i32
        %mul3A_56 = arith.muli %add3A, %mul3A_55 : i32
        %add3A_57 = arith.addi %mul3A_56, %add3A_33 : i32
        %mul3A_58 = arith.constant 79 : i32
        %mul3A_59 = arith.muli %add3A, %mul3A_58 : i32
        %add3A_60 = arith.addi %mul3A_59, %add3A_33 : i32
        %add3A_61 = arith.constant 4 : i32
        %add3A_62 = arith.addi %add3A_61, %rem3A_49 : i32
        %dma_start3A = arith.constant 0 : i32
        %dma_start3A_63 = tpu.memref_slice %arg7[%rem3A_49, %dma_start3A] : memref<8x128xi32, #tpu.memory_space<vmem>> -> memref<1x128xi32, #tpu.memory_space<vmem>>
        %dma_start3A_64 = tpu.memref_squeeze %dma_start3A_63 : memref<1x128xi32, #tpu.memory_space<vmem>> -> memref<128xi32, #tpu.memory_space<vmem>>
        %dma_start3A_65 = arith.constant 0 : i32
        %dma_start3A_66 = tpu.memref_slice %arg3[%add3A_57, %dma_start3A_65] : memref<2528x128xi32, #tpu.memory_space<hbm>> -> memref<1x128xi32, #tpu.memory_space<hbm>>
        %dma_start3A_67 = tpu.memref_squeeze %dma_start3A_66 : memref<1x128xi32, #tpu.memory_space<hbm>> -> memref<128xi32, #tpu.memory_space<hbm>>
        %dma_start3A_68 = tpu.memref_slice %arg10[%rem3A_49] : memref<3x!tpu.dma_semaphore, #tpu.memory_space<semaphore_mem>> -> memref<1x!tpu.dma_semaphore, #tpu.memory_space<semaphore_mem>>
        %dma_start3A_69 = tpu.memref_squeeze %dma_start3A_68 : memref<1x!tpu.dma_semaphore, #tpu.memory_space<semaphore_mem>> -> memref<!tpu.dma_semaphore, #tpu.memory_space<semaphore_mem>>
        %dma_start3A_70 = arith.constant 0 : i32
        %dma_start3A_71 = tpu.memref_slice %arg7[%rem3A_49, %dma_start3A_70] : memref<8x128xi32, #tpu.memory_space<vmem>> -> memref<1x128xi32, #tpu.memory_space<vmem>>
        %dma_start3A_72 = tpu.memref_squeeze %dma_start3A_71 : memref<1x128xi32, #tpu.memory_space<vmem>> -> memref<128xi32, #tpu.memory_space<vmem>>
        %dma_start3A_73 = arith.constant 0 : i32
        %dma_start3A_74 = tpu.memref_slice %arg3[%add3A_57, %dma_start3A_73] : memref<2528x128xi32, #tpu.memory_space<hbm>> -> memref<1x128xi32, #tpu.memory_space<hbm>>
        %dma_start3A_75 = tpu.memref_squeeze %dma_start3A_74 : memref<1x128xi32, #tpu.memory_space<hbm>> -> memref<128xi32, #tpu.memory_space<hbm>>
        tpu.enqueue_dma source(%dma_start3A_75 : memref<128xi32, #tpu.memory_space<hbm>>) target(%dma_start3A_72 : memref<128xi32, #tpu.memory_space<vmem>>) target_semaphore(%dma_start3A_69 : memref<!tpu.dma_semaphore, #tpu.memory_space<semaphore_mem>>)
        %dma_start3A_76 = arith.constant 0 : i32
        %dma_start3A_77 = tpu.memref_slice %arg7[%add3A_62, %dma_start3A_76] : memref<8x128xi32, #tpu.memory_space<vmem>> -> memref<1x128xi32, #tpu.memory_space<vmem>>
        %dma_start3A_78 = tpu.memref_squeeze %dma_start3A_77 : memref<1x128xi32, #tpu.memory_space<vmem>> -> memref<128xi32, #tpu.memory_space<vmem>>
        %dma_start3A_79 = arith.constant 0 : i32
        %dma_start3A_80 = tpu.memref_slice %arg4[%add3A_60, %dma_start3A_79] : memref<2528x128xi32, #tpu.memory_space<hbm>> -> memref<1x128xi32, #tpu.memory_space<hbm>>
        %dma_start3A_81 = tpu.memref_squeeze %dma_start3A_80 : memref<1x128xi32, #tpu.memory_space<hbm>> -> memref<128xi32, #tpu.memory_space<hbm>>
        %dma_start3A_82 = tpu.memref_slice %arg10[%rem3A_49] : memref<3x!tpu.dma_semaphore, #tpu.memory_space<semaphore_mem>> -> memref<1x!tpu.dma_semaphore, #tpu.memory_space<semaphore_mem>>
        %dma_start3A_83 = tpu.memref_squeeze %dma_start3A_82 : memref<1x!tpu.dma_semaphore, #tpu.memory_space<semaphore_mem>> -> memref<!tpu.dma_semaphore, #tpu.memory_space<semaphore_mem>>
        %dma_start3A_84 = arith.constant 0 : i32
        %dma_start3A_85 = tpu.memref_slice %arg7[%add3A_62, %dma_start3A_84] : memref<8x128xi32, #tpu.memory_space<vmem>> -> memref<1x128xi32, #tpu.memory_space<vmem>>
        %dma_start3A_86 = tpu.memref_squeeze %dma_start3A_85 : memref<1x128xi32, #tpu.memory_space<vmem>> -> memref<128xi32, #tpu.memory_space<vmem>>
        %dma_start3A_87 = arith.constant 0 : i32
        %dma_start3A_88 = tpu.memref_slice %arg4[%add3A_60, %dma_start3A_87] : memref<2528x128xi32, #tpu.memory_space<hbm>> -> memref<1x128xi32, #tpu.memory_space<hbm>>
        %dma_start3A_89 = tpu.memref_squeeze %dma_start3A_88 : memref<1x128xi32, #tpu.memory_space<hbm>> -> memref<128xi32, #tpu.memory_space<hbm>>
        tpu.enqueue_dma source(%dma_start3A_89 : memref<128xi32, #tpu.memory_space<hbm>>) target(%dma_start3A_86 : memref<128xi32, #tpu.memory_space<vmem>>) target_semaphore(%dma_start3A_83 : memref<!tpu.dma_semaphore, #tpu.memory_space<semaphore_mem>>)
      } else {
      }
      %ge3A_43 = arith.constant 1 : i32
      %ge3A_44 = arith.cmpi sge, %add3A_33, %ge3A_43 : i32
      %le3A = arith.constant 79 : i32
      %le3A_45 = arith.cmpi sle, %add3A_33, %le3A : i32
      %and3A = arith.andi %ge3A_44, %le3A_45 : i1
      %convert_element_type3A_46 = arith.extui %and3A : i1 to i32
      %cond3A_47 = arith.constant 0 : i32
      %cond3A_48 = arith.cmpi ne, %convert_element_type3A_46, %cond3A_47 : i32
      scf.if %cond3A_48 {
        %sub3A = arith.constant 1 : i32
        %sub3A_49 = arith.subi %add3A_33, %sub3A : i32
        %rem3A = arith.constant 3 : i32
        %rem3A_50 = arith.remsi %sub3A_49, %rem3A : i32
        %mul3A_51 = arith.constant 79 : i32
        %mul3A_52 = arith.muli %add3A, %mul3A_51 : i32
        %add3A_53 = arith.addi %mul3A_52, %sub3A_49 : i32
        %mul3A_54 = arith.constant 79 : i32
        %mul3A_55 = arith.muli %add3A, %mul3A_54 : i32
        %add3A_56 = arith.addi %mul3A_55, %sub3A_49 : i32
        %add3A_57 = arith.constant 4 : i32
        %add3A_58 = arith.addi %add3A_57, %rem3A_50 : i32
        %dma_wait3A = arith.constant 0 : i32
        %dma_wait3A_59 = tpu.memref_slice %arg7[%rem3A_50, %dma_wait3A] : memref<8x128xi32, #tpu.memory_space<vmem>> -> memref<1x128xi32, #tpu.memory_space<vmem>>
        %dma_wait3A_60 = tpu.memref_squeeze %dma_wait3A_59 : memref<1x128xi32, #tpu.memory_space<vmem>> -> memref<128xi32, #tpu.memory_space<vmem>>
        %dma_wait3A_61 = arith.constant 0 : i32
        %dma_wait3A_62 = tpu.memref_slice %arg3[%add3A_53, %dma_wait3A_61] : memref<2528x128xi32, #tpu.memory_space<hbm>> -> memref<1x128xi32, #tpu.memory_space<hbm>>
        %dma_wait3A_63 = tpu.memref_squeeze %dma_wait3A_62 : memref<1x128xi32, #tpu.memory_space<hbm>> -> memref<128xi32, #tpu.memory_space<hbm>>
        %dma_wait3A_64 = tpu.memref_slice %arg10[%rem3A_50] : memref<3x!tpu.dma_semaphore, #tpu.memory_space<semaphore_mem>> -> memref<1x!tpu.dma_semaphore, #tpu.memory_space<semaphore_mem>>
        %dma_wait3A_65 = tpu.memref_squeeze %dma_wait3A_64 : memref<1x!tpu.dma_semaphore, #tpu.memory_space<semaphore_mem>> -> memref<!tpu.dma_semaphore, #tpu.memory_space<semaphore_mem>>
        %dma_wait3A_66 = arith.constant 0 : i32
        %dma_wait3A_67 = tpu.memref_slice %arg7[%rem3A_50, %dma_wait3A_66] : memref<8x128xi32, #tpu.memory_space<vmem>> -> memref<1x128xi32, #tpu.memory_space<vmem>>
        %dma_wait3A_68 = tpu.memref_squeeze %dma_wait3A_67 : memref<1x128xi32, #tpu.memory_space<vmem>> -> memref<128xi32, #tpu.memory_space<vmem>>
        %dma_wait3A_69 = arith.constant 0 : i32
        %dma_wait3A_70 = tpu.memref_slice %arg3[%add3A_53, %dma_wait3A_69] : memref<2528x128xi32, #tpu.memory_space<hbm>> -> memref<1x128xi32, #tpu.memory_space<hbm>>
        %dma_wait3A_71 = tpu.memref_squeeze %dma_wait3A_70 : memref<1x128xi32, #tpu.memory_space<hbm>> -> memref<128xi32, #tpu.memory_space<hbm>>
        tpu.wait_dma2 semaphore(%dma_wait3A_65 : memref<!tpu.dma_semaphore, #tpu.memory_space<semaphore_mem>>) src(%dma_wait3A_71 : memref<128xi32, #tpu.memory_space<hbm>>) dst(%dma_wait3A_68 : memref<128xi32, #tpu.memory_space<vmem>>)
        %dma_wait3A_72 = arith.constant 0 : i32
        %dma_wait3A_73 = tpu.memref_slice %arg7[%add3A_58, %dma_wait3A_72] : memref<8x128xi32, #tpu.memory_space<vmem>> -> memref<1x128xi32, #tpu.memory_space<vmem>>
        %dma_wait3A_74 = tpu.memref_squeeze %dma_wait3A_73 : memref<1x128xi32, #tpu.memory_space<vmem>> -> memref<128xi32, #tpu.memory_space<vmem>>
        %dma_wait3A_75 = arith.constant 0 : i32
        %dma_wait3A_76 = tpu.memref_slice %arg4[%add3A_56, %dma_wait3A_75] : memref<2528x128xi32, #tpu.memory_space<hbm>> -> memref<1x128xi32, #tpu.memory_space<hbm>>
        %dma_wait3A_77 = tpu.memref_squeeze %dma_wait3A_76 : memref<1x128xi32, #tpu.memory_space<hbm>> -> memref<128xi32, #tpu.memory_space<hbm>>
        %dma_wait3A_78 = tpu.memref_slice %arg10[%rem3A_50] : memref<3x!tpu.dma_semaphore, #tpu.memory_space<semaphore_mem>> -> memref<1x!tpu.dma_semaphore, #tpu.memory_space<semaphore_mem>>
        %dma_wait3A_79 = tpu.memref_squeeze %dma_wait3A_78 : memref<1x!tpu.dma_semaphore, #tpu.memory_space<semaphore_mem>> -> memref<!tpu.dma_semaphore, #tpu.memory_space<semaphore_mem>>
        %dma_wait3A_80 = arith.constant 0 : i32
        %dma_wait3A_81 = tpu.memref_slice %arg7[%add3A_58, %dma_wait3A_80] : memref<8x128xi32, #tpu.memory_space<vmem>> -> memref<1x128xi32, #tpu.memory_space<vmem>>
        %dma_wait3A_82 = tpu.memref_squeeze %dma_wait3A_81 : memref<1x128xi32, #tpu.memory_space<vmem>> -> memref<128xi32, #tpu.memory_space<vmem>>
        %dma_wait3A_83 = arith.constant 0 : i32
        %dma_wait3A_84 = tpu.memref_slice %arg4[%add3A_56, %dma_wait3A_83] : memref<2528x128xi32, #tpu.memory_space<hbm>> -> memref<1x128xi32, #tpu.memory_space<hbm>>
        %dma_wait3A_85 = tpu.memref_squeeze %dma_wait3A_84 : memref<1x128xi32, #tpu.memory_space<hbm>> -> memref<128xi32, #tpu.memory_space<hbm>>
        tpu.wait_dma2 semaphore(%dma_wait3A_79 : memref<!tpu.dma_semaphore, #tpu.memory_space<semaphore_mem>>) src(%dma_wait3A_85 : memref<128xi32, #tpu.memory_space<hbm>>) dst(%dma_wait3A_82 : memref<128xi32, #tpu.memory_space<vmem>>)
        %mul3A_86 = arith.constant 128 : i32
        %mul3A_87 = arith.muli %rem3A_50, %mul3A_86 : i32
        %dma_start3A = arith.constant 0 : i32
        %dma_start3A_88 = tpu.memref_slice %arg8[%mul3A_87, %dma_start3A] : memref<384x128xf32, #tpu.memory_space<vmem>> -> memref<128x128xf32, #tpu.memory_space<vmem>>
        %dma_start3A_89 = arith.constant 0 : i32
        %dma_start3A_90 = tpu.memref_slice %arg7[%rem3A_50, %dma_start3A_89] : memref<8x128xi32, #tpu.memory_space<vmem>> -> memref<1x128xi32, #tpu.memory_space<vmem>>
        %dma_start3A_91 = tpu.memref_squeeze %dma_start3A_90 : memref<1x128xi32, #tpu.memory_space<vmem>> -> memref<128xi32, #tpu.memory_space<vmem>>
        %dma_start3A_92 = arith.constant 0 : i32
        %dma_start3A_93 = arith.constant 0 : i32
        %dma_start3A_94 = tpu.memref_slice %arg2[%dma_start3A_92, %dma_start3A_93] : memref<10000x128xf32, #tpu.memory_space<hbm>> -> memref<10000x128xf32, #tpu.memory_space<hbm>>
        %dma_start3A_95 = tpu.memref_slice %arg11[%rem3A_50] : memref<3x!tpu.dma_semaphore, #tpu.memory_space<semaphore_mem>> -> memref<1x!tpu.dma_semaphore, #tpu.memory_space<semaphore_mem>>
        %dma_start3A_96 = tpu.memref_squeeze %dma_start3A_95 : memref<1x!tpu.dma_semaphore, #tpu.memory_space<semaphore_mem>> -> memref<!tpu.dma_semaphore, #tpu.memory_space<semaphore_mem>>
        tpu.enqueue_indirect_dma source(%dma_start3A_94 : memref<10000x128xf32, #tpu.memory_space<hbm>>) target(%dma_start3A_88 : memref<128x128xf32, #tpu.memory_space<vmem>>) offsets(%dma_start3A_91 : memref<128xi32, #tpu.memory_space<vmem>>) semaphore(%dma_start3A_96 : memref<!tpu.dma_semaphore, #tpu.memory_space<semaphore_mem>>)
      } else {
      }
    }
    %scan3A_12 = arith.constant 81 : i32
    %scan3A_13 = arith.constant 0 : i32
    %scan3A_14 = arith.constant 3 : i32
    %scan3A_15 = arith.addi %scan3A_13, %scan3A_14 : i32
    %scan3A_16 = arith.constant 1 : i32
    scf.for %scan3A_29 = %scan3A_13 to %scan3A_15 step %scan3A_16  : i32 {
      %mul3A_30 = arith.constant 1 : i32
      %mul3A_31 = arith.muli %scan3A_29, %mul3A_30 : i32
      %add3A_32 = arith.constant 76 : i32
      %add3A_33 = arith.addi %add3A_32, %mul3A_31 : i32
      %rem3A = arith.constant 3 : i32
      %rem3A_34 = arith.remsi %add3A_33, %rem3A : i32
      %mul3A_35 = arith.constant 128 : i32
      %mul3A_36 = arith.muli %rem3A_34, %mul3A_35 : i32
      %add3A_37 = arith.constant 4 : i32
      %add3A_38 = arith.addi %add3A_37, %rem3A_34 : i32
      %dma_wait3A = arith.constant 0 : i32
      %dma_wait3A_39 = tpu.memref_slice %arg8[%mul3A_36, %dma_wait3A] : memref<384x128xf32, #tpu.memory_space<vmem>> -> memref<128x128xf32, #tpu.memory_space<vmem>>
      %dma_wait3A_40 = arith.constant 0 : i32
      %dma_wait3A_41 = tpu.memref_slice %arg7[%add3A_38, %dma_wait3A_40] : memref<8x128xi32, #tpu.memory_space<vmem>> -> memref<1x128xi32, #tpu.memory_space<vmem>>
      %dma_wait3A_42 = tpu.memref_squeeze %dma_wait3A_41 : memref<1x128xi32, #tpu.memory_space<vmem>> -> memref<128xi32, #tpu.memory_space<vmem>>
      %dma_wait3A_43 = arith.constant 0 : i32
      %dma_wait3A_44 = arith.constant 0 : i32
      %dma_wait3A_45 = tpu.memref_slice %arg9[%dma_wait3A_43, %dma_wait3A_44] : memref<10104x128xf32, #tpu.memory_space<vmem_shared>> -> memref<10104x128xf32, #tpu.memory_space<vmem_shared>>
      %dma_wait3A_46 = tpu.memref_slice %arg12[%rem3A_34] : memref<3x!tpu.dma_semaphore, #tpu.memory_space<semaphore_mem>> -> memref<1x!tpu.dma_semaphore, #tpu.memory_space<semaphore_mem>>
      %dma_wait3A_47 = tpu.memref_squeeze %dma_wait3A_46 : memref<1x!tpu.dma_semaphore, #tpu.memory_space<semaphore_mem>> -> memref<!tpu.dma_semaphore, #tpu.memory_space<semaphore_mem>>
      tpu.wait_indirect_dma semaphore(%dma_wait3A_47 : memref<!tpu.dma_semaphore, #tpu.memory_space<semaphore_mem>>) src(%dma_wait3A_39 : memref<128x128xf32, #tpu.memory_space<vmem>>) dst(%dma_wait3A_45 : memref<10104x128xf32, #tpu.memory_space<vmem_shared>>)
    }
    %scan3A_17 = arith.constant 3 : i32
    %barrier3A_18 = arith.constant 0 : index
    tpu.barrier barrier_id(%barrier3A_18)
    %lt3A_19 = arith.constant 15 : i32
    %lt3A_20 = arith.cmpi slt, %arg1, %lt3A_19 : i32
    %convert_element_type3A_21 = arith.extui %lt3A_20 : i1 to i32
    %cond3A_22 = arith.constant 0 : i32
    %cond3A_23 = arith.cmpi ne, %convert_element_type3A_21, %cond3A_22 : i32
    scf.if %cond3A_23 {
      "tpu.region"() ({
        %run_scoped3A = tpu.sem_alloc : memref<!tpu.dma_semaphore, #tpu.memory_space<semaphore_mem>>
        %dma_start3A = arith.constant 0 : i32
        %dma_start3A_29 = tpu.memref_slice %arg6[%arg0, %mul3A_2, %dma_start3A] : memref<2x10104x128xf32, #tpu.memory_space<hbm>> -> memref<1x632x128xf32, #tpu.memory_space<hbm>>
        %dma_start3A_30 = tpu.memref_squeeze %dma_start3A_29 : memref<1x632x128xf32, #tpu.memory_space<hbm>> -> memref<632x128xf32, #tpu.memory_space<hbm>>
        %dma_start3A_31 = arith.constant 0 : i32
        %dma_start3A_32 = tpu.memref_slice %arg9[%mul3A_2, %dma_start3A_31] : memref<10104x128xf32, #tpu.memory_space<vmem_shared>> -> memref<632x128xf32, #tpu.memory_space<vmem_shared>>
        tpu.enqueue_dma source(%dma_start3A_32 : memref<632x128xf32, #tpu.memory_space<vmem_shared>>) target(%dma_start3A_30 : memref<632x128xf32, #tpu.memory_space<hbm>>) target_semaphore(%run_scoped3A : memref<!tpu.dma_semaphore, #tpu.memory_space<semaphore_mem>>)
        %dma_wait3A = arith.constant 0 : i32
        %dma_wait3A_33 = tpu.memref_slice %arg6[%arg0, %mul3A_2, %dma_wait3A] : memref<2x10104x128xf32, #tpu.memory_space<hbm>> -> memref<1x632x128xf32, #tpu.memory_space<hbm>>
        %dma_wait3A_34 = tpu.memref_squeeze %dma_wait3A_33 : memref<1x632x128xf32, #tpu.memory_space<hbm>> -> memref<632x128xf32, #tpu.memory_space<hbm>>
        %dma_wait3A_35 = arith.constant 0 : i32
        %dma_wait3A_36 = tpu.memref_slice %arg9[%mul3A_2, %dma_wait3A_35] : memref<10104x128xf32, #tpu.memory_space<vmem_shared>> -> memref<632x128xf32, #tpu.memory_space<vmem_shared>>
        tpu.wait_dma2 semaphore(%run_scoped3A : memref<!tpu.dma_semaphore, #tpu.memory_space<semaphore_mem>>) src(%dma_wait3A_36 : memref<632x128xf32, #tpu.memory_space<vmem_shared>>) dst(%dma_wait3A_34 : memref<632x128xf32, #tpu.memory_space<hbm>>)
        tpu.yield
      }) : () -> ()
    } else {
    }
    %eq3A_24 = arith.constant 15 : i32
    %eq3A_25 = arith.cmpi eq, %arg1, %eq3A_24 : i32
    %convert_element_type3A_26 = arith.extui %eq3A_25 : i1 to i32
    %cond3A_27 = arith.constant 0 : i32
    %cond3A_28 = arith.cmpi ne, %convert_element_type3A_26, %cond3A_27 : i32
    scf.if %cond3A_28 {
      "tpu.region"() ({
        %run_scoped3A = tpu.sem_alloc : memref<!tpu.dma_semaphore, #tpu.memory_space<semaphore_mem>>
        %dma_start3A = arith.constant 0 : i32
        %dma_start3A_29 = tpu.memref_slice %arg6[%arg0, %mul3A_2, %dma_start3A] : memref<2x10104x128xf32, #tpu.memory_space<hbm>> -> memref<1x624x128xf32, #tpu.memory_space<hbm>>
        %dma_start3A_30 = tpu.memref_squeeze %dma_start3A_29 : memref<1x624x128xf32, #tpu.memory_space<hbm>> -> memref<624x128xf32, #tpu.memory_space<hbm>>
        %dma_start3A_31 = arith.constant 0 : i32
        %dma_start3A_32 = tpu.memref_slice %arg9[%mul3A_2, %dma_start3A_31] : memref<10104x128xf32, #tpu.memory_space<vmem_shared>> -> memref<624x128xf32, #tpu.memory_space<vmem_shared>>
        tpu.enqueue_dma source(%dma_start3A_32 : memref<624x128xf32, #tpu.memory_space<vmem_shared>>) target(%dma_start3A_30 : memref<624x128xf32, #tpu.memory_space<hbm>>) target_semaphore(%run_scoped3A : memref<!tpu.dma_semaphore, #tpu.memory_space<semaphore_mem>>)
        %dma_wait3A = arith.constant 0 : i32
        %dma_wait3A_33 = tpu.memref_slice %arg6[%arg0, %mul3A_2, %dma_wait3A] : memref<2x10104x128xf32, #tpu.memory_space<hbm>> -> memref<1x624x128xf32, #tpu.memory_space<hbm>>
        %dma_wait3A_34 = tpu.memref_squeeze %dma_wait3A_33 : memref<1x624x128xf32, #tpu.memory_space<hbm>> -> memref<624x128xf32, #tpu.memory_space<hbm>>
        %dma_wait3A_35 = arith.constant 0 : i32
        %dma_wait3A_36 = tpu.memref_slice %arg9[%mul3A_2, %dma_wait3A_35] : memref<10104x128xf32, #tpu.memory_space<vmem_shared>> -> memref<624x128xf32, #tpu.memory_space<vmem_shared>>
        tpu.wait_dma2 semaphore(%run_scoped3A : memref<!tpu.dma_semaphore, #tpu.memory_space<semaphore_mem>>) src(%dma_wait3A_36 : memref<624x128xf32, #tpu.memory_space<vmem_shared>>) dst(%dma_wait3A_34 : memref<624x128xf32, #tpu.memory_space<hbm>>)
        tpu.yield
      }) : () -> ()
    } else {
    }
    return
  }
}

#map = affine_map<(d0, d1) -> (0, 0)>
#map1 = affine_map<(d0, d1) -> (0, 0, 0)>
module attributes {stable_mosaic.version = 14 : i64} {
  func.func @k(%arg0: i32, %arg1: i32, %arg2: memref<10000x128xf32, #tpu.memory_space<hbm>>, %arg3: memref<2528x128xi32, #tpu.memory_space<hbm>>, %arg4: memref<2528x128xi32, #tpu.memory_space<hbm>>, %arg5: memref<632x128xf32, #tpu.memory_space<hbm>>, %arg6: memref<2x10104x128xf32, #tpu.memory_space<hbm>>, %arg7: memref<8x128xi32, #tpu.memory_space<vmem>>, %arg8: memref<384x128xf32, #tpu.memory_space<vmem>>, %arg9: memref<10104x128xf32, #tpu.memory_space<vmem_shared>>, %arg10: memref<3x!tpu.dma_semaphore, #tpu.memory_space<semaphore_mem>>, %arg11: memref<3x!tpu.dma_semaphore, #tpu.memory_space<semaphore_mem>>, %arg12: memref<3x!tpu.dma_semaphore, #tpu.memory_space<semaphore_mem>>) attributes {dimension_semantics = [#tpu.dimension_semantics<core_parallel>, #tpu.dimension_semantics<subcore_parallel>], iteration_bounds = array<i64: 2, 16>, scalar_prefetch = 0 : i64, scratch_operands = 6 : i64, tpu.core_type = #tpu.core_type<sc_vector_subcore>, window_params = [{transform_indices = #map}, {transform_indices = #map}, {transform_indices = #map}, {transform_indices = #map}, {transform_indices = #map1}]} {
    %mul3A = arith.constant 16 : i32
    %mul3A_0 = arith.muli %arg0, %mul3A : i32
    %add3A = arith.addi %mul3A_0, %arg1 : i32
    %mul3A_1 = arith.constant 632 : i32
    %mul3A_2 = arith.muli %arg1, %mul3A_1 : i32
    %lt3A = arith.constant 15 : i32
    %lt3A_3 = arith.cmpi slt, %arg1, %lt3A : i32
    %convert_element_type3A = arith.extui %lt3A_3 : i1 to i32
    %cond3A = arith.constant 0 : i32
    %cond3A_4 = arith.cmpi ne, %convert_element_type3A, %cond3A : i32
    scf.if %cond3A_4 {
      "tpu.region"() ({
        %run_scoped3A = tpu.sem_alloc : memref<!tpu.dma_semaphore, #tpu.memory_space<semaphore_mem>>
        %dma_start3A = arith.constant 0 : i32
        %dma_start3A_29 = tpu.memref_slice %arg9[%mul3A_2, %dma_start3A] : memref<10104x128xf32, #tpu.memory_space<vmem_shared>> -> memref<632x128xf32, #tpu.memory_space<vmem_shared>>
        tpu.enqueue_dma source(%arg5 : memref<632x128xf32, #tpu.memory_space<hbm>>) target(%dma_start3A_29 : memref<632x128xf32, #tpu.memory_space<vmem_shared>>) target_semaphore(%run_scoped3A : memref<!tpu.dma_semaphore, #tpu.memory_space<semaphore_mem>>)
        %dma_wait3A = arith.constant 0 : i32
        %dma_wait3A_30 = tpu.memref_slice %arg9[%mul3A_2, %dma_wait3A] : memref<10104x128xf32, #tpu.memory_space<vmem_shared>> -> memref<632x128xf32, #tpu.memory_space<vmem_shared>>
        tpu.wait_dma2 semaphore(%run_scoped3A : memref<!tpu.dma_semaphore, #tpu.memory_space<semaphore_mem>>) src(%arg5 : memref<632x128xf32, #tpu.memory_space<hbm>>) dst(%dma_wait3A_30 : memref<632x128xf32, #tpu.memory_space<vmem_shared>>)
        tpu.yield
      }) : () -> ()
    } else {
    }
    %eq3A = arith.constant 15 : i32
    %eq3A_5 = arith.cmpi eq, %arg1, %eq3A : i32
    %convert_element_type3A_6 = arith.extui %eq3A_5 : i1 to i32
    %cond3A_7 = arith.constant 0 : i32
    %cond3A_8 = arith.cmpi ne, %convert_element_type3A_6, %cond3A_7 : i32
    scf.if %cond3A_8 {
      "tpu.region"() ({
        %run_scoped3A = tpu.sem_alloc : memref<!tpu.dma_semaphore, #tpu.memory_space<semaphore_mem>>
        %dma_start3A = arith.constant 0 : i32
        %dma_start3A_29 = tpu.memref_slice %arg9[%mul3A_2, %dma_start3A] : memref<10104x128xf32, #tpu.memory_space<vmem_shared>> -> memref<624x128xf32, #tpu.memory_space<vmem_shared>>
        %dma_start3A_30 = arith.constant 0 : i32
        %dma_start3A_31 = arith.constant 0 : i32
        %dma_start3A_32 = tpu.memref_slice %arg5[%dma_start3A_30, %dma_start3A_31] : memref<632x128xf32, #tpu.memory_space<hbm>> -> memref<624x128xf32, #tpu.memory_space<hbm>>
        tpu.enqueue_dma source(%dma_start3A_32 : memref<624x128xf32, #tpu.memory_space<hbm>>) target(%dma_start3A_29 : memref<624x128xf32, #tpu.memory_space<vmem_shared>>) target_semaphore(%run_scoped3A : memref<!tpu.dma_semaphore, #tpu.memory_space<semaphore_mem>>)
        %dma_wait3A = arith.constant 0 : i32
        %dma_wait3A_33 = tpu.memref_slice %arg9[%mul3A_2, %dma_wait3A] : memref<10104x128xf32, #tpu.memory_space<vmem_shared>> -> memref<624x128xf32, #tpu.memory_space<vmem_shared>>
        %dma_wait3A_34 = arith.constant 0 : i32
        %dma_wait3A_35 = arith.constant 0 : i32
        %dma_wait3A_36 = tpu.memref_slice %arg5[%dma_wait3A_34, %dma_wait3A_35] : memref<632x128xf32, #tpu.memory_space<hbm>> -> memref<624x128xf32, #tpu.memory_space<hbm>>
        tpu.wait_dma2 semaphore(%run_scoped3A : memref<!tpu.dma_semaphore, #tpu.memory_space<semaphore_mem>>) src(%dma_wait3A_36 : memref<624x128xf32, #tpu.memory_space<hbm>>) dst(%dma_wait3A_33 : memref<624x128xf32, #tpu.memory_space<vmem_shared>>)
        tpu.yield
      }) : () -> ()
    } else {
    }
    %barrier3A = arith.constant 0 : index
    tpu.barrier barrier_id(%barrier3A)
    %scan3A = arith.constant 0 : i32
    %scan3A_9 = arith.constant 81 : i32
    %scan3A_10 = arith.addi %scan3A, %scan3A_9 : i32
    %scan3A_11 = arith.constant 1 : i32
    scf.for %scan3A_29 = %scan3A to %scan3A_10 step %scan3A_11  : i32 {
      %mul3A_30 = arith.constant 1 : i32
      %mul3A_31 = arith.muli %scan3A_29, %mul3A_30 : i32
      %add3A_32 = arith.constant 0 : i32
      %add3A_33 = arith.addi %add3A_32, %mul3A_31 : i32
      %ge3A = arith.constant 2 : i32
      %ge3A_34 = arith.cmpi sge, %add3A_33, %ge3A : i32
      %convert_element_type3A_35 = arith.extui %ge3A_34 : i1 to i32
      %cond3A_36 = arith.constant 0 : i32
      %cond3A_37 = arith.cmpi ne, %convert_element_type3A_35, %cond3A_36 : i32
      scf.if %cond3A_37 {
        %sub3A = arith.constant 2 : i32
        %sub3A_49 = arith.subi %add3A_33, %sub3A : i32
        %rem3A = arith.constant 3 : i32
        %rem3A_50 = arith.remsi %sub3A_49, %rem3A : i32
        %mul3A_51 = arith.constant 128 : i32
        %mul3A_52 = arith.muli %rem3A_50, %mul3A_51 : i32
        %dma_wait3A = arith.constant 0 : i32
        %dma_wait3A_53 = tpu.memref_slice %arg8[%mul3A_52, %dma_wait3A] : memref<384x128xf32, #tpu.memory_space<vmem>> -> memref<128x128xf32, #tpu.memory_space<vmem>>
        %dma_wait3A_54 = arith.constant 0 : i32
        %dma_wait3A_55 = tpu.memref_slice %arg7[%rem3A_50, %dma_wait3A_54] : memref<8x128xi32, #tpu.memory_space<vmem>> -> memref<1x128xi32, #tpu.memory_space<vmem>>
        %dma_wait3A_56 = tpu.memref_squeeze %dma_wait3A_55 : memref<1x128xi32, #tpu.memory_space<vmem>> -> memref<128xi32, #tpu.memory_space<vmem>>
        %dma_wait3A_57 = arith.constant 0 : i32
        %dma_wait3A_58 = arith.constant 0 : i32
        %dma_wait3A_59 = tpu.memref_slice %arg2[%dma_wait3A_57, %dma_wait3A_58] : memref<10000x128xf32, #tpu.memory_space<hbm>> -> memref<10000x128xf32, #tpu.memory_space<hbm>>
        %dma_wait3A_60 = tpu.memref_slice %arg11[%rem3A_50] : memref<3x!tpu.dma_semaphore, #tpu.memory_space<semaphore_mem>> -> memref<1x!tpu.dma_semaphore, #tpu.memory_space<semaphore_mem>>
        %dma_wait3A_61 = tpu.memref_squeeze %dma_wait3A_60 : memref<1x!tpu.dma_semaphore, #tpu.memory_space<semaphore_mem>> -> memref<!tpu.dma_semaphore, #tpu.memory_space<semaphore_mem>>
        tpu.wait_indirect_dma semaphore(%dma_wait3A_61 : memref<!tpu.dma_semaphore, #tpu.memory_space<semaphore_mem>>) src(%dma_wait3A_59 : memref<10000x128xf32, #tpu.memory_space<hbm>>) dst(%dma_wait3A_53 : memref<128x128xf32, #tpu.memory_space<vmem>>)
        %mul3A_62 = arith.constant 128 : i32
        %mul3A_63 = arith.muli %rem3A_50, %mul3A_62 : i32
        %add3A_64 = arith.constant 4 : i32
        %add3A_65 = arith.addi %add3A_64, %rem3A_50 : i32
        %dma_start3A = arith.constant 0 : i32
        %dma_start3A_66 = tpu.memref_slice %arg8[%mul3A_63, %dma_start3A] : memref<384x128xf32, #tpu.memory_space<vmem>> -> memref<128x128xf32, #tpu.memory_space<vmem>>
        %dma_start3A_67 = arith.constant 0 : i32
        %dma_start3A_68 = tpu.memref_slice %arg7[%add3A_65, %dma_start3A_67] : memref<8x128xi32, #tpu.memory_space<vmem>> -> memref<1x128xi32, #tpu.memory_space<vmem>>
        %dma_start3A_69 = tpu.memref_squeeze %dma_start3A_68 : memref<1x128xi32, #tpu.memory_space<vmem>> -> memref<128xi32, #tpu.memory_space<vmem>>
        %dma_start3A_70 = arith.constant 0 : i32
        %dma_start3A_71 = arith.constant 0 : i32
        %dma_start3A_72 = tpu.memref_slice %arg9[%dma_start3A_70, %dma_start3A_71] : memref<10104x128xf32, #tpu.memory_space<vmem_shared>> -> memref<10104x128xf32, #tpu.memory_space<vmem_shared>>
        %dma_start3A_73 = tpu.memref_slice %arg12[%rem3A_50] : memref<3x!tpu.dma_semaphore, #tpu.memory_space<semaphore_mem>> -> memref<1x!tpu.dma_semaphore, #tpu.memory_space<semaphore_mem>>
        %dma_start3A_74 = tpu.memref_squeeze %dma_start3A_73 : memref<1x!tpu.dma_semaphore, #tpu.memory_space<semaphore_mem>> -> memref<!tpu.dma_semaphore, #tpu.memory_space<semaphore_mem>>
        tpu.enqueue_indirect_dma source(%dma_start3A_66 : memref<128x128xf32, #tpu.memory_space<vmem>>) target(%dma_start3A_72 : memref<10104x128xf32, #tpu.memory_space<vmem_shared>>) offsets(%dma_start3A_69 : memref<128xi32, #tpu.memory_space<vmem>>) semaphore(%dma_start3A_74 : memref<!tpu.dma_semaphore, #tpu.memory_space<semaphore_mem>>) {add = true}
      } else {
      }
      %lt3A_38 = arith.constant 79 : i32
      %lt3A_39 = arith.cmpi slt, %add3A_33, %lt3A_38 : i32
      %convert_element_type3A_40 = arith.extui %lt3A_39 : i1 to i32
      %cond3A_41 = arith.constant 0 : i32
      %cond3A_42 = arith.cmpi ne, %convert_element_type3A_40, %cond3A_41 : i32
      scf.if %cond3A_42 {
        %rem3A = arith.constant 3 : i32
        %rem3A_49 = arith.remsi %add3A_33, %rem3A : i32
        %ge3A_50 = arith.constant 3 : i32
        %ge3A_51 = arith.cmpi sge, %add3A_33, %ge3A_50 : i32
        %convert_element_type3A_52 = arith.extui %ge3A_51 : i1 to i32
        %cond3A_53 = arith.constant 0 : i32
        %cond3A_54 = arith.cmpi ne, %convert_element_type3A_52, %cond3A_53 : i32
        scf.if %cond3A_54 {
          %sub3A = arith.constant 3 : i32
          %sub3A_90 = arith.subi %add3A_33, %sub3A : i32
          %mul3A_91 = arith.constant 128 : i32
          %mul3A_92 = arith.muli %rem3A_49, %mul3A_91 : i32
          %add3A_93 = arith.constant 4 : i32
          %add3A_94 = arith.addi %add3A_93, %rem3A_49 : i32
          %dma_wait3A = arith.constant 0 : i32
          %dma_wait3A_95 = tpu.memref_slice %arg8[%mul3A_92, %dma_wait3A] : memref<384x128xf32, #tpu.memory_space<vmem>> -> memref<128x128xf32, #tpu.memory_space<vmem>>
          %dma_wait3A_96 = arith.constant 0 : i32
          %dma_wait3A_97 = tpu.memref_slice %arg7[%add3A_94, %dma_wait3A_96] : memref<8x128xi32, #tpu.memory_space<vmem>> -> memref<1x128xi32, #tpu.memory_space<vmem>>
          %dma_wait3A_98 = tpu.memref_squeeze %dma_wait3A_97 : memref<1x128xi32, #tpu.memory_space<vmem>> -> memref<128xi32, #tpu.memory_space<vmem>>
          %dma_wait3A_99 = arith.constant 0 : i32
          %dma_wait3A_100 = arith.constant 0 : i32
          %dma_wait3A_101 = tpu.memref_slice %arg9[%dma_wait3A_99, %dma_wait3A_100] : memref<10104x128xf32, #tpu.memory_space<vmem_shared>> -> memref<10104x128xf32, #tpu.memory_space<vmem_shared>>
          %dma_wait3A_102 = tpu.memref_slice %arg12[%rem3A_49] : memref<3x!tpu.dma_semaphore, #tpu.memory_space<semaphore_mem>> -> memref<1x!tpu.dma_semaphore, #tpu.memory_space<semaphore_mem>>
          %dma_wait3A_103 = tpu.memref_squeeze %dma_wait3A_102 : memref<1x!tpu.dma_semaphore, #tpu.memory_space<semaphore_mem>> -> memref<!tpu.dma_semaphore, #tpu.memory_space<semaphore_mem>>
          tpu.wait_indirect_dma semaphore(%dma_wait3A_103 : memref<!tpu.dma_semaphore, #tpu.memory_space<semaphore_mem>>) src(%dma_wait3A_95 : memref<128x128xf32, #tpu.memory_space<vmem>>) dst(%dma_wait3A_101 : memref<10104x128xf32, #tpu.memory_space<vmem_shared>>)
        } else {
        }
        %mul3A_55 = arith.constant 79 : i32
        %mul3A_56 = arith.muli %add3A, %mul3A_55 : i32
        %add3A_57 = arith.addi %mul3A_56, %add3A_33 : i32
        %mul3A_58 = arith.constant 79 : i32
        %mul3A_59 = arith.muli %add3A, %mul3A_58 : i32
        %add3A_60 = arith.addi %mul3A_59, %add3A_33 : i32
        %add3A_61 = arith.constant 4 : i32
        %add3A_62 = arith.addi %add3A_61, %rem3A_49 : i32
        %dma_start3A = arith.constant 0 : i32
        %dma_start3A_63 = tpu.memref_slice %arg7[%rem3A_49, %dma_start3A] : memref<8x128xi32, #tpu.memory_space<vmem>> -> memref<1x128xi32, #tpu.memory_space<vmem>>
        %dma_start3A_64 = tpu.memref_squeeze %dma_start3A_63 : memref<1x128xi32, #tpu.memory_space<vmem>> -> memref<128xi32, #tpu.memory_space<vmem>>
        %dma_start3A_65 = arith.constant 0 : i32
        %dma_start3A_66 = tpu.memref_slice %arg3[%add3A_57, %dma_start3A_65] : memref<2528x128xi32, #tpu.memory_space<hbm>> -> memref<1x128xi32, #tpu.memory_space<hbm>>
        %dma_start3A_67 = tpu.memref_squeeze %dma_start3A_66 : memref<1x128xi32, #tpu.memory_space<hbm>> -> memref<128xi32, #tpu.memory_space<hbm>>
        %dma_start3A_68 = tpu.memref_slice %arg10[%rem3A_49] : memref<3x!tpu.dma_semaphore, #tpu.memory_space<semaphore_mem>> -> memref<1x!tpu.dma_semaphore, #tpu.memory_space<semaphore_mem>>
        %dma_start3A_69 = tpu.memref_squeeze %dma_start3A_68 : memref<1x!tpu.dma_semaphore, #tpu.memory_space<semaphore_mem>> -> memref<!tpu.dma_semaphore, #tpu.memory_space<semaphore_mem>>
        %dma_start3A_70 = arith.constant 0 : i32
        %dma_start3A_71 = tpu.memref_slice %arg7[%rem3A_49, %dma_start3A_70] : memref<8x128xi32, #tpu.memory_space<vmem>> -> memref<1x128xi32, #tpu.memory_space<vmem>>
        %dma_start3A_72 = tpu.memref_squeeze %dma_start3A_71 : memref<1x128xi32, #tpu.memory_space<vmem>> -> memref<128xi32, #tpu.memory_space<vmem>>
        %dma_start3A_73 = arith.constant 0 : i32
        %dma_start3A_74 = tpu.memref_slice %arg3[%add3A_57, %dma_start3A_73] : memref<2528x128xi32, #tpu.memory_space<hbm>> -> memref<1x128xi32, #tpu.memory_space<hbm>>
        %dma_start3A_75 = tpu.memref_squeeze %dma_start3A_74 : memref<1x128xi32, #tpu.memory_space<hbm>> -> memref<128xi32, #tpu.memory_space<hbm>>
        tpu.enqueue_dma source(%dma_start3A_75 : memref<128xi32, #tpu.memory_space<hbm>>) target(%dma_start3A_72 : memref<128xi32, #tpu.memory_space<vmem>>) target_semaphore(%dma_start3A_69 : memref<!tpu.dma_semaphore, #tpu.memory_space<semaphore_mem>>)
        %dma_start3A_76 = arith.constant 0 : i32
        %dma_start3A_77 = tpu.memref_slice %arg7[%add3A_62, %dma_start3A_76] : memref<8x128xi32, #tpu.memory_space<vmem>> -> memref<1x128xi32, #tpu.memory_space<vmem>>
        %dma_start3A_78 = tpu.memref_squeeze %dma_start3A_77 : memref<1x128xi32, #tpu.memory_space<vmem>> -> memref<128xi32, #tpu.memory_space<vmem>>
        %dma_start3A_79 = arith.constant 0 : i32
        %dma_start3A_80 = tpu.memref_slice %arg4[%add3A_60, %dma_start3A_79] : memref<2528x128xi32, #tpu.memory_space<hbm>> -> memref<1x128xi32, #tpu.memory_space<hbm>>
        %dma_start3A_81 = tpu.memref_squeeze %dma_start3A_80 : memref<1x128xi32, #tpu.memory_space<hbm>> -> memref<128xi32, #tpu.memory_space<hbm>>
        %dma_start3A_82 = tpu.memref_slice %arg10[%rem3A_49] : memref<3x!tpu.dma_semaphore, #tpu.memory_space<semaphore_mem>> -> memref<1x!tpu.dma_semaphore, #tpu.memory_space<semaphore_mem>>
        %dma_start3A_83 = tpu.memref_squeeze %dma_start3A_82 : memref<1x!tpu.dma_semaphore, #tpu.memory_space<semaphore_mem>> -> memref<!tpu.dma_semaphore, #tpu.memory_space<semaphore_mem>>
        %dma_start3A_84 = arith.constant 0 : i32
        %dma_start3A_85 = tpu.memref_slice %arg7[%add3A_62, %dma_start3A_84] : memref<8x128xi32, #tpu.memory_space<vmem>> -> memref<1x128xi32, #tpu.memory_space<vmem>>
        %dma_start3A_86 = tpu.memref_squeeze %dma_start3A_85 : memref<1x128xi32, #tpu.memory_space<vmem>> -> memref<128xi32, #tpu.memory_space<vmem>>
        %dma_start3A_87 = arith.constant 0 : i32
        %dma_start3A_88 = tpu.memref_slice %arg4[%add3A_60, %dma_start3A_87] : memref<2528x128xi32, #tpu.memory_space<hbm>> -> memref<1x128xi32, #tpu.memory_space<hbm>>
        %dma_start3A_89 = tpu.memref_squeeze %dma_start3A_88 : memref<1x128xi32, #tpu.memory_space<hbm>> -> memref<128xi32, #tpu.memory_space<hbm>>
        tpu.enqueue_dma source(%dma_start3A_89 : memref<128xi32, #tpu.memory_space<hbm>>) target(%dma_start3A_86 : memref<128xi32, #tpu.memory_space<vmem>>) target_semaphore(%dma_start3A_83 : memref<!tpu.dma_semaphore, #tpu.memory_space<semaphore_mem>>)
      } else {
      }
      %ge3A_43 = arith.constant 1 : i32
      %ge3A_44 = arith.cmpi sge, %add3A_33, %ge3A_43 : i32
      %le3A = arith.constant 79 : i32
      %le3A_45 = arith.cmpi sle, %add3A_33, %le3A : i32
      %and3A = arith.andi %ge3A_44, %le3A_45 : i1
      %convert_element_type3A_46 = arith.extui %and3A : i1 to i32
      %cond3A_47 = arith.constant 0 : i32
      %cond3A_48 = arith.cmpi ne, %convert_element_type3A_46, %cond3A_47 : i32
      scf.if %cond3A_48 {
        %sub3A = arith.constant 1 : i32
        %sub3A_49 = arith.subi %add3A_33, %sub3A : i32
        %rem3A = arith.constant 3 : i32
        %rem3A_50 = arith.remsi %sub3A_49, %rem3A : i32
        %mul3A_51 = arith.constant 79 : i32
        %mul3A_52 = arith.muli %add3A, %mul3A_51 : i32
        %add3A_53 = arith.addi %mul3A_52, %sub3A_49 : i32
        %mul3A_54 = arith.constant 79 : i32
        %mul3A_55 = arith.muli %add3A, %mul3A_54 : i32
        %add3A_56 = arith.addi %mul3A_55, %sub3A_49 : i32
        %add3A_57 = arith.constant 4 : i32
        %add3A_58 = arith.addi %add3A_57, %rem3A_50 : i32
        %dma_wait3A = arith.constant 0 : i32
        %dma_wait3A_59 = tpu.memref_slice %arg7[%rem3A_50, %dma_wait3A] : memref<8x128xi32, #tpu.memory_space<vmem>> -> memref<1x128xi32, #tpu.memory_space<vmem>>
        %dma_wait3A_60 = tpu.memref_squeeze %dma_wait3A_59 : memref<1x128xi32, #tpu.memory_space<vmem>> -> memref<128xi32, #tpu.memory_space<vmem>>
        %dma_wait3A_61 = arith.constant 0 : i32
        %dma_wait3A_62 = tpu.memref_slice %arg3[%add3A_53, %dma_wait3A_61] : memref<2528x128xi32, #tpu.memory_space<hbm>> -> memref<1x128xi32, #tpu.memory_space<hbm>>
        %dma_wait3A_63 = tpu.memref_squeeze %dma_wait3A_62 : memref<1x128xi32, #tpu.memory_space<hbm>> -> memref<128xi32, #tpu.memory_space<hbm>>
        %dma_wait3A_64 = tpu.memref_slice %arg10[%rem3A_50] : memref<3x!tpu.dma_semaphore, #tpu.memory_space<semaphore_mem>> -> memref<1x!tpu.dma_semaphore, #tpu.memory_space<semaphore_mem>>
        %dma_wait3A_65 = tpu.memref_squeeze %dma_wait3A_64 : memref<1x!tpu.dma_semaphore, #tpu.memory_space<semaphore_mem>> -> memref<!tpu.dma_semaphore, #tpu.memory_space<semaphore_mem>>
        %dma_wait3A_66 = arith.constant 0 : i32
        %dma_wait3A_67 = tpu.memref_slice %arg7[%rem3A_50, %dma_wait3A_66] : memref<8x128xi32, #tpu.memory_space<vmem>> -> memref<1x128xi32, #tpu.memory_space<vmem>>
        %dma_wait3A_68 = tpu.memref_squeeze %dma_wait3A_67 : memref<1x128xi32, #tpu.memory_space<vmem>> -> memref<128xi32, #tpu.memory_space<vmem>>
        %dma_wait3A_69 = arith.constant 0 : i32
        %dma_wait3A_70 = tpu.memref_slice %arg3[%add3A_53, %dma_wait3A_69] : memref<2528x128xi32, #tpu.memory_space<hbm>> -> memref<1x128xi32, #tpu.memory_space<hbm>>
        %dma_wait3A_71 = tpu.memref_squeeze %dma_wait3A_70 : memref<1x128xi32, #tpu.memory_space<hbm>> -> memref<128xi32, #tpu.memory_space<hbm>>
        tpu.wait_dma2 semaphore(%dma_wait3A_65 : memref<!tpu.dma_semaphore, #tpu.memory_space<semaphore_mem>>) src(%dma_wait3A_71 : memref<128xi32, #tpu.memory_space<hbm>>) dst(%dma_wait3A_68 : memref<128xi32, #tpu.memory_space<vmem>>)
        %dma_wait3A_72 = arith.constant 0 : i32
        %dma_wait3A_73 = tpu.memref_slice %arg7[%add3A_58, %dma_wait3A_72] : memref<8x128xi32, #tpu.memory_space<vmem>> -> memref<1x128xi32, #tpu.memory_space<vmem>>
        %dma_wait3A_74 = tpu.memref_squeeze %dma_wait3A_73 : memref<1x128xi32, #tpu.memory_space<vmem>> -> memref<128xi32, #tpu.memory_space<vmem>>
        %dma_wait3A_75 = arith.constant 0 : i32
        %dma_wait3A_76 = tpu.memref_slice %arg4[%add3A_56, %dma_wait3A_75] : memref<2528x128xi32, #tpu.memory_space<hbm>> -> memref<1x128xi32, #tpu.memory_space<hbm>>
        %dma_wait3A_77 = tpu.memref_squeeze %dma_wait3A_76 : memref<1x128xi32, #tpu.memory_space<hbm>> -> memref<128xi32, #tpu.memory_space<hbm>>
        %dma_wait3A_78 = tpu.memref_slice %arg10[%rem3A_50] : memref<3x!tpu.dma_semaphore, #tpu.memory_space<semaphore_mem>> -> memref<1x!tpu.dma_semaphore, #tpu.memory_space<semaphore_mem>>
        %dma_wait3A_79 = tpu.memref_squeeze %dma_wait3A_78 : memref<1x!tpu.dma_semaphore, #tpu.memory_space<semaphore_mem>> -> memref<!tpu.dma_semaphore, #tpu.memory_space<semaphore_mem>>
        %dma_wait3A_80 = arith.constant 0 : i32
        %dma_wait3A_81 = tpu.memref_slice %arg7[%add3A_58, %dma_wait3A_80] : memref<8x128xi32, #tpu.memory_space<vmem>> -> memref<1x128xi32, #tpu.memory_space<vmem>>
        %dma_wait3A_82 = tpu.memref_squeeze %dma_wait3A_81 : memref<1x128xi32, #tpu.memory_space<vmem>> -> memref<128xi32, #tpu.memory_space<vmem>>
        %dma_wait3A_83 = arith.constant 0 : i32
        %dma_wait3A_84 = tpu.memref_slice %arg4[%add3A_56, %dma_wait3A_83] : memref<2528x128xi32, #tpu.memory_space<hbm>> -> memref<1x128xi32, #tpu.memory_space<hbm>>
        %dma_wait3A_85 = tpu.memref_squeeze %dma_wait3A_84 : memref<1x128xi32, #tpu.memory_space<hbm>> -> memref<128xi32, #tpu.memory_space<hbm>>
        tpu.wait_dma2 semaphore(%dma_wait3A_79 : memref<!tpu.dma_semaphore, #tpu.memory_space<semaphore_mem>>) src(%dma_wait3A_85 : memref<128xi32, #tpu.memory_space<hbm>>) dst(%dma_wait3A_82 : memref<128xi32, #tpu.memory_space<vmem>>)
        %mul3A_86 = arith.constant 128 : i32
        %mul3A_87 = arith.muli %rem3A_50, %mul3A_86 : i32
        %dma_start3A = arith.constant 0 : i32
        %dma_start3A_88 = tpu.memref_slice %arg8[%mul3A_87, %dma_start3A] : memref<384x128xf32, #tpu.memory_space<vmem>> -> memref<128x128xf32, #tpu.memory_space<vmem>>
        %dma_start3A_89 = arith.constant 0 : i32
        %dma_start3A_90 = tpu.memref_slice %arg7[%rem3A_50, %dma_start3A_89] : memref<8x128xi32, #tpu.memory_space<vmem>> -> memref<1x128xi32, #tpu.memory_space<vmem>>
        %dma_start3A_91 = tpu.memref_squeeze %dma_start3A_90 : memref<1x128xi32, #tpu.memory_space<vmem>> -> memref<128xi32, #tpu.memory_space<vmem>>
        %dma_start3A_92 = arith.constant 0 : i32
        %dma_start3A_93 = arith.constant 0 : i32
        %dma_start3A_94 = tpu.memref_slice %arg2[%dma_start3A_92, %dma_start3A_93] : memref<10000x128xf32, #tpu.memory_space<hbm>> -> memref<10000x128xf32, #tpu.memory_space<hbm>>
        %dma_start3A_95 = tpu.memref_slice %arg11[%rem3A_50] : memref<3x!tpu.dma_semaphore, #tpu.memory_space<semaphore_mem>> -> memref<1x!tpu.dma_semaphore, #tpu.memory_space<semaphore_mem>>
        %dma_start3A_96 = tpu.memref_squeeze %dma_start3A_95 : memref<1x!tpu.dma_semaphore, #tpu.memory_space<semaphore_mem>> -> memref<!tpu.dma_semaphore, #tpu.memory_space<semaphore_mem>>
        tpu.enqueue_indirect_dma source(%dma_start3A_94 : memref<10000x128xf32, #tpu.memory_space<hbm>>) target(%dma_start3A_88 : memref<128x128xf32, #tpu.memory_space<vmem>>) offsets(%dma_start3A_91 : memref<128xi32, #tpu.memory_space<vmem>>) semaphore(%dma_start3A_96 : memref<!tpu.dma_semaphore, #tpu.memory_space<semaphore_mem>>)
      } else {
      }
    }
    %scan3A_12 = arith.constant 81 : i32
    %scan3A_13 = arith.constant 0 : i32
    %scan3A_14 = arith.constant 3 : i32
    %scan3A_15 = arith.addi %scan3A_13, %scan3A_14 : i32
    %scan3A_16 = arith.constant 1 : i32
    scf.for %scan3A_29 = %scan3A_13 to %scan3A_15 step %scan3A_16  : i32 {
      %mul3A_30 = arith.constant 1 : i32
      %mul3A_31 = arith.muli %scan3A_29, %mul3A_30 : i32
      %add3A_32 = arith.constant 76 : i32
      %add3A_33 = arith.addi %add3A_32, %mul3A_31 : i32
      %rem3A = arith.constant 3 : i32
      %rem3A_34 = arith.remsi %add3A_33, %rem3A : i32
      %mul3A_35 = arith.constant 128 : i32
      %mul3A_36 = arith.muli %rem3A_34, %mul3A_35 : i32
      %add3A_37 = arith.constant 4 : i32
      %add3A_38 = arith.addi %add3A_37, %rem3A_34 : i32
      %dma_wait3A = arith.constant 0 : i32
      %dma_wait3A_39 = tpu.memref_slice %arg8[%mul3A_36, %dma_wait3A] : memref<384x128xf32, #tpu.memory_space<vmem>> -> memref<128x128xf32, #tpu.memory_space<vmem>>
      %dma_wait3A_40 = arith.constant 0 : i32
      %dma_wait3A_41 = tpu.memref_slice %arg7[%add3A_38, %dma_wait3A_40] : memref<8x128xi32, #tpu.memory_space<vmem>> -> memref<1x128xi32, #tpu.memory_space<vmem>>
      %dma_wait3A_42 = tpu.memref_squeeze %dma_wait3A_41 : memref<1x128xi32, #tpu.memory_space<vmem>> -> memref<128xi32, #tpu.memory_space<vmem>>
      %dma_wait3A_43 = arith.constant 0 : i32
      %dma_wait3A_44 = arith.constant 0 : i32
      %dma_wait3A_45 = tpu.memref_slice %arg9[%dma_wait3A_43, %dma_wait3A_44] : memref<10104x128xf32, #tpu.memory_space<vmem_shared>> -> memref<10104x128xf32, #tpu.memory_space<vmem_shared>>
      %dma_wait3A_46 = tpu.memref_slice %arg12[%rem3A_34] : memref<3x!tpu.dma_semaphore, #tpu.memory_space<semaphore_mem>> -> memref<1x!tpu.dma_semaphore, #tpu.memory_space<semaphore_mem>>
      %dma_wait3A_47 = tpu.memref_squeeze %dma_wait3A_46 : memref<1x!tpu.dma_semaphore, #tpu.memory_space<semaphore_mem>> -> memref<!tpu.dma_semaphore, #tpu.memory_space<semaphore_mem>>
      tpu.wait_indirect_dma semaphore(%dma_wait3A_47 : memref<!tpu.dma_semaphore, #tpu.memory_space<semaphore_mem>>) src(%dma_wait3A_39 : memref<128x128xf32, #tpu.memory_space<vmem>>) dst(%dma_wait3A_45 : memref<10104x128xf32, #tpu.memory_space<vmem_shared>>)
    }
    %scan3A_17 = arith.constant 3 : i32
    %barrier3A_18 = arith.constant 0 : index
    tpu.barrier barrier_id(%barrier3A_18)
    %lt3A_19 = arith.constant 15 : i32
    %lt3A_20 = arith.cmpi slt, %arg1, %lt3A_19 : i32
    %convert_element_type3A_21 = arith.extui %lt3A_20 : i1 to i32
    %cond3A_22 = arith.constant 0 : i32
    %cond3A_23 = arith.cmpi ne, %convert_element_type3A_21, %cond3A_22 : i32
    scf.if %cond3A_23 {
      "tpu.region"() ({
        %run_scoped3A = tpu.sem_alloc : memref<!tpu.dma_semaphore, #tpu.memory_space<semaphore_mem>>
        %dma_start3A = arith.constant 0 : i32
        %dma_start3A_29 = tpu.memref_slice %arg6[%arg0, %mul3A_2, %dma_start3A] : memref<2x10104x128xf32, #tpu.memory_space<hbm>> -> memref<1x632x128xf32, #tpu.memory_space<hbm>>
        %dma_start3A_30 = tpu.memref_squeeze %dma_start3A_29 : memref<1x632x128xf32, #tpu.memory_space<hbm>> -> memref<632x128xf32, #tpu.memory_space<hbm>>
        %dma_start3A_31 = arith.constant 0 : i32
        %dma_start3A_32 = tpu.memref_slice %arg9[%mul3A_2, %dma_start3A_31] : memref<10104x128xf32, #tpu.memory_space<vmem_shared>> -> memref<632x128xf32, #tpu.memory_space<vmem_shared>>
        tpu.enqueue_dma source(%dma_start3A_32 : memref<632x128xf32, #tpu.memory_space<vmem_shared>>) target(%dma_start3A_30 : memref<632x128xf32, #tpu.memory_space<hbm>>) target_semaphore(%run_scoped3A : memref<!tpu.dma_semaphore, #tpu.memory_space<semaphore_mem>>)
        %dma_wait3A = arith.constant 0 : i32
        %dma_wait3A_33 = tpu.memref_slice %arg6[%arg0, %mul3A_2, %dma_wait3A] : memref<2x10104x128xf32, #tpu.memory_space<hbm>> -> memref<1x632x128xf32, #tpu.memory_space<hbm>>
        %dma_wait3A_34 = tpu.memref_squeeze %dma_wait3A_33 : memref<1x632x128xf32, #tpu.memory_space<hbm>> -> memref<632x128xf32, #tpu.memory_space<hbm>>
        %dma_wait3A_35 = arith.constant 0 : i32
        %dma_wait3A_36 = tpu.memref_slice %arg9[%mul3A_2, %dma_wait3A_35] : memref<10104x128xf32, #tpu.memory_space<vmem_shared>> -> memref<632x128xf32, #tpu.memory_space<vmem_shared>>
        tpu.wait_dma2 semaphore(%run_scoped3A : memref<!tpu.dma_semaphore, #tpu.memory_space<semaphore_mem>>) src(%dma_wait3A_36 : memref<632x128xf32, #tpu.memory_space<vmem_shared>>) dst(%dma_wait3A_34 : memref<632x128xf32, #tpu.memory_space<hbm>>)
        tpu.yield
      }) : () -> ()
    } else {
    }
    %eq3A_24 = arith.constant 15 : i32
    %eq3A_25 = arith.cmpi eq, %arg1, %eq3A_24 : i32
    %convert_element_type3A_26 = arith.extui %eq3A_25 : i1 to i32
    %cond3A_27 = arith.constant 0 : i32
    %cond3A_28 = arith.cmpi ne, %convert_element_type3A_26, %cond3A_27 : i32
    scf.if %cond3A_28 {
      "tpu.region"() ({
        %run_scoped3A = tpu.sem_alloc : memref<!tpu.dma_semaphore, #tpu.memory_space<semaphore_mem>>
        %dma_start3A = arith.constant 0 : i32
        %dma_start3A_29 = tpu.memref_slice %arg6[%arg0, %mul3A_2, %dma_start3A] : memref<2x10104x128xf32, #tpu.memory_space<hbm>> -> memref<1x624x128xf32, #tpu.memory_space<hbm>>
        %dma_start3A_30 = tpu.memref_squeeze %dma_start3A_29 : memref<1x624x128xf32, #tpu.memory_space<hbm>> -> memref<624x128xf32, #tpu.memory_space<hbm>>
        %dma_start3A_31 = arith.constant 0 : i32
        %dma_start3A_32 = tpu.memref_slice %arg9[%mul3A_2, %dma_start3A_31] : memref<10104x128xf32, #tpu.memory_space<vmem_shared>> -> memref<624x128xf32, #tpu.memory_space<vmem_shared>>
        tpu.enqueue_dma source(%dma_start3A_32 : memref<624x128xf32, #tpu.memory_space<vmem_shared>>) target(%dma_start3A_30 : memref<624x128xf32, #tpu.memory_space<hbm>>) target_semaphore(%run_scoped3A : memref<!tpu.dma_semaphore, #tpu.memory_space<semaphore_mem>>)
        %dma_wait3A = arith.constant 0 : i32
        %dma_wait3A_33 = tpu.memref_slice %arg6[%arg0, %mul3A_2, %dma_wait3A] : memref<2x10104x128xf32, #tpu.memory_space<hbm>> -> memref<1x624x128xf32, #tpu.memory_space<hbm>>
        %dma_wait3A_34 = tpu.memref_squeeze %dma_wait3A_33 : memref<1x624x128xf32, #tpu.memory_space<hbm>> -> memref<624x128xf32, #tpu.memory_space<hbm>>
        %dma_wait3A_35 = arith.constant 0 : i32
        %dma_wait3A_36 = tpu.memref_slice %arg9[%mul3A_2, %dma_wait3A_35] : memref<10104x128xf32, #tpu.memory_space<vmem_shared>> -> memref<624x128xf32, #tpu.memory_space<vmem_shared>>
        tpu.wait_dma2 semaphore(%run_scoped3A : memref<!tpu.dma_semaphore, #tpu.memory_space<semaphore_mem>>) src(%dma_wait3A_36 : memref<624x128xf32, #tpu.memory_space<vmem_shared>>) dst(%dma_wait3A_34 : memref<624x128xf32, #tpu.memory_space<hbm>>)
        tpu.yield
      }) : () -> ()
    } else {
    }
    return
  }
}

#map = affine_map<(d0, d1) -> (0, 0)>
#map1 = affine_map<(d0, d1) -> (0, 0, 0)>
module attributes {stable_mosaic.version = 14 : i64} {
  func.func @k(%arg0: i32, %arg1: i32, %arg2: memref<10000x128xf32, #tpu.memory_space<hbm>>, %arg3: memref<2528x128xi32, #tpu.memory_space<hbm>>, %arg4: memref<2528x128xi32, #tpu.memory_space<hbm>>, %arg5: memref<632x128xf32, #tpu.memory_space<hbm>>, %arg6: memref<2x10104x128xf32, #tpu.memory_space<hbm>>, %arg7: memref<8x128xi32, #tpu.memory_space<vmem>>, %arg8: memref<384x128xf32, #tpu.memory_space<vmem>>, %arg9: memref<10104x128xf32, #tpu.memory_space<vmem_shared>>, %arg10: memref<3x!tpu.dma_semaphore, #tpu.memory_space<semaphore_mem>>, %arg11: memref<3x!tpu.dma_semaphore, #tpu.memory_space<semaphore_mem>>, %arg12: memref<3x!tpu.dma_semaphore, #tpu.memory_space<semaphore_mem>>) attributes {dimension_semantics = [#tpu.dimension_semantics<core_parallel>, #tpu.dimension_semantics<subcore_parallel>], iteration_bounds = array<i64: 2, 16>, scalar_prefetch = 0 : i64, scratch_operands = 6 : i64, tpu.core_type = #tpu.core_type<sc_vector_subcore>, window_params = [{transform_indices = #map}, {transform_indices = #map}, {transform_indices = #map}, {transform_indices = #map}, {transform_indices = #map1}]} {
    %mul3A = arith.constant 16 : i32
    %mul3A_0 = arith.muli %arg0, %mul3A : i32
    %add3A = arith.addi %mul3A_0, %arg1 : i32
    %mul3A_1 = arith.constant 632 : i32
    %mul3A_2 = arith.muli %arg1, %mul3A_1 : i32
    %lt3A = arith.constant 15 : i32
    %lt3A_3 = arith.cmpi slt, %arg1, %lt3A : i32
    %convert_element_type3A = arith.extui %lt3A_3 : i1 to i32
    %cond3A = arith.constant 0 : i32
    %cond3A_4 = arith.cmpi ne, %convert_element_type3A, %cond3A : i32
    scf.if %cond3A_4 {
      "tpu.region"() ({
        %run_scoped3A = tpu.sem_alloc : memref<!tpu.dma_semaphore, #tpu.memory_space<semaphore_mem>>
        %dma_start3A = arith.constant 0 : i32
        %dma_start3A_29 = tpu.memref_slice %arg9[%mul3A_2, %dma_start3A] : memref<10104x128xf32, #tpu.memory_space<vmem_shared>> -> memref<632x128xf32, #tpu.memory_space<vmem_shared>>
        tpu.enqueue_dma source(%arg5 : memref<632x128xf32, #tpu.memory_space<hbm>>) target(%dma_start3A_29 : memref<632x128xf32, #tpu.memory_space<vmem_shared>>) target_semaphore(%run_scoped3A : memref<!tpu.dma_semaphore, #tpu.memory_space<semaphore_mem>>)
        %dma_wait3A = arith.constant 0 : i32
        %dma_wait3A_30 = tpu.memref_slice %arg9[%mul3A_2, %dma_wait3A] : memref<10104x128xf32, #tpu.memory_space<vmem_shared>> -> memref<632x128xf32, #tpu.memory_space<vmem_shared>>
        tpu.wait_dma2 semaphore(%run_scoped3A : memref<!tpu.dma_semaphore, #tpu.memory_space<semaphore_mem>>) src(%arg5 : memref<632x128xf32, #tpu.memory_space<hbm>>) dst(%dma_wait3A_30 : memref<632x128xf32, #tpu.memory_space<vmem_shared>>)
        tpu.yield
      }) : () -> ()
    } else {
    }
    %eq3A = arith.constant 15 : i32
    %eq3A_5 = arith.cmpi eq, %arg1, %eq3A : i32
    %convert_element_type3A_6 = arith.extui %eq3A_5 : i1 to i32
    %cond3A_7 = arith.constant 0 : i32
    %cond3A_8 = arith.cmpi ne, %convert_element_type3A_6, %cond3A_7 : i32
    scf.if %cond3A_8 {
      "tpu.region"() ({
        %run_scoped3A = tpu.sem_alloc : memref<!tpu.dma_semaphore, #tpu.memory_space<semaphore_mem>>
        %dma_start3A = arith.constant 0 : i32
        %dma_start3A_29 = tpu.memref_slice %arg9[%mul3A_2, %dma_start3A] : memref<10104x128xf32, #tpu.memory_space<vmem_shared>> -> memref<624x128xf32, #tpu.memory_space<vmem_shared>>
        %dma_start3A_30 = arith.constant 0 : i32
        %dma_start3A_31 = arith.constant 0 : i32
        %dma_start3A_32 = tpu.memref_slice %arg5[%dma_start3A_30, %dma_start3A_31] : memref<632x128xf32, #tpu.memory_space<hbm>> -> memref<624x128xf32, #tpu.memory_space<hbm>>
        tpu.enqueue_dma source(%dma_start3A_32 : memref<624x128xf32, #tpu.memory_space<hbm>>) target(%dma_start3A_29 : memref<624x128xf32, #tpu.memory_space<vmem_shared>>) target_semaphore(%run_scoped3A : memref<!tpu.dma_semaphore, #tpu.memory_space<semaphore_mem>>)
        %dma_wait3A = arith.constant 0 : i32
        %dma_wait3A_33 = tpu.memref_slice %arg9[%mul3A_2, %dma_wait3A] : memref<10104x128xf32, #tpu.memory_space<vmem_shared>> -> memref<624x128xf32, #tpu.memory_space<vmem_shared>>
        %dma_wait3A_34 = arith.constant 0 : i32
        %dma_wait3A_35 = arith.constant 0 : i32
        %dma_wait3A_36 = tpu.memref_slice %arg5[%dma_wait3A_34, %dma_wait3A_35] : memref<632x128xf32, #tpu.memory_space<hbm>> -> memref<624x128xf32, #tpu.memory_space<hbm>>
        tpu.wait_dma2 semaphore(%run_scoped3A : memref<!tpu.dma_semaphore, #tpu.memory_space<semaphore_mem>>) src(%dma_wait3A_36 : memref<624x128xf32, #tpu.memory_space<hbm>>) dst(%dma_wait3A_33 : memref<624x128xf32, #tpu.memory_space<vmem_shared>>)
        tpu.yield
      }) : () -> ()
    } else {
    }
    %barrier3A = arith.constant 0 : index
    tpu.barrier barrier_id(%barrier3A)
    %scan3A = arith.constant 0 : i32
    %scan3A_9 = arith.constant 81 : i32
    %scan3A_10 = arith.addi %scan3A, %scan3A_9 : i32
    %scan3A_11 = arith.constant 1 : i32
    scf.for %scan3A_29 = %scan3A to %scan3A_10 step %scan3A_11  : i32 {
      %mul3A_30 = arith.constant 1 : i32
      %mul3A_31 = arith.muli %scan3A_29, %mul3A_30 : i32
      %add3A_32 = arith.constant 0 : i32
      %add3A_33 = arith.addi %add3A_32, %mul3A_31 : i32
      %ge3A = arith.constant 2 : i32
      %ge3A_34 = arith.cmpi sge, %add3A_33, %ge3A : i32
      %convert_element_type3A_35 = arith.extui %ge3A_34 : i1 to i32
      %cond3A_36 = arith.constant 0 : i32
      %cond3A_37 = arith.cmpi ne, %convert_element_type3A_35, %cond3A_36 : i32
      scf.if %cond3A_37 {
        %sub3A = arith.constant 2 : i32
        %sub3A_49 = arith.subi %add3A_33, %sub3A : i32
        %rem3A = arith.constant 3 : i32
        %rem3A_50 = arith.remsi %sub3A_49, %rem3A : i32
        %mul3A_51 = arith.constant 128 : i32
        %mul3A_52 = arith.muli %rem3A_50, %mul3A_51 : i32
        %dma_wait3A = arith.constant 0 : i32
        %dma_wait3A_53 = tpu.memref_slice %arg8[%mul3A_52, %dma_wait3A] : memref<384x128xf32, #tpu.memory_space<vmem>> -> memref<128x128xf32, #tpu.memory_space<vmem>>
        %dma_wait3A_54 = arith.constant 0 : i32
        %dma_wait3A_55 = tpu.memref_slice %arg7[%rem3A_50, %dma_wait3A_54] : memref<8x128xi32, #tpu.memory_space<vmem>> -> memref<1x128xi32, #tpu.memory_space<vmem>>
        %dma_wait3A_56 = tpu.memref_squeeze %dma_wait3A_55 : memref<1x128xi32, #tpu.memory_space<vmem>> -> memref<128xi32, #tpu.memory_space<vmem>>
        %dma_wait3A_57 = arith.constant 0 : i32
        %dma_wait3A_58 = arith.constant 0 : i32
        %dma_wait3A_59 = tpu.memref_slice %arg2[%dma_wait3A_57, %dma_wait3A_58] : memref<10000x128xf32, #tpu.memory_space<hbm>> -> memref<10000x128xf32, #tpu.memory_space<hbm>>
        %dma_wait3A_60 = tpu.memref_slice %arg11[%rem3A_50] : memref<3x!tpu.dma_semaphore, #tpu.memory_space<semaphore_mem>> -> memref<1x!tpu.dma_semaphore, #tpu.memory_space<semaphore_mem>>
        %dma_wait3A_61 = tpu.memref_squeeze %dma_wait3A_60 : memref<1x!tpu.dma_semaphore, #tpu.memory_space<semaphore_mem>> -> memref<!tpu.dma_semaphore, #tpu.memory_space<semaphore_mem>>
        tpu.wait_indirect_dma semaphore(%dma_wait3A_61 : memref<!tpu.dma_semaphore, #tpu.memory_space<semaphore_mem>>) src(%dma_wait3A_59 : memref<10000x128xf32, #tpu.memory_space<hbm>>) dst(%dma_wait3A_53 : memref<128x128xf32, #tpu.memory_space<vmem>>)
        %mul3A_62 = arith.constant 128 : i32
        %mul3A_63 = arith.muli %rem3A_50, %mul3A_62 : i32
        %add3A_64 = arith.constant 4 : i32
        %add3A_65 = arith.addi %add3A_64, %rem3A_50 : i32
        %dma_start3A = arith.constant 0 : i32
        %dma_start3A_66 = tpu.memref_slice %arg8[%mul3A_63, %dma_start3A] : memref<384x128xf32, #tpu.memory_space<vmem>> -> memref<128x128xf32, #tpu.memory_space<vmem>>
        %dma_start3A_67 = arith.constant 0 : i32
        %dma_start3A_68 = tpu.memref_slice %arg7[%add3A_65, %dma_start3A_67] : memref<8x128xi32, #tpu.memory_space<vmem>> -> memref<1x128xi32, #tpu.memory_space<vmem>>
        %dma_start3A_69 = tpu.memref_squeeze %dma_start3A_68 : memref<1x128xi32, #tpu.memory_space<vmem>> -> memref<128xi32, #tpu.memory_space<vmem>>
        %dma_start3A_70 = arith.constant 0 : i32
        %dma_start3A_71 = arith.constant 0 : i32
        %dma_start3A_72 = tpu.memref_slice %arg9[%dma_start3A_70, %dma_start3A_71] : memref<10104x128xf32, #tpu.memory_space<vmem_shared>> -> memref<10104x128xf32, #tpu.memory_space<vmem_shared>>
        %dma_start3A_73 = tpu.memref_slice %arg12[%rem3A_50] : memref<3x!tpu.dma_semaphore, #tpu.memory_space<semaphore_mem>> -> memref<1x!tpu.dma_semaphore, #tpu.memory_space<semaphore_mem>>
        %dma_start3A_74 = tpu.memref_squeeze %dma_start3A_73 : memref<1x!tpu.dma_semaphore, #tpu.memory_space<semaphore_mem>> -> memref<!tpu.dma_semaphore, #tpu.memory_space<semaphore_mem>>
        tpu.enqueue_indirect_dma source(%dma_start3A_66 : memref<128x128xf32, #tpu.memory_space<vmem>>) target(%dma_start3A_72 : memref<10104x128xf32, #tpu.memory_space<vmem_shared>>) offsets(%dma_start3A_69 : memref<128xi32, #tpu.memory_space<vmem>>) semaphore(%dma_start3A_74 : memref<!tpu.dma_semaphore, #tpu.memory_space<semaphore_mem>>) {add = true}
      } else {
      }
      %lt3A_38 = arith.constant 79 : i32
      %lt3A_39 = arith.cmpi slt, %add3A_33, %lt3A_38 : i32
      %convert_element_type3A_40 = arith.extui %lt3A_39 : i1 to i32
      %cond3A_41 = arith.constant 0 : i32
      %cond3A_42 = arith.cmpi ne, %convert_element_type3A_40, %cond3A_41 : i32
      scf.if %cond3A_42 {
        %rem3A = arith.constant 3 : i32
        %rem3A_49 = arith.remsi %add3A_33, %rem3A : i32
        %ge3A_50 = arith.constant 3 : i32
        %ge3A_51 = arith.cmpi sge, %add3A_33, %ge3A_50 : i32
        %convert_element_type3A_52 = arith.extui %ge3A_51 : i1 to i32
        %cond3A_53 = arith.constant 0 : i32
        %cond3A_54 = arith.cmpi ne, %convert_element_type3A_52, %cond3A_53 : i32
        scf.if %cond3A_54 {
          %sub3A = arith.constant 3 : i32
          %sub3A_90 = arith.subi %add3A_33, %sub3A : i32
          %mul3A_91 = arith.constant 128 : i32
          %mul3A_92 = arith.muli %rem3A_49, %mul3A_91 : i32
          %add3A_93 = arith.constant 4 : i32
          %add3A_94 = arith.addi %add3A_93, %rem3A_49 : i32
          %dma_wait3A = arith.constant 0 : i32
          %dma_wait3A_95 = tpu.memref_slice %arg8[%mul3A_92, %dma_wait3A] : memref<384x128xf32, #tpu.memory_space<vmem>> -> memref<128x128xf32, #tpu.memory_space<vmem>>
          %dma_wait3A_96 = arith.constant 0 : i32
          %dma_wait3A_97 = tpu.memref_slice %arg7[%add3A_94, %dma_wait3A_96] : memref<8x128xi32, #tpu.memory_space<vmem>> -> memref<1x128xi32, #tpu.memory_space<vmem>>
          %dma_wait3A_98 = tpu.memref_squeeze %dma_wait3A_97 : memref<1x128xi32, #tpu.memory_space<vmem>> -> memref<128xi32, #tpu.memory_space<vmem>>
          %dma_wait3A_99 = arith.constant 0 : i32
          %dma_wait3A_100 = arith.constant 0 : i32
          %dma_wait3A_101 = tpu.memref_slice %arg9[%dma_wait3A_99, %dma_wait3A_100] : memref<10104x128xf32, #tpu.memory_space<vmem_shared>> -> memref<10104x128xf32, #tpu.memory_space<vmem_shared>>
          %dma_wait3A_102 = tpu.memref_slice %arg12[%rem3A_49] : memref<3x!tpu.dma_semaphore, #tpu.memory_space<semaphore_mem>> -> memref<1x!tpu.dma_semaphore, #tpu.memory_space<semaphore_mem>>
          %dma_wait3A_103 = tpu.memref_squeeze %dma_wait3A_102 : memref<1x!tpu.dma_semaphore, #tpu.memory_space<semaphore_mem>> -> memref<!tpu.dma_semaphore, #tpu.memory_space<semaphore_mem>>
          tpu.wait_indirect_dma semaphore(%dma_wait3A_103 : memref<!tpu.dma_semaphore, #tpu.memory_space<semaphore_mem>>) src(%dma_wait3A_95 : memref<128x128xf32, #tpu.memory_space<vmem>>) dst(%dma_wait3A_101 : memref<10104x128xf32, #tpu.memory_space<vmem_shared>>)
        } else {
        }
        %mul3A_55 = arith.constant 79 : i32
        %mul3A_56 = arith.muli %add3A, %mul3A_55 : i32
        %add3A_57 = arith.addi %mul3A_56, %add3A_33 : i32
        %mul3A_58 = arith.constant 79 : i32
        %mul3A_59 = arith.muli %add3A, %mul3A_58 : i32
        %add3A_60 = arith.addi %mul3A_59, %add3A_33 : i32
        %add3A_61 = arith.constant 4 : i32
        %add3A_62 = arith.addi %add3A_61, %rem3A_49 : i32
        %dma_start3A = arith.constant 0 : i32
        %dma_start3A_63 = tpu.memref_slice %arg7[%rem3A_49, %dma_start3A] : memref<8x128xi32, #tpu.memory_space<vmem>> -> memref<1x128xi32, #tpu.memory_space<vmem>>
        %dma_start3A_64 = tpu.memref_squeeze %dma_start3A_63 : memref<1x128xi32, #tpu.memory_space<vmem>> -> memref<128xi32, #tpu.memory_space<vmem>>
        %dma_start3A_65 = arith.constant 0 : i32
        %dma_start3A_66 = tpu.memref_slice %arg3[%add3A_57, %dma_start3A_65] : memref<2528x128xi32, #tpu.memory_space<hbm>> -> memref<1x128xi32, #tpu.memory_space<hbm>>
        %dma_start3A_67 = tpu.memref_squeeze %dma_start3A_66 : memref<1x128xi32, #tpu.memory_space<hbm>> -> memref<128xi32, #tpu.memory_space<hbm>>
        %dma_start3A_68 = tpu.memref_slice %arg10[%rem3A_49] : memref<3x!tpu.dma_semaphore, #tpu.memory_space<semaphore_mem>> -> memref<1x!tpu.dma_semaphore, #tpu.memory_space<semaphore_mem>>
        %dma_start3A_69 = tpu.memref_squeeze %dma_start3A_68 : memref<1x!tpu.dma_semaphore, #tpu.memory_space<semaphore_mem>> -> memref<!tpu.dma_semaphore, #tpu.memory_space<semaphore_mem>>
        %dma_start3A_70 = arith.constant 0 : i32
        %dma_start3A_71 = tpu.memref_slice %arg7[%rem3A_49, %dma_start3A_70] : memref<8x128xi32, #tpu.memory_space<vmem>> -> memref<1x128xi32, #tpu.memory_space<vmem>>
        %dma_start3A_72 = tpu.memref_squeeze %dma_start3A_71 : memref<1x128xi32, #tpu.memory_space<vmem>> -> memref<128xi32, #tpu.memory_space<vmem>>
        %dma_start3A_73 = arith.constant 0 : i32
        %dma_start3A_74 = tpu.memref_slice %arg3[%add3A_57, %dma_start3A_73] : memref<2528x128xi32, #tpu.memory_space<hbm>> -> memref<1x128xi32, #tpu.memory_space<hbm>>
        %dma_start3A_75 = tpu.memref_squeeze %dma_start3A_74 : memref<1x128xi32, #tpu.memory_space<hbm>> -> memref<128xi32, #tpu.memory_space<hbm>>
        tpu.enqueue_dma source(%dma_start3A_75 : memref<128xi32, #tpu.memory_space<hbm>>) target(%dma_start3A_72 : memref<128xi32, #tpu.memory_space<vmem>>) target_semaphore(%dma_start3A_69 : memref<!tpu.dma_semaphore, #tpu.memory_space<semaphore_mem>>)
        %dma_start3A_76 = arith.constant 0 : i32
        %dma_start3A_77 = tpu.memref_slice %arg7[%add3A_62, %dma_start3A_76] : memref<8x128xi32, #tpu.memory_space<vmem>> -> memref<1x128xi32, #tpu.memory_space<vmem>>
        %dma_start3A_78 = tpu.memref_squeeze %dma_start3A_77 : memref<1x128xi32, #tpu.memory_space<vmem>> -> memref<128xi32, #tpu.memory_space<vmem>>
        %dma_start3A_79 = arith.constant 0 : i32
        %dma_start3A_80 = tpu.memref_slice %arg4[%add3A_60, %dma_start3A_79] : memref<2528x128xi32, #tpu.memory_space<hbm>> -> memref<1x128xi32, #tpu.memory_space<hbm>>
        %dma_start3A_81 = tpu.memref_squeeze %dma_start3A_80 : memref<1x128xi32, #tpu.memory_space<hbm>> -> memref<128xi32, #tpu.memory_space<hbm>>
        %dma_start3A_82 = tpu.memref_slice %arg10[%rem3A_49] : memref<3x!tpu.dma_semaphore, #tpu.memory_space<semaphore_mem>> -> memref<1x!tpu.dma_semaphore, #tpu.memory_space<semaphore_mem>>
        %dma_start3A_83 = tpu.memref_squeeze %dma_start3A_82 : memref<1x!tpu.dma_semaphore, #tpu.memory_space<semaphore_mem>> -> memref<!tpu.dma_semaphore, #tpu.memory_space<semaphore_mem>>
        %dma_start3A_84 = arith.constant 0 : i32
        %dma_start3A_85 = tpu.memref_slice %arg7[%add3A_62, %dma_start3A_84] : memref<8x128xi32, #tpu.memory_space<vmem>> -> memref<1x128xi32, #tpu.memory_space<vmem>>
        %dma_start3A_86 = tpu.memref_squeeze %dma_start3A_85 : memref<1x128xi32, #tpu.memory_space<vmem>> -> memref<128xi32, #tpu.memory_space<vmem>>
        %dma_start3A_87 = arith.constant 0 : i32
        %dma_start3A_88 = tpu.memref_slice %arg4[%add3A_60, %dma_start3A_87] : memref<2528x128xi32, #tpu.memory_space<hbm>> -> memref<1x128xi32, #tpu.memory_space<hbm>>
        %dma_start3A_89 = tpu.memref_squeeze %dma_start3A_88 : memref<1x128xi32, #tpu.memory_space<hbm>> -> memref<128xi32, #tpu.memory_space<hbm>>
        tpu.enqueue_dma source(%dma_start3A_89 : memref<128xi32, #tpu.memory_space<hbm>>) target(%dma_start3A_86 : memref<128xi32, #tpu.memory_space<vmem>>) target_semaphore(%dma_start3A_83 : memref<!tpu.dma_semaphore, #tpu.memory_space<semaphore_mem>>)
      } else {
      }
      %ge3A_43 = arith.constant 1 : i32
      %ge3A_44 = arith.cmpi sge, %add3A_33, %ge3A_43 : i32
      %le3A = arith.constant 79 : i32
      %le3A_45 = arith.cmpi sle, %add3A_33, %le3A : i32
      %and3A = arith.andi %ge3A_44, %le3A_45 : i1
      %convert_element_type3A_46 = arith.extui %and3A : i1 to i32
      %cond3A_47 = arith.constant 0 : i32
      %cond3A_48 = arith.cmpi ne, %convert_element_type3A_46, %cond3A_47 : i32
      scf.if %cond3A_48 {
        %sub3A = arith.constant 1 : i32
        %sub3A_49 = arith.subi %add3A_33, %sub3A : i32
        %rem3A = arith.constant 3 : i32
        %rem3A_50 = arith.remsi %sub3A_49, %rem3A : i32
        %mul3A_51 = arith.constant 79 : i32
        %mul3A_52 = arith.muli %add3A, %mul3A_51 : i32
        %add3A_53 = arith.addi %mul3A_52, %sub3A_49 : i32
        %mul3A_54 = arith.constant 79 : i32
        %mul3A_55 = arith.muli %add3A, %mul3A_54 : i32
        %add3A_56 = arith.addi %mul3A_55, %sub3A_49 : i32
        %add3A_57 = arith.constant 4 : i32
        %add3A_58 = arith.addi %add3A_57, %rem3A_50 : i32
        %dma_wait3A = arith.constant 0 : i32
        %dma_wait3A_59 = tpu.memref_slice %arg7[%rem3A_50, %dma_wait3A] : memref<8x128xi32, #tpu.memory_space<vmem>> -> memref<1x128xi32, #tpu.memory_space<vmem>>
        %dma_wait3A_60 = tpu.memref_squeeze %dma_wait3A_59 : memref<1x128xi32, #tpu.memory_space<vmem>> -> memref<128xi32, #tpu.memory_space<vmem>>
        %dma_wait3A_61 = arith.constant 0 : i32
        %dma_wait3A_62 = tpu.memref_slice %arg3[%add3A_53, %dma_wait3A_61] : memref<2528x128xi32, #tpu.memory_space<hbm>> -> memref<1x128xi32, #tpu.memory_space<hbm>>
        %dma_wait3A_63 = tpu.memref_squeeze %dma_wait3A_62 : memref<1x128xi32, #tpu.memory_space<hbm>> -> memref<128xi32, #tpu.memory_space<hbm>>
        %dma_wait3A_64 = tpu.memref_slice %arg10[%rem3A_50] : memref<3x!tpu.dma_semaphore, #tpu.memory_space<semaphore_mem>> -> memref<1x!tpu.dma_semaphore, #tpu.memory_space<semaphore_mem>>
        %dma_wait3A_65 = tpu.memref_squeeze %dma_wait3A_64 : memref<1x!tpu.dma_semaphore, #tpu.memory_space<semaphore_mem>> -> memref<!tpu.dma_semaphore, #tpu.memory_space<semaphore_mem>>
        %dma_wait3A_66 = arith.constant 0 : i32
        %dma_wait3A_67 = tpu.memref_slice %arg7[%rem3A_50, %dma_wait3A_66] : memref<8x128xi32, #tpu.memory_space<vmem>> -> memref<1x128xi32, #tpu.memory_space<vmem>>
        %dma_wait3A_68 = tpu.memref_squeeze %dma_wait3A_67 : memref<1x128xi32, #tpu.memory_space<vmem>> -> memref<128xi32, #tpu.memory_space<vmem>>
        %dma_wait3A_69 = arith.constant 0 : i32
        %dma_wait3A_70 = tpu.memref_slice %arg3[%add3A_53, %dma_wait3A_69] : memref<2528x128xi32, #tpu.memory_space<hbm>> -> memref<1x128xi32, #tpu.memory_space<hbm>>
        %dma_wait3A_71 = tpu.memref_squeeze %dma_wait3A_70 : memref<1x128xi32, #tpu.memory_space<hbm>> -> memref<128xi32, #tpu.memory_space<hbm>>
        tpu.wait_dma2 semaphore(%dma_wait3A_65 : memref<!tpu.dma_semaphore, #tpu.memory_space<semaphore_mem>>) src(%dma_wait3A_71 : memref<128xi32, #tpu.memory_space<hbm>>) dst(%dma_wait3A_68 : memref<128xi32, #tpu.memory_space<vmem>>)
        %dma_wait3A_72 = arith.constant 0 : i32
        %dma_wait3A_73 = tpu.memref_slice %arg7[%add3A_58, %dma_wait3A_72] : memref<8x128xi32, #tpu.memory_space<vmem>> -> memref<1x128xi32, #tpu.memory_space<vmem>>
        %dma_wait3A_74 = tpu.memref_squeeze %dma_wait3A_73 : memref<1x128xi32, #tpu.memory_space<vmem>> -> memref<128xi32, #tpu.memory_space<vmem>>
        %dma_wait3A_75 = arith.constant 0 : i32
        %dma_wait3A_76 = tpu.memref_slice %arg4[%add3A_56, %dma_wait3A_75] : memref<2528x128xi32, #tpu.memory_space<hbm>> -> memref<1x128xi32, #tpu.memory_space<hbm>>
        %dma_wait3A_77 = tpu.memref_squeeze %dma_wait3A_76 : memref<1x128xi32, #tpu.memory_space<hbm>> -> memref<128xi32, #tpu.memory_space<hbm>>
        %dma_wait3A_78 = tpu.memref_slice %arg10[%rem3A_50] : memref<3x!tpu.dma_semaphore, #tpu.memory_space<semaphore_mem>> -> memref<1x!tpu.dma_semaphore, #tpu.memory_space<semaphore_mem>>
        %dma_wait3A_79 = tpu.memref_squeeze %dma_wait3A_78 : memref<1x!tpu.dma_semaphore, #tpu.memory_space<semaphore_mem>> -> memref<!tpu.dma_semaphore, #tpu.memory_space<semaphore_mem>>
        %dma_wait3A_80 = arith.constant 0 : i32
        %dma_wait3A_81 = tpu.memref_slice %arg7[%add3A_58, %dma_wait3A_80] : memref<8x128xi32, #tpu.memory_space<vmem>> -> memref<1x128xi32, #tpu.memory_space<vmem>>
        %dma_wait3A_82 = tpu.memref_squeeze %dma_wait3A_81 : memref<1x128xi32, #tpu.memory_space<vmem>> -> memref<128xi32, #tpu.memory_space<vmem>>
        %dma_wait3A_83 = arith.constant 0 : i32
        %dma_wait3A_84 = tpu.memref_slice %arg4[%add3A_56, %dma_wait3A_83] : memref<2528x128xi32, #tpu.memory_space<hbm>> -> memref<1x128xi32, #tpu.memory_space<hbm>>
        %dma_wait3A_85 = tpu.memref_squeeze %dma_wait3A_84 : memref<1x128xi32, #tpu.memory_space<hbm>> -> memref<128xi32, #tpu.memory_space<hbm>>
        tpu.wait_dma2 semaphore(%dma_wait3A_79 : memref<!tpu.dma_semaphore, #tpu.memory_space<semaphore_mem>>) src(%dma_wait3A_85 : memref<128xi32, #tpu.memory_space<hbm>>) dst(%dma_wait3A_82 : memref<128xi32, #tpu.memory_space<vmem>>)
        %mul3A_86 = arith.constant 128 : i32
        %mul3A_87 = arith.muli %rem3A_50, %mul3A_86 : i32
        %dma_start3A = arith.constant 0 : i32
        %dma_start3A_88 = tpu.memref_slice %arg8[%mul3A_87, %dma_start3A] : memref<384x128xf32, #tpu.memory_space<vmem>> -> memref<128x128xf32, #tpu.memory_space<vmem>>
        %dma_start3A_89 = arith.constant 0 : i32
        %dma_start3A_90 = tpu.memref_slice %arg7[%rem3A_50, %dma_start3A_89] : memref<8x128xi32, #tpu.memory_space<vmem>> -> memref<1x128xi32, #tpu.memory_space<vmem>>
        %dma_start3A_91 = tpu.memref_squeeze %dma_start3A_90 : memref<1x128xi32, #tpu.memory_space<vmem>> -> memref<128xi32, #tpu.memory_space<vmem>>
        %dma_start3A_92 = arith.constant 0 : i32
        %dma_start3A_93 = arith.constant 0 : i32
        %dma_start3A_94 = tpu.memref_slice %arg2[%dma_start3A_92, %dma_start3A_93] : memref<10000x128xf32, #tpu.memory_space<hbm>> -> memref<10000x128xf32, #tpu.memory_space<hbm>>
        %dma_start3A_95 = tpu.memref_slice %arg11[%rem3A_50] : memref<3x!tpu.dma_semaphore, #tpu.memory_space<semaphore_mem>> -> memref<1x!tpu.dma_semaphore, #tpu.memory_space<semaphore_mem>>
        %dma_start3A_96 = tpu.memref_squeeze %dma_start3A_95 : memref<1x!tpu.dma_semaphore, #tpu.memory_space<semaphore_mem>> -> memref<!tpu.dma_semaphore, #tpu.memory_space<semaphore_mem>>
        tpu.enqueue_indirect_dma source(%dma_start3A_94 : memref<10000x128xf32, #tpu.memory_space<hbm>>) target(%dma_start3A_88 : memref<128x128xf32, #tpu.memory_space<vmem>>) offsets(%dma_start3A_91 : memref<128xi32, #tpu.memory_space<vmem>>) semaphore(%dma_start3A_96 : memref<!tpu.dma_semaphore, #tpu.memory_space<semaphore_mem>>)
      } else {
      }
    }
    %scan3A_12 = arith.constant 81 : i32
    %scan3A_13 = arith.constant 0 : i32
    %scan3A_14 = arith.constant 3 : i32
    %scan3A_15 = arith.addi %scan3A_13, %scan3A_14 : i32
    %scan3A_16 = arith.constant 1 : i32
    scf.for %scan3A_29 = %scan3A_13 to %scan3A_15 step %scan3A_16  : i32 {
      %mul3A_30 = arith.constant 1 : i32
      %mul3A_31 = arith.muli %scan3A_29, %mul3A_30 : i32
      %add3A_32 = arith.constant 76 : i32
      %add3A_33 = arith.addi %add3A_32, %mul3A_31 : i32
      %rem3A = arith.constant 3 : i32
      %rem3A_34 = arith.remsi %add3A_33, %rem3A : i32
      %mul3A_35 = arith.constant 128 : i32
      %mul3A_36 = arith.muli %rem3A_34, %mul3A_35 : i32
      %add3A_37 = arith.constant 4 : i32
      %add3A_38 = arith.addi %add3A_37, %rem3A_34 : i32
      %dma_wait3A = arith.constant 0 : i32
      %dma_wait3A_39 = tpu.memref_slice %arg8[%mul3A_36, %dma_wait3A] : memref<384x128xf32, #tpu.memory_space<vmem>> -> memref<128x128xf32, #tpu.memory_space<vmem>>
      %dma_wait3A_40 = arith.constant 0 : i32
      %dma_wait3A_41 = tpu.memref_slice %arg7[%add3A_38, %dma_wait3A_40] : memref<8x128xi32, #tpu.memory_space<vmem>> -> memref<1x128xi32, #tpu.memory_space<vmem>>
      %dma_wait3A_42 = tpu.memref_squeeze %dma_wait3A_41 : memref<1x128xi32, #tpu.memory_space<vmem>> -> memref<128xi32, #tpu.memory_space<vmem>>
      %dma_wait3A_43 = arith.constant 0 : i32
      %dma_wait3A_44 = arith.constant 0 : i32
      %dma_wait3A_45 = tpu.memref_slice %arg9[%dma_wait3A_43, %dma_wait3A_44] : memref<10104x128xf32, #tpu.memory_space<vmem_shared>> -> memref<10104x128xf32, #tpu.memory_space<vmem_shared>>
      %dma_wait3A_46 = tpu.memref_slice %arg12[%rem3A_34] : memref<3x!tpu.dma_semaphore, #tpu.memory_space<semaphore_mem>> -> memref<1x!tpu.dma_semaphore, #tpu.memory_space<semaphore_mem>>
      %dma_wait3A_47 = tpu.memref_squeeze %dma_wait3A_46 : memref<1x!tpu.dma_semaphore, #tpu.memory_space<semaphore_mem>> -> memref<!tpu.dma_semaphore, #tpu.memory_space<semaphore_mem>>
      tpu.wait_indirect_dma semaphore(%dma_wait3A_47 : memref<!tpu.dma_semaphore, #tpu.memory_space<semaphore_mem>>) src(%dma_wait3A_39 : memref<128x128xf32, #tpu.memory_space<vmem>>) dst(%dma_wait3A_45 : memref<10104x128xf32, #tpu.memory_space<vmem_shared>>)
    }
    %scan3A_17 = arith.constant 3 : i32
    %barrier3A_18 = arith.constant 0 : index
    tpu.barrier barrier_id(%barrier3A_18)
    %lt3A_19 = arith.constant 15 : i32
    %lt3A_20 = arith.cmpi slt, %arg1, %lt3A_19 : i32
    %convert_element_type3A_21 = arith.extui %lt3A_20 : i1 to i32
    %cond3A_22 = arith.constant 0 : i32
    %cond3A_23 = arith.cmpi ne, %convert_element_type3A_21, %cond3A_22 : i32
    scf.if %cond3A_23 {
      "tpu.region"() ({
        %run_scoped3A = tpu.sem_alloc : memref<!tpu.dma_semaphore, #tpu.memory_space<semaphore_mem>>
        %dma_start3A = arith.constant 0 : i32
        %dma_start3A_29 = tpu.memref_slice %arg6[%arg0, %mul3A_2, %dma_start3A] : memref<2x10104x128xf32, #tpu.memory_space<hbm>> -> memref<1x632x128xf32, #tpu.memory_space<hbm>>
        %dma_start3A_30 = tpu.memref_squeeze %dma_start3A_29 : memref<1x632x128xf32, #tpu.memory_space<hbm>> -> memref<632x128xf32, #tpu.memory_space<hbm>>
        %dma_start3A_31 = arith.constant 0 : i32
        %dma_start3A_32 = tpu.memref_slice %arg9[%mul3A_2, %dma_start3A_31] : memref<10104x128xf32, #tpu.memory_space<vmem_shared>> -> memref<632x128xf32, #tpu.memory_space<vmem_shared>>
        tpu.enqueue_dma source(%dma_start3A_32 : memref<632x128xf32, #tpu.memory_space<vmem_shared>>) target(%dma_start3A_30 : memref<632x128xf32, #tpu.memory_space<hbm>>) target_semaphore(%run_scoped3A : memref<!tpu.dma_semaphore, #tpu.memory_space<semaphore_mem>>)
        %dma_wait3A = arith.constant 0 : i32
        %dma_wait3A_33 = tpu.memref_slice %arg6[%arg0, %mul3A_2, %dma_wait3A] : memref<2x10104x128xf32, #tpu.memory_space<hbm>> -> memref<1x632x128xf32, #tpu.memory_space<hbm>>
        %dma_wait3A_34 = tpu.memref_squeeze %dma_wait3A_33 : memref<1x632x128xf32, #tpu.memory_space<hbm>> -> memref<632x128xf32, #tpu.memory_space<hbm>>
        %dma_wait3A_35 = arith.constant 0 : i32
        %dma_wait3A_36 = tpu.memref_slice %arg9[%mul3A_2, %dma_wait3A_35] : memref<10104x128xf32, #tpu.memory_space<vmem_shared>> -> memref<632x128xf32, #tpu.memory_space<vmem_shared>>
        tpu.wait_dma2 semaphore(%run_scoped3A : memref<!tpu.dma_semaphore, #tpu.memory_space<semaphore_mem>>) src(%dma_wait3A_36 : memref<632x128xf32, #tpu.memory_space<vmem_shared>>) dst(%dma_wait3A_34 : memref<632x128xf32, #tpu.memory_space<hbm>>)
        tpu.yield
      }) : () -> ()
    } else {
    }
    %eq3A_24 = arith.constant 15 : i32
    %eq3A_25 = arith.cmpi eq, %arg1, %eq3A_24 : i32
    %convert_element_type3A_26 = arith.extui %eq3A_25 : i1 to i32
    %cond3A_27 = arith.constant 0 : i32
    %cond3A_28 = arith.cmpi ne, %convert_element_type3A_26, %cond3A_27 : i32
    scf.if %cond3A_28 {
      "tpu.region"() ({
        %run_scoped3A = tpu.sem_alloc : memref<!tpu.dma_semaphore, #tpu.memory_space<semaphore_mem>>
        %dma_start3A = arith.constant 0 : i32
        %dma_start3A_29 = tpu.memref_slice %arg6[%arg0, %mul3A_2, %dma_start3A] : memref<2x10104x128xf32, #tpu.memory_space<hbm>> -> memref<1x624x128xf32, #tpu.memory_space<hbm>>
        %dma_start3A_30 = tpu.memref_squeeze %dma_start3A_29 : memref<1x624x128xf32, #tpu.memory_space<hbm>> -> memref<624x128xf32, #tpu.memory_space<hbm>>
        %dma_start3A_31 = arith.constant 0 : i32
        %dma_start3A_32 = tpu.memref_slice %arg9[%mul3A_2, %dma_start3A_31] : memref<10104x128xf32, #tpu.memory_space<vmem_shared>> -> memref<624x128xf32, #tpu.memory_space<vmem_shared>>
        tpu.enqueue_dma source(%dma_start3A_32 : memref<624x128xf32, #tpu.memory_space<vmem_shared>>) target(%dma_start3A_30 : memref<624x128xf32, #tpu.memory_space<hbm>>) target_semaphore(%run_scoped3A : memref<!tpu.dma_semaphore, #tpu.memory_space<semaphore_mem>>)
        %dma_wait3A = arith.constant 0 : i32
        %dma_wait3A_33 = tpu.memref_slice %arg6[%arg0, %mul3A_2, %dma_wait3A] : memref<2x10104x128xf32, #tpu.memory_space<hbm>> -> memref<1x624x128xf32, #tpu.memory_space<hbm>>
        %dma_wait3A_34 = tpu.memref_squeeze %dma_wait3A_33 : memref<1x624x128xf32, #tpu.memory_space<hbm>> -> memref<624x128xf32, #tpu.memory_space<hbm>>
        %dma_wait3A_35 = arith.constant 0 : i32
        %dma_wait3A_36 = tpu.memref_slice %arg9[%mul3A_2, %dma_wait3A_35] : memref<10104x128xf32, #tpu.memory_space<vmem_shared>> -> memref<624x128xf32, #tpu.memory_space<vmem_shared>>
        tpu.wait_dma2 semaphore(%run_scoped3A : memref<!tpu.dma_semaphore, #tpu.memory_space<semaphore_mem>>) src(%dma_wait3A_36 : memref<624x128xf32, #tpu.memory_space<vmem_shared>>) dst(%dma_wait3A_34 : memref<624x128xf32, #tpu.memory_space<hbm>>)
        tpu.yield
      }) : () -> ()
    } else {
    }
    return
  }
}

#map = affine_map<(d0, d1) -> (0, 0, 0)>
#map1 = affine_map<(d0, d1) -> (0, 0)>
module attributes {stable_mosaic.version = 14 : i64} {
  func.func @k(%arg0: i32, %arg1: i32, %arg2: memref<32x79x128xi32, #tpu.memory_space<hbm>>, %arg3: memref<632x128xf32, #tpu.memory_space<hbm>>, %arg4: memref<128x128xf32, #tpu.memory_space<hbm>>, %arg5: memref<2x10104x128xf32, #tpu.memory_space<hbm>>, %arg6: memref<79x128xi32, #tpu.memory_space<vmem>>, %arg7: memref<128x128xf32, #tpu.memory_space<vmem>>, %arg8: memref<10104x128xf32, #tpu.memory_space<vmem_shared>>, %arg9: memref<!tpu.dma_semaphore, #tpu.memory_space<semaphore_mem>>) attributes {dimension_semantics = [#tpu.dimension_semantics<core_parallel>, #tpu.dimension_semantics<subcore_parallel>], iteration_bounds = array<i64: 2, 16>, scalar_prefetch = 0 : i64, scratch_operands = 4 : i64, tpu.core_type = #tpu.core_type<sc_vector_subcore>, window_params = [{transform_indices = #map}, {transform_indices = #map1}, {transform_indices = #map1}, {transform_indices = #map}]} {
    %mul3A = arith.constant 16 : i32
    %mul3A_0 = arith.muli %arg0, %mul3A : i32
    %add3A = arith.addi %mul3A_0, %arg1 : i32
    %mul3A_1 = arith.constant 632 : i32
    %mul3A_2 = arith.muli %arg1, %mul3A_1 : i32
    "tpu.region"() ({
      %run_scoped3A = tpu.sem_alloc : memref<!tpu.dma_semaphore, #tpu.memory_space<semaphore_mem>>
      %dma_start3A_56 = arith.constant 0 : i32
      %dma_start3A_57 = arith.constant 0 : i32
      %dma_start3A_58 = tpu.memref_slice %arg2[%add3A, %dma_start3A_56, %dma_start3A_57] : memref<32x79x128xi32, #tpu.memory_space<hbm>> -> memref<1x79x128xi32, #tpu.memory_space<hbm>>
      %dma_start3A_59 = tpu.memref_squeeze %dma_start3A_58 : memref<1x79x128xi32, #tpu.memory_space<hbm>> -> memref<79x128xi32, #tpu.memory_space<hbm>>
      %dma_start3A_60 = arith.constant 0 : i32
      %dma_start3A_61 = arith.constant 0 : i32
      %dma_start3A_62 = tpu.memref_slice %arg2[%add3A, %dma_start3A_60, %dma_start3A_61] : memref<32x79x128xi32, #tpu.memory_space<hbm>> -> memref<1x79x128xi32, #tpu.memory_space<hbm>>
      %dma_start3A_63 = tpu.memref_squeeze %dma_start3A_62 : memref<1x79x128xi32, #tpu.memory_space<hbm>> -> memref<79x128xi32, #tpu.memory_space<hbm>>
      tpu.enqueue_dma source(%dma_start3A_63 : memref<79x128xi32, #tpu.memory_space<hbm>>) target(%arg6 : memref<79x128xi32, #tpu.memory_space<vmem>>) target_semaphore(%run_scoped3A : memref<!tpu.dma_semaphore, #tpu.memory_space<semaphore_mem>>)
      %dma_wait3A = arith.constant 0 : i32
      %dma_wait3A_64 = arith.constant 0 : i32
      %dma_wait3A_65 = tpu.memref_slice %arg2[%add3A, %dma_wait3A, %dma_wait3A_64] : memref<32x79x128xi32, #tpu.memory_space<hbm>> -> memref<1x79x128xi32, #tpu.memory_space<hbm>>
      %dma_wait3A_66 = tpu.memref_squeeze %dma_wait3A_65 : memref<1x79x128xi32, #tpu.memory_space<hbm>> -> memref<79x128xi32, #tpu.memory_space<hbm>>
      %dma_wait3A_67 = arith.constant 0 : i32
      %dma_wait3A_68 = arith.constant 0 : i32
      %dma_wait3A_69 = tpu.memref_slice %arg2[%add3A, %dma_wait3A_67, %dma_wait3A_68] : memref<32x79x128xi32, #tpu.memory_space<hbm>> -> memref<1x79x128xi32, #tpu.memory_space<hbm>>
      %dma_wait3A_70 = tpu.memref_squeeze %dma_wait3A_69 : memref<1x79x128xi32, #tpu.memory_space<hbm>> -> memref<79x128xi32, #tpu.memory_space<hbm>>
      tpu.wait_dma2 semaphore(%run_scoped3A : memref<!tpu.dma_semaphore, #tpu.memory_space<semaphore_mem>>) src(%dma_wait3A_70 : memref<79x128xi32, #tpu.memory_space<hbm>>) dst(%arg6 : memref<79x128xi32, #tpu.memory_space<vmem>>)
      tpu.yield
    }) : () -> ()
    "tpu.region"() ({
      %run_scoped3A = tpu.sem_alloc : memref<!tpu.dma_semaphore, #tpu.memory_space<semaphore_mem>>
      tpu.enqueue_dma source(%arg4 : memref<128x128xf32, #tpu.memory_space<hbm>>) target(%arg7 : memref<128x128xf32, #tpu.memory_space<vmem>>) target_semaphore(%run_scoped3A : memref<!tpu.dma_semaphore, #tpu.memory_space<semaphore_mem>>)
      tpu.wait_dma2 semaphore(%run_scoped3A : memref<!tpu.dma_semaphore, #tpu.memory_space<semaphore_mem>>) src(%arg4 : memref<128x128xf32, #tpu.memory_space<hbm>>) dst(%arg7 : memref<128x128xf32, #tpu.memory_space<vmem>>)
      tpu.yield
    }) : () -> ()
    %lt3A = arith.constant 15 : i32
    %lt3A_3 = arith.cmpi slt, %arg1, %lt3A : i32
    %convert_element_type3A = arith.extui %lt3A_3 : i1 to i32
    %cond3A = arith.constant 0 : i32
    %cond3A_4 = arith.cmpi ne, %convert_element_type3A, %cond3A : i32
    scf.if %cond3A_4 {
      "tpu.region"() ({
        %run_scoped3A = tpu.sem_alloc : memref<!tpu.dma_semaphore, #tpu.memory_space<semaphore_mem>>
        %dma_start3A_56 = arith.constant 0 : i32
        %dma_start3A_57 = tpu.memref_slice %arg8[%mul3A_2, %dma_start3A_56] : memref<10104x128xf32, #tpu.memory_space<vmem_shared>> -> memref<632x128xf32, #tpu.memory_space<vmem_shared>>
        tpu.enqueue_dma source(%arg3 : memref<632x128xf32, #tpu.memory_space<hbm>>) target(%dma_start3A_57 : memref<632x128xf32, #tpu.memory_space<vmem_shared>>) target_semaphore(%run_scoped3A : memref<!tpu.dma_semaphore, #tpu.memory_space<semaphore_mem>>)
        %dma_wait3A = arith.constant 0 : i32
        %dma_wait3A_58 = tpu.memref_slice %arg8[%mul3A_2, %dma_wait3A] : memref<10104x128xf32, #tpu.memory_space<vmem_shared>> -> memref<632x128xf32, #tpu.memory_space<vmem_shared>>
        tpu.wait_dma2 semaphore(%run_scoped3A : memref<!tpu.dma_semaphore, #tpu.memory_space<semaphore_mem>>) src(%arg3 : memref<632x128xf32, #tpu.memory_space<hbm>>) dst(%dma_wait3A_58 : memref<632x128xf32, #tpu.memory_space<vmem_shared>>)
        tpu.yield
      }) : () -> ()
    } else {
    }
    %eq3A = arith.constant 15 : i32
    %eq3A_5 = arith.cmpi eq, %arg1, %eq3A : i32
    %convert_element_type3A_6 = arith.extui %eq3A_5 : i1 to i32
    %cond3A_7 = arith.constant 0 : i32
    %cond3A_8 = arith.cmpi ne, %convert_element_type3A_6, %cond3A_7 : i32
    scf.if %cond3A_8 {
      "tpu.region"() ({
        %run_scoped3A = tpu.sem_alloc : memref<!tpu.dma_semaphore, #tpu.memory_space<semaphore_mem>>
        %dma_start3A_56 = arith.constant 0 : i32
        %dma_start3A_57 = tpu.memref_slice %arg8[%mul3A_2, %dma_start3A_56] : memref<10104x128xf32, #tpu.memory_space<vmem_shared>> -> memref<624x128xf32, #tpu.memory_space<vmem_shared>>
        %dma_start3A_58 = arith.constant 0 : i32
        %dma_start3A_59 = arith.constant 0 : i32
        %dma_start3A_60 = tpu.memref_slice %arg3[%dma_start3A_58, %dma_start3A_59] : memref<632x128xf32, #tpu.memory_space<hbm>> -> memref<624x128xf32, #tpu.memory_space<hbm>>
        tpu.enqueue_dma source(%dma_start3A_60 : memref<624x128xf32, #tpu.memory_space<hbm>>) target(%dma_start3A_57 : memref<624x128xf32, #tpu.memory_space<vmem_shared>>) target_semaphore(%run_scoped3A : memref<!tpu.dma_semaphore, #tpu.memory_space<semaphore_mem>>)
        %dma_wait3A = arith.constant 0 : i32
        %dma_wait3A_61 = tpu.memref_slice %arg8[%mul3A_2, %dma_wait3A] : memref<10104x128xf32, #tpu.memory_space<vmem_shared>> -> memref<624x128xf32, #tpu.memory_space<vmem_shared>>
        %dma_wait3A_62 = arith.constant 0 : i32
        %dma_wait3A_63 = arith.constant 0 : i32
        %dma_wait3A_64 = tpu.memref_slice %arg3[%dma_wait3A_62, %dma_wait3A_63] : memref<632x128xf32, #tpu.memory_space<hbm>> -> memref<624x128xf32, #tpu.memory_space<hbm>>
        tpu.wait_dma2 semaphore(%run_scoped3A : memref<!tpu.dma_semaphore, #tpu.memory_space<semaphore_mem>>) src(%dma_wait3A_64 : memref<624x128xf32, #tpu.memory_space<hbm>>) dst(%dma_wait3A_61 : memref<624x128xf32, #tpu.memory_space<vmem_shared>>)
        tpu.yield
      }) : () -> ()
    } else {
    }
    %barrier3A = arith.constant 0 : index
    tpu.barrier barrier_id(%barrier3A)
    %dma_start3A = arith.constant 0 : i32
    %dma_start3A_9 = arith.constant 0 : i32
    %dma_start3A_10 = tpu.memref_slice %arg6[%dma_start3A, %dma_start3A_9] : memref<79x128xi32, #tpu.memory_space<vmem>> -> memref<1x128xi32, #tpu.memory_space<vmem>>
    %dma_start3A_11 = tpu.memref_squeeze %dma_start3A_10 : memref<1x128xi32, #tpu.memory_space<vmem>> -> memref<128xi32, #tpu.memory_space<vmem>>
    %dma_start3A_12 = arith.constant 0 : i32
    %dma_start3A_13 = arith.constant 0 : i32
    %dma_start3A_14 = tpu.memref_slice %arg8[%dma_start3A_12, %dma_start3A_13] : memref<10104x128xf32, #tpu.memory_space<vmem_shared>> -> memref<10104x128xf32, #tpu.memory_space<vmem_shared>>
    tpu.enqueue_indirect_dma source(%arg7 : memref<128x128xf32, #tpu.memory_space<vmem>>) target(%dma_start3A_14 : memref<10104x128xf32, #tpu.memory_space<vmem_shared>>) offsets(%dma_start3A_11 : memref<128xi32, #tpu.memory_space<vmem>>) semaphore(%arg9 : memref<!tpu.dma_semaphore, #tpu.memory_space<semaphore_mem>>) {add = true}
    %dma_start3A_15 = arith.constant 1 : i32
    %dma_start3A_16 = arith.constant 0 : i32
    %dma_start3A_17 = tpu.memref_slice %arg6[%dma_start3A_15, %dma_start3A_16] : memref<79x128xi32, #tpu.memory_space<vmem>> -> memref<1x128xi32, #tpu.memory_space<vmem>>
    %dma_start3A_18 = tpu.memref_squeeze %dma_start3A_17 : memref<1x128xi32, #tpu.memory_space<vmem>> -> memref<128xi32, #tpu.memory_space<vmem>>
    %dma_start3A_19 = arith.constant 0 : i32
    %dma_start3A_20 = arith.constant 0 : i32
    %dma_start3A_21 = tpu.memref_slice %arg8[%dma_start3A_19, %dma_start3A_20] : memref<10104x128xf32, #tpu.memory_space<vmem_shared>> -> memref<10104x128xf32, #tpu.memory_space<vmem_shared>>
    tpu.enqueue_indirect_dma source(%arg7 : memref<128x128xf32, #tpu.memory_space<vmem>>) target(%dma_start3A_21 : memref<10104x128xf32, #tpu.memory_space<vmem_shared>>) offsets(%dma_start3A_18 : memref<128xi32, #tpu.memory_space<vmem>>) semaphore(%arg9 : memref<!tpu.dma_semaphore, #tpu.memory_space<semaphore_mem>>) {add = true}
    %dma_start3A_22 = arith.constant 2 : i32
    %dma_start3A_23 = arith.constant 0 : i32
    %dma_start3A_24 = tpu.memref_slice %arg6[%dma_start3A_22, %dma_start3A_23] : memref<79x128xi32, #tpu.memory_space<vmem>> -> memref<1x128xi32, #tpu.memory_space<vmem>>
    %dma_start3A_25 = tpu.memref_squeeze %dma_start3A_24 : memref<1x128xi32, #tpu.memory_space<vmem>> -> memref<128xi32, #tpu.memory_space<vmem>>
    %dma_start3A_26 = arith.constant 0 : i32
    %dma_start3A_27 = arith.constant 0 : i32
    %dma_start3A_28 = tpu.memref_slice %arg8[%dma_start3A_26, %dma_start3A_27] : memref<10104x128xf32, #tpu.memory_space<vmem_shared>> -> memref<10104x128xf32, #tpu.memory_space<vmem_shared>>
    tpu.enqueue_indirect_dma source(%arg7 : memref<128x128xf32, #tpu.memory_space<vmem>>) target(%dma_start3A_28 : memref<10104x128xf32, #tpu.memory_space<vmem_shared>>) offsets(%dma_start3A_25 : memref<128xi32, #tpu.memory_space<vmem>>) semaphore(%arg9 : memref<!tpu.dma_semaphore, #tpu.memory_space<semaphore_mem>>) {add = true}
    %dma_start3A_29 = arith.constant 3 : i32
    %dma_start3A_30 = arith.constant 0 : i32
    %dma_start3A_31 = tpu.memref_slice %arg6[%dma_start3A_29, %dma_start3A_30] : memref<79x128xi32, #tpu.memory_space<vmem>> -> memref<1x128xi32, #tpu.memory_space<vmem>>
    %dma_start3A_32 = tpu.memref_squeeze %dma_start3A_31 : memref<1x128xi32, #tpu.memory_space<vmem>> -> memref<128xi32, #tpu.memory_space<vmem>>
    %dma_start3A_33 = arith.constant 0 : i32
    %dma_start3A_34 = arith.constant 0 : i32
    %dma_start3A_35 = tpu.memref_slice %arg8[%dma_start3A_33, %dma_start3A_34] : memref<10104x128xf32, #tpu.memory_space<vmem_shared>> -> memref<10104x128xf32, #tpu.memory_space<vmem_shared>>
    tpu.enqueue_indirect_dma source(%arg7 : memref<128x128xf32, #tpu.memory_space<vmem>>) target(%dma_start3A_35 : memref<10104x128xf32, #tpu.memory_space<vmem_shared>>) offsets(%dma_start3A_32 : memref<128xi32, #tpu.memory_space<vmem>>) semaphore(%arg9 : memref<!tpu.dma_semaphore, #tpu.memory_space<semaphore_mem>>) {add = true}
    %scan3A = arith.constant 0 : i32
    %scan3A_36 = arith.constant 75 : i32
    %scan3A_37 = arith.addi %scan3A, %scan3A_36 : i32
    %scan3A_38 = arith.constant 1 : i32
    scf.for %scan3A_56 = %scan3A to %scan3A_37 step %scan3A_38  : i32 {
      %mul3A_57 = arith.constant 1 : i32
      %mul3A_58 = arith.muli %scan3A_56, %mul3A_57 : i32
      %add3A_59 = arith.constant 4 : i32
      %add3A_60 = arith.addi %add3A_59, %mul3A_58 : i32
      %sub3A = arith.constant 4 : i32
      %sub3A_61 = arith.subi %add3A_60, %sub3A : i32
      %dma_wait3A = arith.constant 0 : i32
      %dma_wait3A_62 = tpu.memref_slice %arg6[%sub3A_61, %dma_wait3A] : memref<79x128xi32, #tpu.memory_space<vmem>> -> memref<1x128xi32, #tpu.memory_space<vmem>>
      %dma_wait3A_63 = tpu.memref_squeeze %dma_wait3A_62 : memref<1x128xi32, #tpu.memory_space<vmem>> -> memref<128xi32, #tpu.memory_space<vmem>>
      %dma_wait3A_64 = arith.constant 0 : i32
      %dma_wait3A_65 = arith.constant 0 : i32
      %dma_wait3A_66 = tpu.memref_slice %arg8[%dma_wait3A_64, %dma_wait3A_65] : memref<10104x128xf32, #tpu.memory_space<vmem_shared>> -> memref<10104x128xf32, #tpu.memory_space<vmem_shared>>
      tpu.wait_indirect_dma semaphore(%arg9 : memref<!tpu.dma_semaphore, #tpu.memory_space<semaphore_mem>>) src(%arg7 : memref<128x128xf32, #tpu.memory_space<vmem>>) dst(%dma_wait3A_66 : memref<10104x128xf32, #tpu.memory_space<vmem_shared>>)
      %dma_start3A_67 = arith.constant 0 : i32
      %dma_start3A_68 = tpu.memref_slice %arg6[%add3A_60, %dma_start3A_67] : memref<79x128xi32, #tpu.memory_space<vmem>> -> memref<1x128xi32, #tpu.memory_space<vmem>>
      %dma_start3A_69 = tpu.memref_squeeze %dma_start3A_68 : memref<1x128xi32, #tpu.memory_space<vmem>> -> memref<128xi32, #tpu.memory_space<vmem>>
      %dma_start3A_70 = arith.constant 0 : i32
      %dma_start3A_71 = arith.constant 0 : i32
      %dma_start3A_72 = tpu.memref_slice %arg8[%dma_start3A_70, %dma_start3A_71] : memref<10104x128xf32, #tpu.memory_space<vmem_shared>> -> memref<10104x128xf32, #tpu.memory_space<vmem_shared>>
      tpu.enqueue_indirect_dma source(%arg7 : memref<128x128xf32, #tpu.memory_space<vmem>>) target(%dma_start3A_72 : memref<10104x128xf32, #tpu.memory_space<vmem_shared>>) offsets(%dma_start3A_69 : memref<128xi32, #tpu.memory_space<vmem>>) semaphore(%arg9 : memref<!tpu.dma_semaphore, #tpu.memory_space<semaphore_mem>>) {add = true}
    }
    %scan3A_39 = arith.constant 75 : i32
    %scan3A_40 = arith.constant 0 : i32
    %scan3A_41 = arith.constant 4 : i32
    %scan3A_42 = arith.addi %scan3A_40, %scan3A_41 : i32
    %scan3A_43 = arith.constant 1 : i32
    scf.for %scan3A_56 = %scan3A_40 to %scan3A_42 step %scan3A_43  : i32 {
      %mul3A_57 = arith.constant 1 : i32
      %mul3A_58 = arith.muli %scan3A_56, %mul3A_57 : i32
      %add3A_59 = arith.constant 75 : i32
      %add3A_60 = arith.addi %add3A_59, %mul3A_58 : i32
      %dma_wait3A = arith.constant 0 : i32
      %dma_wait3A_61 = tpu.memref_slice %arg6[%add3A_60, %dma_wait3A] : memref<79x128xi32, #tpu.memory_space<vmem>> -> memref<1x128xi32, #tpu.memory_space<vmem>>
      %dma_wait3A_62 = tpu.memref_squeeze %dma_wait3A_61 : memref<1x128xi32, #tpu.memory_space<vmem>> -> memref<128xi32, #tpu.memory_space<vmem>>
      %dma_wait3A_63 = arith.constant 0 : i32
      %dma_wait3A_64 = arith.constant 0 : i32
      %dma_wait3A_65 = tpu.memref_slice %arg8[%dma_wait3A_63, %dma_wait3A_64] : memref<10104x128xf32, #tpu.memory_space<vmem_shared>> -> memref<10104x128xf32, #tpu.memory_space<vmem_shared>>
      tpu.wait_indirect_dma semaphore(%arg9 : memref<!tpu.dma_semaphore, #tpu.memory_space<semaphore_mem>>) src(%arg7 : memref<128x128xf32, #tpu.memory_space<vmem>>) dst(%dma_wait3A_65 : memref<10104x128xf32, #tpu.memory_space<vmem_shared>>)
    }
    %scan3A_44 = arith.constant 4 : i32
    %barrier3A_45 = arith.constant 0 : index
    tpu.barrier barrier_id(%barrier3A_45)
    %lt3A_46 = arith.constant 15 : i32
    %lt3A_47 = arith.cmpi slt, %arg1, %lt3A_46 : i32
    %convert_element_type3A_48 = arith.extui %lt3A_47 : i1 to i32
    %cond3A_49 = arith.constant 0 : i32
    %cond3A_50 = arith.cmpi ne, %convert_element_type3A_48, %cond3A_49 : i32
    scf.if %cond3A_50 {
      "tpu.region"() ({
        %run_scoped3A = tpu.sem_alloc : memref<!tpu.dma_semaphore, #tpu.memory_space<semaphore_mem>>
        %dma_start3A_56 = arith.constant 0 : i32
        %dma_start3A_57 = tpu.memref_slice %arg5[%arg0, %mul3A_2, %dma_start3A_56] : memref<2x10104x128xf32, #tpu.memory_space<hbm>> -> memref<1x632x128xf32, #tpu.memory_space<hbm>>
        %dma_start3A_58 = tpu.memref_squeeze %dma_start3A_57 : memref<1x632x128xf32, #tpu.memory_space<hbm>> -> memref<632x128xf32, #tpu.memory_space<hbm>>
        %dma_start3A_59 = arith.constant 0 : i32
        %dma_start3A_60 = tpu.memref_slice %arg8[%mul3A_2, %dma_start3A_59] : memref<10104x128xf32, #tpu.memory_space<vmem_shared>> -> memref<632x128xf32, #tpu.memory_space<vmem_shared>>
        tpu.enqueue_dma source(%dma_start3A_60 : memref<632x128xf32, #tpu.memory_space<vmem_shared>>) target(%dma_start3A_58 : memref<632x128xf32, #tpu.memory_space<hbm>>) target_semaphore(%run_scoped3A : memref<!tpu.dma_semaphore, #tpu.memory_space<semaphore_mem>>)
        %dma_wait3A = arith.constant 0 : i32
        %dma_wait3A_61 = tpu.memref_slice %arg5[%arg0, %mul3A_2, %dma_wait3A] : memref<2x10104x128xf32, #tpu.memory_space<hbm>> -> memref<1x632x128xf32, #tpu.memory_space<hbm>>
        %dma_wait3A_62 = tpu.memref_squeeze %dma_wait3A_61 : memref<1x632x128xf32, #tpu.memory_space<hbm>> -> memref<632x128xf32, #tpu.memory_space<hbm>>
        %dma_wait3A_63 = arith.constant 0 : i32
        %dma_wait3A_64 = tpu.memref_slice %arg8[%mul3A_2, %dma_wait3A_63] : memref<10104x128xf32, #tpu.memory_space<vmem_shared>> -> memref<632x128xf32, #tpu.memory_space<vmem_shared>>
        tpu.wait_dma2 semaphore(%run_scoped3A : memref<!tpu.dma_semaphore, #tpu.memory_space<semaphore_mem>>) src(%dma_wait3A_64 : memref<632x128xf32, #tpu.memory_space<vmem_shared>>) dst(%dma_wait3A_62 : memref<632x128xf32, #tpu.memory_space<hbm>>)
        tpu.yield
      }) : () -> ()
    } else {
    }
    %eq3A_51 = arith.constant 15 : i32
    %eq3A_52 = arith.cmpi eq, %arg1, %eq3A_51 : i32
    %convert_element_type3A_53 = arith.extui %eq3A_52 : i1 to i32
    %cond3A_54 = arith.constant 0 : i32
    %cond3A_55 = arith.cmpi ne, %convert_element_type3A_53, %cond3A_54 : i32
    scf.if %cond3A_55 {
      "tpu.region"() ({
        %run_scoped3A = tpu.sem_alloc : memref<!tpu.dma_semaphore, #tpu.memory_space<semaphore_mem>>
        %dma_start3A_56 = arith.constant 0 : i32
        %dma_start3A_57 = tpu.memref_slice %arg5[%arg0, %mul3A_2, %dma_start3A_56] : memref<2x10104x128xf32, #tpu.memory_space<hbm>> -> memref<1x624x128xf32, #tpu.memory_space<hbm>>
        %dma_start3A_58 = tpu.memref_squeeze %dma_start3A_57 : memref<1x624x128xf32, #tpu.memory_space<hbm>> -> memref<624x128xf32, #tpu.memory_space<hbm>>
        %dma_start3A_59 = arith.constant 0 : i32
        %dma_start3A_60 = tpu.memref_slice %arg8[%mul3A_2, %dma_start3A_59] : memref<10104x128xf32, #tpu.memory_space<vmem_shared>> -> memref<624x128xf32, #tpu.memory_space<vmem_shared>>
        tpu.enqueue_dma source(%dma_start3A_60 : memref<624x128xf32, #tpu.memory_space<vmem_shared>>) target(%dma_start3A_58 : memref<624x128xf32, #tpu.memory_space<hbm>>) target_semaphore(%run_scoped3A : memref<!tpu.dma_semaphore, #tpu.memory_space<semaphore_mem>>)
        %dma_wait3A = arith.constant 0 : i32
        %dma_wait3A_61 = tpu.memref_slice %arg5[%arg0, %mul3A_2, %dma_wait3A] : memref<2x10104x128xf32, #tpu.memory_space<hbm>> -> memref<1x624x128xf32, #tpu.memory_space<hbm>>
        %dma_wait3A_62 = tpu.memref_squeeze %dma_wait3A_61 : memref<1x624x128xf32, #tpu.memory_space<hbm>> -> memref<624x128xf32, #tpu.memory_space<hbm>>
        %dma_wait3A_63 = arith.constant 0 : i32
        %dma_wait3A_64 = tpu.memref_slice %arg8[%mul3A_2, %dma_wait3A_63] : memref<10104x128xf32, #tpu.memory_space<vmem_shared>> -> memref<624x128xf32, #tpu.memory_space<vmem_shared>>
        tpu.wait_dma2 semaphore(%run_scoped3A : memref<!tpu.dma_semaphore, #tpu.memory_space<semaphore_mem>>) src(%dma_wait3A_64 : memref<624x128xf32, #tpu.memory_space<vmem_shared>>) dst(%dma_wait3A_62 : memref<624x128xf32, #tpu.memory_space<hbm>>)
        tpu.yield
      }) : () -> ()
    } else {
    }
    return
  }
}

module attributes {stable_mosaic.version = 14 : i64} {
  func.func @body(%arg0: memref<10000x128xf32, #tpu.memory_space<vmem>>, %arg1: memref<128x128xf32, #tpu.memory_space<vmem>>, %arg2: memref<128x128xf32, #tpu.memory_space<vmem>>, %arg3: memref<1x128xf32, #tpu.memory_space<vmem>>, %arg4: memref<10000x128xf32, #tpu.memory_space<vmem>>, %arg5: memref<10000x128xf32, #tpu.memory_space<vmem>>) attributes {dimension_semantics = [], scalar_prefetch = 0 : i64, scratch_operands = 0 : i64, tpu.core_type = #tpu.core_type<tc>} {
    %get3A = arith.constant 0 : index
    %get3A_0 = arith.constant 0 : index
    %get3A_1 = vector.load %arg0[%get3A, %get3A_0] : memref<10000x128xf32, #tpu.memory_space<vmem>>, vector<10000x128xf32>
    %get3A_2 = arith.constant 0 : index
    %get3A_3 = arith.constant 0 : index
    %get3A_4 = vector.load %arg1[%get3A_2, %get3A_3] : memref<128x128xf32, #tpu.memory_space<vmem>>, vector<128x128xf32>
    %dot_general3A = arith.constant dense<0.000000e+00> : vector<10000x128xf32>
    %dot_general3A_5 = tpu.matmul %get3A_1, %get3A_4, %dot_general3A {dimension_numbers = #tpu.dot_dimension_numbers<[1], [0], [0], [1], [0, 0, 1, 1], [], []>, transpose_lhs_hint = false} : vector<10000x128xf32>, vector<128x128xf32>, vector<10000x128xf32> -> vector<10000x128xf32>
    %get3A_6 = arith.constant 0 : index
    %get3A_7 = arith.constant 0 : index
    %get3A_8 = vector.load %arg3[%get3A_6, %get3A_7] : memref<1x128xf32, #tpu.memory_space<vmem>>, vector<1x128xf32>
    %add3A = vector.broadcast %get3A_8 : vector<1x128xf32> to vector<10000x128xf32>
    %add3A_9 = arith.addf %dot_general3A_5, %add3A : vector<10000x128xf32>
    %swap3A = arith.constant 0 : index
    %swap3A_10 = arith.constant 0 : index
    %swap3A_11 = vector.load %arg4[%swap3A, %swap3A_10] : memref<10000x128xf32, #tpu.memory_space<vmem>>, vector<10000x128xf32>
    tpu.vector_store %arg4[%swap3A, %swap3A_10], %add3A_9 {strides = array<i32>} : memref<10000x128xf32, #tpu.memory_space<vmem>>, vector<10000x128xf32>,
    %get3A_12 = arith.constant 0 : index
    %get3A_13 = arith.constant 0 : index
    %get3A_14 = vector.load %arg2[%get3A_12, %get3A_13] : memref<128x128xf32, #tpu.memory_space<vmem>>, vector<128x128xf32>
    %dot_general3A_15 = arith.constant dense<0.000000e+00> : vector<10000x128xf32>
    %dot_general3A_16 = tpu.matmul %get3A_1, %get3A_14, %dot_general3A_15 {dimension_numbers = #tpu.dot_dimension_numbers<[1], [0], [0], [1], [0, 0, 1, 1], [], []>, transpose_lhs_hint = false} : vector<10000x128xf32>, vector<128x128xf32>, vector<10000x128xf32> -> vector<10000x128xf32>
    %swap3A_17 = arith.constant 0 : index
    %swap3A_18 = arith.constant 0 : index
    %swap3A_19 = vector.load %arg5[%swap3A_17, %swap3A_18] : memref<10000x128xf32, #tpu.memory_space<vmem>>, vector<10000x128xf32>
    tpu.vector_store %arg5[%swap3A_17, %swap3A_18], %dot_general3A_16 {strides = array<i32>} : memref<10000x128xf32, #tpu.memory_space<vmem>>, vector<10000x128xf32>,
    return
  }
}

module attributes {stable_mosaic.version = 14 : i64} {
  func.func @body(%arg0: memref<10000x128xf32, #tpu.memory_space<vmem>>, %arg1: memref<2x10104x128xf32, #tpu.memory_space<vmem>>, %arg2: memref<2x10104x128xf32, #tpu.memory_space<vmem>>, %arg3: memref<128x128xf32, #tpu.memory_space<vmem>>, %arg4: memref<128x128xf32, #tpu.memory_space<vmem>>, %arg5: memref<1x128xf32, #tpu.memory_space<vmem>>, %arg6: memref<10000x128xf32, #tpu.memory_space<vmem>>, %arg7: memref<10000x128xf32, #tpu.memory_space<vmem>>) attributes {dimension_semantics = [], scalar_prefetch = 0 : i64, scratch_operands = 0 : i64, tpu.core_type = #tpu.core_type<tc>} {
    %get3A = arith.constant 0 : index
    %get3A_0 = arith.constant 0 : index
    %get3A_1 = arith.constant 0 : index
    %get3A_2 = vector.load %arg1[%get3A, %get3A_0, %get3A_1] : memref<2x10104x128xf32, #tpu.memory_space<vmem>>, vector<1x10000x128xf32>
    %get3A_3 = vector.shape_cast %get3A_2 : vector<1x10000x128xf32> to vector<10000x128xf32>
    %get3A_4 = arith.constant 1 : index
    %get3A_5 = arith.constant 0 : index
    %get3A_6 = arith.constant 0 : index
    %get3A_7 = vector.load %arg1[%get3A_4, %get3A_5, %get3A_6] : memref<2x10104x128xf32, #tpu.memory_space<vmem>>, vector<1x10000x128xf32>
    %get3A_8 = vector.shape_cast %get3A_7 : vector<1x10000x128xf32> to vector<10000x128xf32>
    %add3A = arith.addf %get3A_3, %get3A_8 : vector<10000x128xf32>
    %get3A_9 = arith.constant 0 : index
    %get3A_10 = arith.constant 0 : index
    %get3A_11 = arith.constant 0 : index
    %get3A_12 = vector.load %arg2[%get3A_9, %get3A_10, %get3A_11] : memref<2x10104x128xf32, #tpu.memory_space<vmem>>, vector<1x10000x1xf32>
    %get3A_13 = vector.shape_cast %get3A_12 : vector<1x10000x1xf32> to vector<10000x1xf32>
    %get3A_14 = arith.constant 1 : index
    %get3A_15 = arith.constant 0 : index
    %get3A_16 = arith.constant 0 : index
    %get3A_17 = vector.load %arg2[%get3A_14, %get3A_15, %get3A_16] : memref<2x10104x128xf32, #tpu.memory_space<vmem>>, vector<1x10000x1xf32>
    %get3A_18 = vector.shape_cast %get3A_17 : vector<1x10000x1xf32> to vector<10000x1xf32>
    %add3A_19 = arith.addf %get3A_13, %get3A_18 : vector<10000x1xf32>
    %max3A = arith.constant 1.000000e+00 : f32
    %max3A_20 = vector.broadcast %max3A : f32 to vector<10000x1xf32>
    %max3A_21 = arith.maximumf %add3A_19, %max3A_20 : vector<10000x1xf32>
    %div3A = arith.constant 1.000000e+00 : f32
    %div3A_22 = vector.broadcast %div3A : f32 to vector<10000x1xf32>
    %div3A_23 = arith.divf %div3A_22, %max3A_21 : vector<10000x1xf32>
    %get3A_24 = arith.constant 0 : index
    %get3A_25 = arith.constant 0 : index
    %get3A_26 = vector.load %arg0[%get3A_24, %get3A_25] : memref<10000x128xf32, #tpu.memory_space<vmem>>, vector<10000x128xf32>
    %mul3A = vector.broadcast %div3A_23 : vector<10000x1xf32> to vector<10000x128xf32>
    %mul3A_27 = arith.mulf %add3A, %mul3A : vector<10000x128xf32>
    %add3A_28 = arith.addf %get3A_26, %mul3A_27 : vector<10000x128xf32>
    %max3A_29 = arith.constant 0.000000e+00 : f32
    %max3A_30 = vector.broadcast %max3A_29 : f32 to vector<10000x128xf32>
    %max3A_31 = arith.maximumf %add3A_28, %max3A_30 : vector<10000x128xf32>
    %get3A_32 = arith.constant 0 : index
    %get3A_33 = arith.constant 0 : index
    %get3A_34 = vector.load %arg3[%get3A_32, %get3A_33] : memref<128x128xf32, #tpu.memory_space<vmem>>, vector<128x128xf32>
    %dot_general3A = arith.constant dense<0.000000e+00> : vector<10000x128xf32>
    %dot_general3A_35 = tpu.matmul %max3A_31, %get3A_34, %dot_general3A {dimension_numbers = #tpu.dot_dimension_numbers<[1], [0], [0], [1], [0, 0, 1, 1], [], []>, transpose_lhs_hint = false} : vector<10000x128xf32>, vector<128x128xf32>, vector<10000x128xf32> -> vector<10000x128xf32>
    %get3A_36 = arith.constant 0 : index
    %get3A_37 = arith.constant 0 : index
    %get3A_38 = vector.load %arg5[%get3A_36, %get3A_37] : memref<1x128xf32, #tpu.memory_space<vmem>>, vector<1x128xf32>
    %add3A_39 = vector.broadcast %get3A_38 : vector<1x128xf32> to vector<10000x128xf32>
    %add3A_40 = arith.addf %dot_general3A_35, %add3A_39 : vector<10000x128xf32>
    %swap3A = arith.constant 0 : index
    %swap3A_41 = arith.constant 0 : index
    %swap3A_42 = vector.load %arg6[%swap3A, %swap3A_41] : memref<10000x128xf32, #tpu.memory_space<vmem>>, vector<10000x128xf32>
    tpu.vector_store %arg6[%swap3A, %swap3A_41], %add3A_40 {strides = array<i32>} : memref<10000x128xf32, #tpu.memory_space<vmem>>, vector<10000x128xf32>,
    %get3A_43 = arith.constant 0 : index
    %get3A_44 = arith.constant 0 : index
    %get3A_45 = vector.load %arg4[%get3A_43, %get3A_44] : memref<128x128xf32, #tpu.memory_space<vmem>>, vector<128x128xf32>
    %dot_general3A_46 = arith.constant dense<0.000000e+00> : vector<10000x128xf32>
    %dot_general3A_47 = tpu.matmul %max3A_31, %get3A_45, %dot_general3A_46 {dimension_numbers = #tpu.dot_dimension_numbers<[1], [0], [0], [1], [0, 0, 1, 1], [], []>, transpose_lhs_hint = false} : vector<10000x128xf32>, vector<128x128xf32>, vector<10000x128xf32> -> vector<10000x128xf32>
    %swap3A_48 = arith.constant 0 : index
    %swap3A_49 = arith.constant 0 : index
    %swap3A_50 = vector.load %arg7[%swap3A_48, %swap3A_49] : memref<10000x128xf32, #tpu.memory_space<vmem>>, vector<10000x128xf32>
    tpu.vector_store %arg7[%swap3A_48, %swap3A_49], %dot_general3A_47 {strides = array<i32>} : memref<10000x128xf32, #tpu.memory_space<vmem>>, vector<10000x128xf32>,
    return
  }
}

module attributes {stable_mosaic.version = 14 : i64} {
  func.func @body(%arg0: memref<10000x128xf32, #tpu.memory_space<vmem>>, %arg1: memref<2x10104x128xf32, #tpu.memory_space<vmem>>, %arg2: memref<2x10104x128xf32, #tpu.memory_space<vmem>>, %arg3: memref<10000x47xf32, #tpu.memory_space<vmem>>) attributes {dimension_semantics = [], scalar_prefetch = 0 : i64, scratch_operands = 0 : i64, tpu.core_type = #tpu.core_type<tc>} {
    %get3A = arith.constant 0 : index
    %get3A_0 = arith.constant 0 : index
    %get3A_1 = arith.constant 0 : index
    %get3A_2 = vector.load %arg1[%get3A, %get3A_0, %get3A_1] : memref<2x10104x128xf32, #tpu.memory_space<vmem>>, vector<1x10000x128xf32>
    %get3A_3 = vector.shape_cast %get3A_2 : vector<1x10000x128xf32> to vector<10000x128xf32>
    %get3A_4 = arith.constant 1 : index
    %get3A_5 = arith.constant 0 : index
    %get3A_6 = arith.constant 0 : index
    %get3A_7 = vector.load %arg1[%get3A_4, %get3A_5, %get3A_6] : memref<2x10104x128xf32, #tpu.memory_space<vmem>>, vector<1x10000x128xf32>
    %get3A_8 = vector.shape_cast %get3A_7 : vector<1x10000x128xf32> to vector<10000x128xf32>
    %add3A = arith.addf %get3A_3, %get3A_8 : vector<10000x128xf32>
    %get3A_9 = arith.constant 0 : index
    %get3A_10 = arith.constant 0 : index
    %get3A_11 = arith.constant 0 : index
    %get3A_12 = vector.load %arg2[%get3A_9, %get3A_10, %get3A_11] : memref<2x10104x128xf32, #tpu.memory_space<vmem>>, vector<1x10000x1xf32>
    %get3A_13 = vector.shape_cast %get3A_12 : vector<1x10000x1xf32> to vector<10000x1xf32>
    %get3A_14 = arith.constant 1 : index
    %get3A_15 = arith.constant 0 : index
    %get3A_16 = arith.constant 0 : index
    %get3A_17 = vector.load %arg2[%get3A_14, %get3A_15, %get3A_16] : memref<2x10104x128xf32, #tpu.memory_space<vmem>>, vector<1x10000x1xf32>
    %get3A_18 = vector.shape_cast %get3A_17 : vector<1x10000x1xf32> to vector<10000x1xf32>
    %add3A_19 = arith.addf %get3A_13, %get3A_18 : vector<10000x1xf32>
    %max3A = arith.constant 1.000000e+00 : f32
    %max3A_20 = vector.broadcast %max3A : f32 to vector<10000x1xf32>
    %max3A_21 = arith.maximumf %add3A_19, %max3A_20 : vector<10000x1xf32>
    %div3A = arith.constant 1.000000e+00 : f32
    %div3A_22 = vector.broadcast %div3A : f32 to vector<10000x1xf32>
    %div3A_23 = arith.divf %div3A_22, %max3A_21 : vector<10000x1xf32>
    %get3A_24 = arith.constant 0 : index
    %get3A_25 = arith.constant 0 : index
    %get3A_26 = vector.load %arg0[%get3A_24, %get3A_25] : memref<10000x128xf32, #tpu.memory_space<vmem>>, vector<10000x128xf32>
    %mul3A = vector.broadcast %div3A_23 : vector<10000x1xf32> to vector<10000x128xf32>
    %mul3A_27 = arith.mulf %add3A, %mul3A : vector<10000x128xf32>
    %add3A_28 = arith.addf %get3A_26, %mul3A_27 : vector<10000x128xf32>
    %slice3A = vector.extract_strided_slice %add3A_28 {offsets = [0, 0], sizes = [10000, 47], strides = [1, 1]} : vector<10000x128xf32> to vector<10000x47xf32>
    %swap3A = arith.constant 0 : index
    %swap3A_29 = arith.constant 0 : index
    %swap3A_30 = vector.load %arg3[%swap3A, %swap3A_29] : memref<10000x47xf32, #tpu.memory_space<vmem>>, vector<10000x47xf32>
    tpu.vector_store %arg3[%swap3A, %swap3A_29], %slice3A {strides = array<i32>} : memref<10000x47xf32, #tpu.memory_space<vmem>>, vector<10000x47xf32>,
    return
  }
}

</mosaic_0001>

<sc_bundles>
// kernel: kernel.10.cloned.1.call-start
scs
__scs_entry_jumppad:
0x0: {  	(pc) =	sbr.rel $0x88, $3  }
0x1: {  	(tag) =	ssettag $0x0;
	lr =	simm.s32 $0x1  }
0x2: {  	[smem:$0x3F96] =	sst lr;
	_ =	strace $0xD0000000  }
0x3: {  	_ = 	snop  }
0x4: {  	_ = 	snop  }
0x5: {  	_ = 	snop  }
0x6: {  	_ = 	snop  }
0x7: {  	_ = 	snop  }
__scs_overlays_trampoline_lowered:
0x8: {  	[smem:$0x3FA5] =	sst s0  }
0x9: {  	[smem:$0x3FA6] =	sst s1  }
0xa: {  	[smem:$0x3FA7] =	sst s2  }
0xb: {  	[smem:$0x3FA8] =	sst s3  }
0xc: {  	[smem:$0x3FA9] =	sst s4  }
0xd: {  	[smem:$0x3FAA] =	sst s5  }
0xe: {  	[smem:$0x3FAB] =	sst s6  }
0xf: {  	[smem:$0x3FAC] =	sst s7  }
0x10: {  	[smem:$0x3FAD] =	sst s8  }
0x11: {  	[smem:$0x3FAE] =	sst s9;
	s0 =	simm.s32 @!p0 $0x0  }
0x12: {  	s1 =	sld [smem:$0x3F94];
	s0 =	simm.s32 @p0 $0x1  }
0x13: {  	[smem:$0x3FAF] =	sst s0;
	s0 =	simm.s32 @!p1 $0x0  }
0x14: {  	s2 =	sld [smem:$0x3F93];
	s0 =	simm.s32 @p1 $0x1  }
0x15: {  	[smem:$0x3FB0] =	sst s0;
	s0 =	simm.s32 @!p2 $0x0  }
0x16: {  	s3 =	sld [smem:$0x3FDB];
	s0 =	simm.s32 @p2 $0x1  }
0x17: {  	s4 =	simm.s32 $0x1BF5;
	[smem:$0x3FB2] =	sst s0  }
0x18: {  	s0 =	sld [smem:$0x3F95];
	_ =	swait.ge [sflag:s4], $0x0  }
0x19: {  	s7 =	sld [smem:$0x3F96]  }
0x1a: {  	s8 =	sadd.s32 $0xFFFFE003, lr  }
0x1b: {  	s9 =	sadd.s32 $0xFFFFFEF7, lr;
	s5 =	simm.s32 $0xFFFFFFFF;
	p2 =	slt.u32 s8, $0xFFFFF086  }
0x1c: {  	p1 =	slt.u32 s9, $0xF7A;
	s5 =	simm.s32 @!p2 $0x0  }
0x1d: {  	s5 =	simm.s32 @p1 $0x1;
	p0 =	seq.s32 s7, s2  }
0x1e: {  	s7 =	smul.u32 @!p0 $0xF7A, s2;
	p2 =	seq.s32 @!p0 s5, $0x0  }
0x1f: {  	s9 =	smul.u32 $0xF7A, s1;
	s8 =	simm.s32 @!p0 $0x1BF5;
	p2 =	por !p2, p0  }
0x20: {  	[sflag:s8] =	ssyncset.s32 @!p0 $0xFFFFF086;
	s6 =	sadd.s32 @!p0 s3, s7;
	s7 =	simm.s32 @!p0 $0x108  }
0x21: {  	s3 =	sadd.s32 s3, s9;
	s6 =	sadd.s32 @!p0 $0x88, s6;
	s7 =	simm.s32 @p2 $0x1082  }
0x22: {  	[simem:s7], [sflag:s8] =	dma.local @!p0 [hbm:s6], $0xF7A  }
0x23: {  	s9 =	sor.u32 $0xD0000000, s2;
	s6 =	simm.s32 $0x108;
	_ =	swait.ge @!p0 [sflag:s8], $0x0  }
0x24: {  	s3 =	sadd.s32 $0x88, s3;
	s6 =	simm.s32 @!p1 $0x1082;
	[sflag:s4] =	ssyncset.s32 $0xFFFFF086  }
0x25: {  	[simem:s6], [sflag:s4] =	dma.local [hbm:s3], $0xF7A  }
0x26: {  	[smem:$0x3F96] =	sst s1;
	(tag) =	ssettag s2;
	_ =	strace s9  }
0x27: {  	s1 =	sld [smem:$0x3FA6]  }
0x28: {  	s2 =	sld [smem:$0x3FA7]  }
0x29: {  	s4 =	sld [smem:$0x3FA9]  }
0x2a: {  	p0 =	seq.s32 s5, $0x0;
	s5 =	sld [smem:$0x3FAA]  }
0x2b: {  	s6 =	sld [smem:$0x3FAB]  }
0x2c: {  	s7 =	sld [smem:$0x3FAC]  }
0x2d: {  	s3 =	simm.s32 $0x108;
	s8 =	sld [smem:$0x3FAD]  }
0x2e: {  	s3 =	simm.s32 @!p0 $0x1082;
	s9 =	sld [smem:$0x3FAE]  }
0x2f: {  	lr =	sadd.s32 s0, s3;
	s0 =	sld [smem:$0x3FA5]  }
0x30: {  	s3 =	sld [smem:$0x3FA8]  }
0x31: {  	[smem:$0x3FB1] =	sst s10  }
0x32: {  	s10 =	sld [smem:$0x3FAF];
	_ =	sdelay $0x3  }
0x33: {  	p0 =	seq.s32 s10, $0x1;
	s10 =	sld [smem:$0x3FB1];
	_ =	sdelay $0x3  }
0x34: {  	[smem:$0x3FB1] =	sst s10  }
0x35: {  	s10 =	sld [smem:$0x3FB0];
	_ =	sdelay $0x3  }
0x36: {  	p1 =	seq.s32 s10, $0x1;
	s10 =	sld [smem:$0x3FB1];
	_ =	sdelay $0x3  }
0x37: {  	[smem:$0x3FB1] =	sst s10  }
0x38: {  	s10 =	sld [smem:$0x3FB2]  }
0x39: {  	_ = 	snop;
	(pc) =	sbr.ind lr, $3  }
0x3a: {  	_ = 	snop  }
0x3b: {  	_ = 	snop  }
0x3c: {  	p2 =	seq.s32 s10, $0x1;
	s10 =	sld [smem:$0x3FB1]  }
0x3d: {  	_ =	shalt  }
0x3e: {  	_ =	shalt  }
0x3f: {  	_ =	shalt  }
0x40: {  	_ =	shalt  }
0x41: {  	_ =	shalt  }
0x42: {  	_ =	shalt  }
0x43: {  	_ =	shalt  }
0x44: {  	_ =	shalt  }
0x45: {  	_ =	shalt  }
0x46: {  	_ =	shalt  }
0x47: {  	_ =	shalt  }
0x48: {  	_ =	shalt  }
0x49: {  	_ =	shalt  }
0x4a: {  	_ =	shalt  }
0x4b: {  	_ =	shalt  }
0x4c: {  	_ =	shalt  }
0x4d: {  	_ =	shalt  }
0x4e: {  	_ =	shalt  }
0x4f: {  	_ =	shalt  }
0x50: {  	_ =	shalt  }
0x51: {  	_ =	shalt  }
0x52: {  	_ =	shalt  }
0x53: {  	_ =	shalt  }
0x54: {  	_ =	shalt  }
0x55: {  	_ =	shalt  }
0x56: {  	_ =	shalt  }
0x57: {  	_ =	shalt  }
0x58: {  	_ =	shalt  }
0x59: {  	_ =	shalt  }
0x5a: {  	_ =	shalt  }
0x5b: {  	_ =	shalt  }
0x5c: {  	_ =	shalt  }
0x5d: {  	_ =	shalt  }
0x5e: {  	_ =	shalt  }
0x5f: {  	_ =	shalt  }
0x60: {  	_ =	shalt  }
0x61: {  	_ =	shalt  }
0x62: {  	_ =	shalt  }
0x63: {  	_ =	shalt  }
0x64: {  	_ =	shalt  }
0x65: {  	_ =	shalt  }
0x66: {  	_ =	shalt  }
0x67: {  	_ =	shalt  }
0x68: {  	_ =	shalt  }
0x69: {  	_ =	shalt  }
0x6a: {  	_ =	shalt  }
0x6b: {  	_ =	shalt  }
0x6c: {  	_ =	shalt  }
0x6d: {  	_ =	shalt  }
0x6e: {  	_ =	shalt  }
0x6f: {  	_ =	shalt  }
0x70: {  	_ =	shalt  }
0x71: {  	_ =	shalt  }
0x72: {  	_ =	shalt  }
0x73: {  	_ =	shalt  }
0x74: {  	_ =	shalt  }
0x75: {  	_ =	shalt  }
0x76: {  	_ =	shalt  }
0x77: {  	_ =	shalt  }
0x78: {  	_ =	shalt  }
0x79: {  	_ =	shalt  }
0x7a: {  	_ =	shalt  }
0x7b: {  	_ =	shalt  }
0x7c: {  	_ =	shalt  }
0x7d: {  	_ =	shalt  }
0x7e: {  	_ =	shalt  }
0x7f: {  	_ =	shalt  }
0x80: {  	_ =	shalt  }
0x81: {  	_ =	shalt  }
0x82: {  	_ =	shalt  }
0x83: {  	_ =	shalt  }
0x84: {  	_ =	shalt  }
0x85: {  	_ =	shalt  }
0x86: {  	_ =	shalt  }
0x87: {  	_ =	shalt  }
.Lfunc_end0:
.L_simem_size_0:
called_computation_lowered:
.L_overlay_start_0:
0x88: {  	s2 =	sld [smem:$0x3FD9]  }
0x89: {  	s3 =	sld [smem:$0x3FFE];
	_ =	sdelay $0x1  }
0x8a: {  	s1 =	srdreg.scid  }
0x8b: {  	s0 =	sand.u32 $0x1, s1  }
0x8c: {  	s17 =	sshll.u32 s0, $0xA;
	s2 =	sadd.s32 s3, s2  }
0x8d: {  	s2 =	sadd.s32 s2, s17  }
0x8e: {  	[smem:$0x3FBD] =	sst s2  }
0x8f: {  	_ = 	snop  }
0x90: {  	s18 =	sld [smem:$0x3FD0];
	(tm) =	ssettm $0x1  }
0x91: {  	s19 =	sld [smem:$0x3FFB];
	_ =	sdelay $0x3  }
0x92: {  	_ =	strace s19  }
0x93: {  	s2 =	sld [smem:$0x3FFC];
	_ =	sdelay $0x3  }
0x94: {  	_ =	strace s2  }
0x95: {  	s2 =	sld [smem:$0x3FFD];
	_ =	sdelay $0x3  }
0x96: {  	_ =	strace s2  }
0x97: {  	_ =	strace $0x8FFFFFFF  }
0x98: {  	s20 =	sld [smem:$0x3FDB];
	_ =	sdelay $0x1  }
0x99: {  	s4 =	simm.s32 $_scs_section_size  }
0x9a: {  	s5 =	simm.s32 $_size__tile_overlayer_lowered;
	s6 =	simm.s32 $_tile_overlayer_lowered  }
0x9b: {  	s7 =	simm.s32 $0x1BFF;
	s21 =	sshll.u32 s6, $0x1;
	s4 =	sadd.s32 s4, s20  }
0x9c: {  	s22 =	simm.s32 $0x0;
	s5 =	sshll.u32 s5, $0x1;
	s6 =	sadd.s32 s21, s4  }
0x9d: {  	[timem:s22], [sflag:s7] =	dma.local [hbm:s6], s5  }
0x9e: {  	_ =	swait.ge [sflag:s7], s5  }
0x9f: {  	s5 =	ssub.s32 $0x0, s5;
	[sflag:s7] =	ssyncset.done $0x0  }
0xa0: {  	[sflag:s7] =	ssyncadd.s32 s5;
	_ =	sdelay $0x1  }
0xa1: {  	s23 =	simm.s32 $0x1B8B  }
0xa2: {  	_ =	swait.ge [sflag:s23], $0x1  }
0xa3: {  	[sflag:s23] =	ssyncset.done $0x0  }
0xa4: {  	[sflag:s23] =	ssyncadd.s32 $0xFFFFFFFF  }
0xa5: {  	s5 =	sld [smem:$0x0]  }
0xa6: {  	s6 =	sand.u32 $0xFFFFFFFE, s1  }
0xa7: {  	p0 =	sne.s32 s1, s6  }
0xa8: {  	s6 =	sshll.u32 @p0 s6, $0xE  }
0xa9: {  	s6 =	sadd.s32 @p0 $0x11B8D, s6;
	s7 =	sshll.u32 @p0 s5, $0x11  }
0xaa: {  	s6 =	sor.u32 @p0 s7, s6  }
0xab: {  	[sflag:s6] =	ssyncadd.remote.s32 @p0 $0x1;
	_ =	sdelay $0x1  }
0xac: {  	s6 =	simm.s32 @p0 $0x1B8D  }
0xad: {  	_ =	swait.eq @p0 [sflag:s6], $0x1  }
0xae: {  	[sflag:s6] =	ssyncadd.s32 @p0 $0xFFFFFFFF  }
0xaf: {  	s7 =	sshll.u32 @!p0 s1, $0xE  }
0xb0: {  	s7 =	sor.u32 @!p0 $0x4000, s7;
	s6 =	simm.s32 @!p0 $0x1B8D  }
0xb1: {  	s5 =	sshll.u32 @!p0 s5, $0x11;
	s7 =	sadd.s32 @!p0 $0x11B8D, s7;
	_ =	swait.eq @!p0 [sflag:s6], $0x1  }
0xb2: {  	s5 =	sor.u32 @!p0 s5, s7;
	[sflag:s6] =	ssyncadd.s32 @!p0 $0xFFFFFFFF  }
0xb3: {  	s25 =	simm.s32 $0x1B8E;
	s24 =	sld [smem:$0x3FFE];
	[sflag:s5] =	ssyncadd.remote.s32 @!p0 $0x1  }
0xb4: {  	s26 =	simm.s32 $execute0_lowered;
	[smem:$0x3FD2] =	sst s25  }
0xb5: {  	s6 =	sshll.u32 s26, $0x1;
	_ =	strace $0x80000049;
	[dreg:$0x1] =	wrdreg $0xFFFFFFFF  }
0xb6: {  	s28 =	simm.s32 $_size_execute0_lowered;
	s4 =	sadd.s32 s4, s6;
	[dreg:$0x0] =	wrdreg $0x0  }
0xb7: {  	s6 =	sshll.u32 s28, $0x1;
	[dreg:$0x2] =	wrdreg s4  }
0xb8: {  	[dreg:$0x3] =	wrdreg s6  }
0xb9: {  	[dreg:$0x4] =	wrdreg $0xC0  }
0xba: {  	_ =	task [dreg:s22], $0x5FFFF  }
0xbb: {  	[dreg:$0x1] =	wrdreg $0xFFFFFFFF  }
0xbc: {  	[dreg:$0x0] =	wrdreg $0x60  }
0xbd: {  	[dreg:$0x2] =	wrdreg s18  }
0xbe: {  	[dreg:$0x3] =	wrdreg s24  }
0xbf: {  	[dreg:$0x4] =	wrdreg $0x68000  }
0xc0: {  	[dreg:$0x5] =	wrdreg $0x9  }
0xc1: {  	_ =	task.clear_ibuf [dreg:s22], $0x6FFFF;
	_ =	strace $0x90000049  }
0xc2: {  	s29 =	simm.s32 $0x9;
	_ =	strace $0x8000004B  }
0xc3: {  	_ =	swait.ge [sflag:s29], $0x1  }
0xc4: {  	[sflag:s29] =	ssyncadd.s32 $0xFFFFFFFF  }
0xc5: {  	_ =	strace $0x9000004B  }
0xc6: {  	_ =	sfence  }
0xc7: {  	s30 =	sld [smem:$0x0];
	_ =	sdelay $0x2  }
0xc8: {  	s31 =	sshll.u32 s1, $0xD;
	s1 =	sshrl.u32 s1, $0x2  }
0xc9: {  	s4 =	sand.u32 $0x4000, s31;
	s1 =	sadd.s32 s1, s30  }
0xca: {  	s0 =	sor.u32 s4, s0;
	s1 =	sshll.u32 s1, $0x11  }
0xcb: {  	s0 =	sor.u32 s1, s0  }
0xcc: {  	s0 =	sadd.s32 $0x8F2B, s0  }
0xcd: {  	[sflag:s0] =	ssyncadd.remote.s32 $0x1  }
0xce: {  	_ =	sfence.sel $0xFFFF  }
0xcf: {  	[dreg:$0x0] =	wrdreg $0xFFFFFFFF;
	(pc) =	sbr.abs _section_cstart, $3  }
0xd0: {  	[dreg:$0x1] =	wrdreg $0xFFFFFFFF  }
0xd1: {  	_ =	task.clear_ibuf [dreg:s22], $0x2FFFF;
	_ =	strace $0x9FFFFFFF  }
0xd2: {  	(tm) =	ssettm $0x7FFFFFFF  }
0xd3: {  	_ =	shalt  }
tec
execute0_lowered:
.L_overlay_start_1:
0x0: {  	(tag) =	ssettag $0x1  }
0x1: {  	s6 =	rddreg [dreg:$0x0]  }
0x2: {  	s0 =	srdreg.scid;
	s7 =	rddreg [dreg:$0x1]  }
0x3: {  	s2 =	rddreg [dreg:$0x2];
	s1 =	stileid.u32;
	s3 =	simm.s32 $0x0  }
0x4: {  	s15 =	simm.s32 $0x80;
	s16 =	simm.s32 $0x100;
	s17 =	simm.s32 $0x180  }
0x5: {  	s18 =	simm.s32 $0x1;
	s8 =	sand.u32 $0x1, s0;
	s0 =	rddreg [dreg:$0x3]  }
0x6: {  	s19 =	simm.s32 $0x0;
	[smem:$0x7FF] =	sst s3;
	s10 =	smul.u32 $0x4F000, s1  }
0x7: {  	s5 =	sadd.s32 $0x8F200, s7;
	s13 =	smul.u32 $0x13C00, s1;
	p0 =	seq.s32 s1, $0xF  }
0x8: {  	s4 =	sshll.u32 s8, $0x4;
	_ =	strace $0x8000004A;
	s11 =	ssub.s32 $0x2, s8  }
0x9: {  	s8 =	smul.u32 $0x13BC00, s8;
	s4 =	sor.u32 s1, s4;
	s12 =	sshrl.u32 s11, $0x1  }
0xa: {  	s30 =	sshrl.u32 s10, $0x2;
	s10 =	simm.s32 $0x2;
	s9 =	smul.u32 $0x500, s4  }
0xb: {  	s4 =	sadd.s32 $0x3DA00, s7;
	s7 =	sadd.s32 $0x8FA00, s7;
	s11 =	ssub.s32 s11, s12  }
0xc: {  	s14 =	sadd.s32 s30, s2;
	s31 =	sadd.s32 s13, s8;
	s8 =	sshrl.u32 s8, $0x3  }
0xd: {  	s12 =	sadd.s32 $0x128400, s2;
	s13 =	sshll.u32 @!p0 s1, $0x6;
	s8 =	sadd.s32 s7, s8  }
0xe: {  	s12 =	sshrl.u32 @p0 s12, $0x3;
	s13 =	sor.u32 @!p0 $0x1C02, s13;
	s14 =	sshrl.u32 @!p0 s14, $0x3  }
0xf: {  	s6 =	sadd.s32 s6, s9;
	s9 =	sshrl.u32 s31, $0x3;
	s8 =	sadd.s32 $0x25080, s8  }
0x10: {  	s7 =	sadd.s32 s7, s9;
	s9 =	smax.u32 s11, $0x1;
	s11 =	simm.s32 $0x2800  }
.LBB2_1:
0x11: {  	[tilespmem:s3], [sflag:$0x2] =	stream.linear.gather [hbm4b:s6+s3], $0x2780, $0x38;
	[tilespmem:$0x1A3C0] =	vst v63  }
0x12: {  	_ =	swait.ge [sflag:s10], $0x2780  }
0x13: {  	[sflag:s10] =	ssyncset.done $0x0  }
0x14: {  	[sflag:s10] =	ssyncadd.s32 $0xFFFFD880  }
0x15: {  	[tilespmem:s11], [sflag:$0x2] =	stream.linear.gather [hbm4b:s5+s3], $0x4000, $0x38;
	[tilespmem:$0x1A3C0] =	vst v63  }
0x16: {  	_ =	swait.ge [sflag:s10], $0x4000  }
0x17: {  	[sflag:s10] =	ssyncset.done $0x0  }
0x18: {  	s20 =	simm.s32 @p0 $0x1FC2;
	[sflag:s10] =	ssyncadd.s32 $0xFFFFC000  }
0x19: {  	[spmem:s12], [sflag:s20] =	dma.local @p0 [hbm:s4], $0x2700  }
0x1a: {  	s20 =	simm.s32 @p0 $0x2  }
0x1b: {  	_ =	swait.ge @p0 [sflag:s20], $0x2700  }
0x1c: {  	[sflag:s20] =	ssyncset.done @p0 $0x0  }
0x1d: {  	[sflag:s20] =	ssyncadd.s32 @p0 $0xFFFFD900;
	s20 =	simm.s32 @!p0 $0x2  }
0x1e: {  	[spmem:s14], [sflag:s13] =	dma.local @!p0 [hbm:s4], $0x2780  }
0x1f: {  	_ =	swait.ge @!p0 [sflag:s20], $0x2780  }
0x20: {  	[sflag:s20] =	ssyncset.done @!p0 $0x0  }
0x21: {  	[sflag:s20] =	ssyncadd.s32 @!p0 $0xFFFFD880  }
0x22: {  	[bflag:$0x0] =	sbarrier.arrive $0xFFFF  }
0x23: {  	[spmem:s2] =	stream.indirect.scatter.add.f32 [tilespmem:s11], [sflag:$0x1], $0x80, s3, s15, $0xb8;
	[tilespmem:$0x1A3C0] =	vst v63  }
0x24: {  	_ = 	snop  }
0x25: {  	[spmem:s2] =	stream.indirect.scatter.add.f32 [tilespmem:s11], [sflag:$0x1], $0x80, s15, s15, $0xb8;
	[tilespmem:$0x1A3C0] =	vst v63  }
0x26: {  	_ = 	snop  }
0x27: {  	[spmem:s2] =	stream.indirect.scatter.add.f32 [tilespmem:s11], [sflag:$0x1], $0x80, s16, s15, $0xb8;
	[tilespmem:$0x1A3C0] =	vst v63  }
0x28: {  	_ = 	snop  }
0x29: {  	[spmem:s2] =	stream.indirect.scatter.add.f32 [tilespmem:s11], [sflag:$0x1], $0x80, s17, s15, $0xb8;
	[tilespmem:$0x1A3C0] =	vst v63  }
0x2a: {  	_ =	swait.ge [sflag:s18], $0x4000  }
0x2b: {  	[sflag:s18] =	ssyncset.done $0x0  }
0x2c: {  	s21 =	simm.s32 $0x200;
	s20 =	simm.s32 $0xA00;
	[sflag:s18] =	ssyncadd.s32 $0xFFFFC000  }
.LBB2_2:
0x2d: {  	[spmem:s2] =	stream.indirect.scatter.add.f32 [tilespmem:s11], [sflag:$0x1], $0x80, s21, s15, $0xb8;
	[tilespmem:$0x1A3C0] =	vst v63  }
0x2e: {  	s21 =	smov.u32 s20;
	p1 =	sne.s32 s20, $0x9C00  }
.Ltmp0:
0x2f: {  	s20 =	sadd.s32 $0x200, s20;
	(pc) =	sbr.rel @p1 .LBB2_2-.Ltmp0, $4  }
0x30: {  	_ = 	snop  }
0x31: {  	_ =	swait.ge [sflag:s18], $0x4000  }
0x32: {  	[sflag:s18] =	ssyncset.done $0x0  }
0x33: {  	s21 =	sshra.s32 s21, $0x2;
	[sflag:s18] =	ssyncadd.s32 $0xFFFFC000  }
0x34: {  	[spmem:s2] =	stream.indirect.scatter.add.f32 [tilespmem:s11], [sflag:$0x1], $0x80, s21, s15, $0xb8;
	[tilespmem:$0x1A3C0] =	vst v63  }
0x35: {  	_ =	swait.ge [sflag:s18], $0x4000  }
0x36: {  	[sflag:s18] =	ssyncset.done $0x0  }
0x37: {  	[sflag:s18] =	ssyncadd.s32 $0xFFFFC000  }
0x38: {  	_ =	swait.ge [sflag:s18], $0x4000  }
0x39: {  	[sflag:s18] =	ssyncset.done $0x0  }
0x3a: {  	[sflag:s18] =	ssyncadd.s32 $0xFFFFC000  }
0x3b: {  	_ =	swait.ge [sflag:s18], $0x4000  }
0x3c: {  	[sflag:s18] =	ssyncset.done $0x0  }
0x3d: {  	[sflag:s18] =	ssyncadd.s32 $0xFFFFC000  }
0x3e: {  	_ =	swait.ge [sflag:s18], $0x4000  }
0x3f: {  	[sflag:s18] =	ssyncset.done $0x0  }
0x40: {  	[sflag:s18] =	ssyncadd.s32 $0xFFFFC000  }
0x41: {  	s20 =	simm.s32 @p0 $0x1FC2;
	[bflag:$0x0] =	sbarrier.arrive $0xFFFF  }
0x42: {  	[hbm:s8], [sflag:s20] =	dma.local @p0 [spmem:s12], $0x2700  }
0x43: {  	s20 =	simm.s32 @p0 $0x2  }
0x44: {  	s19 =	sadd.s32 $0x1, s19;
	_ =	swait.ge @p0 [sflag:s20], $0x2700  }
0x45: {  	p1 =	sne.s32 s19, s9;
	[sflag:s20] =	ssyncset.done @p0 $0x0  }
.Ltmp1:
0x46: {  	[sflag:s20] =	ssyncadd.s32 @p0 $0xFFFFD900;
	s20 =	simm.s32 @!p0 $0x2;
	(pc) =	sbr.rel @p1 .LBB2_1-.Ltmp1, $4  }
0x47: {  	[hbm:s7], [sflag:s13] =	dma.local @!p0 [spmem:s14], $0x2780  }
0x48: {  	_ =	swait.ge @!p0 [sflag:s20], $0x2780  }
0x49: {  	[sflag:s20] =	ssyncset.done @!p0 $0x0  }
0x4a: {  	[sflag:s20] =	ssyncadd.s32 @!p0 $0xFFFFD880  }
0x4b: {  	_ =	sfence.sel $0x180000  }
0x4c: {  	[bflag:$0x0] =	sbarrier.arrive $0xFFFF  }
0x4d: {  	p0 =	sne.s32 s1, $0x0;
	_ =	strace $0x9000004A  }
0x4e: {  	s0 =	sadd.s32 @!p0 $0x100000, s0;
	[bflag:$0x2] =	sbarrier.arrive $0xFFFF  }
0x4f: {  	[sflag:s0] =	ssyncadd.tile.s32 @!p0 $0x1;
	_ =	shalt  }
.Lfunc_end2:
_tile_overlayer_lowered:
.L_overlay_start_2:
0x50: {  	(tag) =	ssettag $0x2  }
0x51: {  	s0 =	rddreg [dreg:$0x0];
	s2 =	stileid.u32  }
0x52: {  	s1 =	rddreg [dreg:$0x1];
	p0 =	sne.s32 s2, $0x0  }
0x53: {  	s3 =	rddreg [dreg:$0x2];
	[bflag:$0x3] =	sbarrier.arrive $0xFFFF;
	s2 =	simm.s32 @!p0 $0x1C02  }
0x54: {  	[timem:s3], [sflag:s2] =	dma.local @!p0 [hbm:s0], s1  }
0x55: {  	s0 =	simm.s32 @!p0 $0x2  }
0x56: {  	_ =	swait.ge @!p0 [sflag:s0], s1  }
0x57: {  	s1 =	ssub.s32 @!p0 $0x0, s1;
	[sflag:s0] =	ssyncset.done @!p0 $0x0  }
0x58: {  	[sflag:s0] =	ssyncadd.s32 @!p0 s1  }
0x59: {  	[bflag:$0x3] =	sbarrier.arrive $0xFFFF  }
0x5a: {  	_ =	shalt  }

// kernel: kernel.13.cloned.1.call-start
scs
__scs_entry_jumppad:
0x0: {  	(pc) =	sbr.rel $0x88, $3  }
0x1: {  	(tag) =	ssettag $0x0;
	lr =	simm.s32 $0x1  }
0x2: {  	[smem:$0x3F96] =	sst lr;
	_ =	strace $0xD0000000  }
0x3: {  	_ = 	snop  }
0x4: {  	_ = 	snop  }
0x5: {  	_ = 	snop  }
0x6: {  	_ = 	snop  }
0x7: {  	_ = 	snop  }
__scs_overlays_trampoline_lowered:
0x8: {  	[smem:$0x3FA5] =	sst s0  }
0x9: {  	[smem:$0x3FA6] =	sst s1  }
0xa: {  	[smem:$0x3FA7] =	sst s2  }
0xb: {  	[smem:$0x3FA8] =	sst s3  }
0xc: {  	[smem:$0x3FA9] =	sst s4  }
0xd: {  	[smem:$0x3FAA] =	sst s5  }
0xe: {  	[smem:$0x3FAB] =	sst s6  }
0xf: {  	[smem:$0x3FAC] =	sst s7  }
0x10: {  	[smem:$0x3FAD] =	sst s8  }
0x11: {  	[smem:$0x3FAE] =	sst s9;
	s0 =	simm.s32 @!p0 $0x0  }
0x12: {  	s1 =	sld [smem:$0x3F94];
	s0 =	simm.s32 @p0 $0x1  }
0x13: {  	[smem:$0x3FAF] =	sst s0;
	s0 =	simm.s32 @!p1 $0x0  }
0x14: {  	s2 =	sld [smem:$0x3F93];
	s0 =	simm.s32 @p1 $0x1  }
0x15: {  	[smem:$0x3FB0] =	sst s0;
	s0 =	simm.s32 @!p2 $0x0  }
0x16: {  	s3 =	sld [smem:$0x3FDB];
	s0 =	simm.s32 @p2 $0x1  }
0x17: {  	s4 =	simm.s32 $0x1BF5;
	[smem:$0x3FB2] =	sst s0  }
0x18: {  	s0 =	sld [smem:$0x3F95];
	_ =	swait.ge [sflag:s4], $0x0  }
0x19: {  	s7 =	sld [smem:$0x3F96]  }
0x1a: {  	s8 =	sadd.s32 $0xFFFFE003, lr  }
0x1b: {  	s9 =	sadd.s32 $0xFFFFFEF7, lr;
	s5 =	simm.s32 $0xFFFFFFFF;
	p2 =	slt.u32 s8, $0xFFFFF086  }
0x1c: {  	p1 =	slt.u32 s9, $0xF7A;
	s5 =	simm.s32 @!p2 $0x0  }
0x1d: {  	s5 =	simm.s32 @p1 $0x1;
	p0 =	seq.s32 s7, s2  }
0x1e: {  	s7 =	smul.u32 @!p0 $0xF7A, s2;
	p2 =	seq.s32 @!p0 s5, $0x0  }
0x1f: {  	s9 =	smul.u32 $0xF7A, s1;
	s8 =	simm.s32 @!p0 $0x1BF5;
	p2 =	por !p2, p0  }
0x20: {  	[sflag:s8] =	ssyncset.s32 @!p0 $0xFFFFF086;
	s6 =	sadd.s32 @!p0 s3, s7;
	s7 =	simm.s32 @!p0 $0x108  }
0x21: {  	s3 =	sadd.s32 s3, s9;
	s6 =	sadd.s32 @!p0 $0x88, s6;
	s7 =	simm.s32 @p2 $0x1082  }
0x22: {  	[simem:s7], [sflag:s8] =	dma.local @!p0 [hbm:s6], $0xF7A  }
0x23: {  	s9 =	sor.u32 $0xD0000000, s2;
	s6 =	simm.s32 $0x108;
	_ =	swait.ge @!p0 [sflag:s8], $0x0  }
0x24: {  	s3 =	sadd.s32 $0x88, s3;
	s6 =	simm.s32 @!p1 $0x1082;
	[sflag:s4] =	ssyncset.s32 $0xFFFFF086  }
0x25: {  	[simem:s6], [sflag:s4] =	dma.local [hbm:s3], $0xF7A  }
0x26: {  	[smem:$0x3F96] =	sst s1;
	(tag) =	ssettag s2;
	_ =	strace s9  }
0x27: {  	s1 =	sld [smem:$0x3FA6]  }
0x28: {  	s2 =	sld [smem:$0x3FA7]  }
0x29: {  	s4 =	sld [smem:$0x3FA9]  }
0x2a: {  	p0 =	seq.s32 s5, $0x0;
	s5 =	sld [smem:$0x3FAA]  }
0x2b: {  	s6 =	sld [smem:$0x3FAB]  }
0x2c: {  	s7 =	sld [smem:$0x3FAC]  }
0x2d: {  	s3 =	simm.s32 $0x108;
	s8 =	sld [smem:$0x3FAD]  }
0x2e: {  	s3 =	simm.s32 @!p0 $0x1082;
	s9 =	sld [smem:$0x3FAE]  }
0x2f: {  	lr =	sadd.s32 s0, s3;
	s0 =	sld [smem:$0x3FA5]  }
0x30: {  	s3 =	sld [smem:$0x3FA8]  }
0x31: {  	[smem:$0x3FB1] =	sst s10  }
0x32: {  	s10 =	sld [smem:$0x3FAF];
	_ =	sdelay $0x3  }
0x33: {  	p0 =	seq.s32 s10, $0x1;
	s10 =	sld [smem:$0x3FB1];
	_ =	sdelay $0x3  }
0x34: {  	[smem:$0x3FB1] =	sst s10  }
0x35: {  	s10 =	sld [smem:$0x3FB0];
	_ =	sdelay $0x3  }
0x36: {  	p1 =	seq.s32 s10, $0x1;
	s10 =	sld [smem:$0x3FB1];
	_ =	sdelay $0x3  }
0x37: {  	[smem:$0x3FB1] =	sst s10  }
0x38: {  	s10 =	sld [smem:$0x3FB2]  }
0x39: {  	_ = 	snop;
	(pc) =	sbr.ind lr, $3  }
0x3a: {  	_ = 	snop  }
0x3b: {  	_ = 	snop  }
0x3c: {  	p2 =	seq.s32 s10, $0x1;
	s10 =	sld [smem:$0x3FB1]  }
0x3d: {  	_ =	shalt  }
0x3e: {  	_ =	shalt  }
0x3f: {  	_ =	shalt  }
0x40: {  	_ =	shalt  }
0x41: {  	_ =	shalt  }
0x42: {  	_ =	shalt  }
0x43: {  	_ =	shalt  }
0x44: {  	_ =	shalt  }
0x45: {  	_ =	shalt  }
0x46: {  	_ =	shalt  }
0x47: {  	_ =	shalt  }
0x48: {  	_ =	shalt  }
0x49: {  	_ =	shalt  }
0x4a: {  	_ =	shalt  }
0x4b: {  	_ =	shalt  }
0x4c: {  	_ =	shalt  }
0x4d: {  	_ =	shalt  }
0x4e: {  	_ =	shalt  }
0x4f: {  	_ =	shalt  }
0x50: {  	_ =	shalt  }
0x51: {  	_ =	shalt  }
0x52: {  	_ =	shalt  }
0x53: {  	_ =	shalt  }
0x54: {  	_ =	shalt  }
0x55: {  	_ =	shalt  }
0x56: {  	_ =	shalt  }
0x57: {  	_ =	shalt  }
0x58: {  	_ =	shalt  }
0x59: {  	_ =	shalt  }
0x5a: {  	_ =	shalt  }
0x5b: {  	_ =	shalt  }
0x5c: {  	_ =	shalt  }
0x5d: {  	_ =	shalt  }
0x5e: {  	_ =	shalt  }
0x5f: {  	_ =	shalt  }
0x60: {  	_ =	shalt  }
0x61: {  	_ =	shalt  }
0x62: {  	_ =	shalt  }
0x63: {  	_ =	shalt  }
0x64: {  	_ =	shalt  }
0x65: {  	_ =	shalt  }
0x66: {  	_ =	shalt  }
0x67: {  	_ =	shalt  }
0x68: {  	_ =	shalt  }
0x69: {  	_ =	shalt  }
0x6a: {  	_ =	shalt  }
0x6b: {  	_ =	shalt  }
0x6c: {  	_ =	shalt  }
0x6d: {  	_ =	shalt  }
0x6e: {  	_ =	shalt  }
0x6f: {  	_ =	shalt  }
0x70: {  	_ =	shalt  }
0x71: {  	_ =	shalt  }
0x72: {  	_ =	shalt  }
0x73: {  	_ =	shalt  }
0x74: {  	_ =	shalt  }
0x75: {  	_ =	shalt  }
0x76: {  	_ =	shalt  }
0x77: {  	_ =	shalt  }
0x78: {  	_ =	shalt  }
0x79: {  	_ =	shalt  }
0x7a: {  	_ =	shalt  }
0x7b: {  	_ =	shalt  }
0x7c: {  	_ =	shalt  }
0x7d: {  	_ =	shalt  }
0x7e: {  	_ =	shalt  }
0x7f: {  	_ =	shalt  }
0x80: {  	_ =	shalt  }
0x81: {  	_ =	shalt  }
0x82: {  	_ =	shalt  }
0x83: {  	_ =	shalt  }
0x84: {  	_ =	shalt  }
0x85: {  	_ =	shalt  }
0x86: {  	_ =	shalt  }
0x87: {  	_ =	shalt  }
.Lfunc_end0:
.L_simem_size_0:
called_computation.1_lowered:
.L_overlay_start_0:
0x88: {  	s2 =	sld [smem:$0x3FD9]  }
0x89: {  	s3 =	sld [smem:$0x3FFE];
	_ =	sdelay $0x1  }
0x8a: {  	s1 =	srdreg.scid  }
0x8b: {  	s0 =	sand.u32 $0x1, s1  }
0x8c: {  	s16 =	sshll.u32 s0, $0xA;
	s2 =	sadd.s32 s3, s2  }
0x8d: {  	s2 =	sadd.s32 s2, s16  }
0x8e: {  	[smem:$0x3FBD] =	sst s2  }
0x8f: {  	_ = 	snop  }
0x90: {  	(tm) =	ssettm $0x1  }
0x91: {  	s17 =	sld [smem:$0x3FFB];
	_ =	sdelay $0x3  }
0x92: {  	_ =	strace s17  }
0x93: {  	s2 =	sld [smem:$0x3FFC];
	_ =	sdelay $0x3  }
0x94: {  	_ =	strace s2  }
0x95: {  	s2 =	sld [smem:$0x3FFD];
	_ =	sdelay $0x3  }
0x96: {  	_ =	strace s2  }
0x97: {  	_ =	strace $0x8FFFFFFF  }
0x98: {  	s18 =	sld [smem:$0x3FDB];
	_ =	sdelay $0x1  }
0x99: {  	s19 =	simm.s32 $_scs_section_size  }
0x9a: {  	s4 =	simm.s32 $_size__tile_overlayer_lowered;
	s5 =	simm.s32 $_tile_overlayer_lowered  }
0x9b: {  	s22 =	simm.s32 $0x1BFF;
	s21 =	sshll.u32 s5, $0x1;
	s2 =	sadd.s32 s19, s18  }
0x9c: {  	s6 =	simm.s32 $0x0;
	s20 =	sshll.u32 s4, $0x1;
	s4 =	sadd.s32 s21, s2  }
0x9d: {  	[timem:s6], [sflag:s22] =	dma.local [hbm:s4], s20  }
0x9e: {  	_ =	swait.ge [sflag:s22], s20  }
0x9f: {  	s3 =	ssub.s32 $0x0, s20;
	[sflag:s22] =	ssyncset.done $0x0  }
0xa0: {  	[sflag:s22] =	ssyncadd.s32 s3;
	_ =	sdelay $0x1  }
0xa1: {  	s23 =	simm.s32 $0x1B8B  }
0xa2: {  	_ =	swait.ge [sflag:s23], $0x1  }
0xa3: {  	[sflag:s23] =	ssyncset.done $0x0  }
0xa4: {  	s25 =	simm.s32 $0x1B8E;
	s24 =	sld [smem:$0x3FFE];
	[sflag:s23] =	ssyncadd.s32 $0xFFFFFFFF  }
0xa5: {  	s26 =	simm.s32 $execute0_lowered;
	[smem:$0x3FD2] =	sst s25  }
0xa6: {  	s4 =	sshll.u32 s26, $0x1;
	_ =	strace $0x80000046;
	[dreg:$0x1] =	wrdreg $0xFFFFFFFF  }
0xa7: {  	s28 =	simm.s32 $_size_execute0_lowered;
	s2 =	sadd.s32 s2, s4;
	[dreg:$0x0] =	wrdreg $0x0  }
0xa8: {  	s4 =	sshll.u32 s28, $0x1;
	[dreg:$0x2] =	wrdreg s2  }
0xa9: {  	[dreg:$0x3] =	wrdreg s4  }
0xaa: {  	[dreg:$0x4] =	wrdreg $0xC0  }
0xab: {  	_ =	task [dreg:s6], $0x5FFFF  }
0xac: {  	[dreg:$0x1] =	wrdreg $0xFFFFFFFF  }
0xad: {  	[dreg:$0x0] =	wrdreg $0x60  }
0xae: {  	[dreg:$0x2] =	wrdreg s24  }
0xaf: {  	[dreg:$0x3] =	wrdreg $0xC4000  }
0xb0: {  	[dreg:$0x4] =	wrdreg $0xA  }
0xb1: {  	_ =	task.clear_ibuf [dreg:s6], $0x5FFFF;
	_ =	strace $0x90000046  }
0xb2: {  	s29 =	simm.s32 $0xA;
	_ =	strace $0x80000048  }
0xb3: {  	_ =	swait.ge [sflag:s29], $0x1  }
0xb4: {  	[sflag:s29] =	ssyncadd.s32 $0xFFFFFFFF  }
0xb5: {  	_ =	strace $0x90000048  }
0xb6: {  	_ =	sfence  }
0xb7: {  	s30 =	sld [smem:$0x0];
	_ =	sdelay $0x2  }
0xb8: {  	s31 =	sshll.u32 s1, $0xD;
	s1 =	sshrl.u32 s1, $0x2  }
0xb9: {  	s3 =	sand.u32 $0x4000, s31;
	s1 =	sadd.s32 s1, s30  }
0xba: {  	s0 =	sor.u32 s3, s0;
	s1 =	sshll.u32 s1, $0x11  }
0xbb: {  	s0 =	sor.u32 s1, s0  }
0xbc: {  	s0 =	sadd.s32 $0x8F2B, s0  }
0xbd: {  	[sflag:s0] =	ssyncadd.remote.s32 $0x1  }
0xbe: {  	_ =	sfence.sel $0xFFFF  }
0xbf: {  	[dreg:$0x0] =	wrdreg $0xFFFFFFFF;
	(pc) =	sbr.abs _section_cstart, $3  }
0xc0: {  	[dreg:$0x1] =	wrdreg $0xFFFFFFFF  }
0xc1: {  	_ =	task.clear_ibuf [dreg:s6], $0x2FFFF;
	_ =	strace $0x9FFFFFFF  }
0xc2: {  	(tm) =	ssettm $0x7FFFFFFF  }
0xc3: {  	_ =	shalt  }
tec
execute0_lowered:
.L_overlay_start_1:
0x0: {  	(tag) =	ssettag $0x1  }
0x1: {  	s6 =	rddreg [dreg:$0x0]  }
0x2: {  	s1 =	rddreg [dreg:$0x1];
	s3 =	srdreg.scid  }
0x3: {  	s0 =	rddreg [dreg:$0x2];
	s2 =	simm.s32 $0x0;
	s7 =	sand.u32 $0x1, s3  }
0x4: {  	s15 =	simm.s32 $0x8;
	s3 =	stileid.u32;
	s5 =	smul.u32 $0x4F00, s7  }
0x5: {  	s16 =	simm.s32 $0x9;
	s17 =	simm.s32 $0x7;
	s8 =	smul.u32 $0x4F000, s3  }
0x6: {  	s18 =	simm.s32 $0x0;
	[smem:$0x7FF] =	sst s2;
	s10 =	smul.u32 $0x13BC00, s7  }
0x7: {  	s4 =	sadd.s32 $0x16800, s6;
	s12 =	sadd.s32 $0x40200, s6;
	s11 =	smul.u32 $0x13C00, s3  }
0x8: {  	_ =	strace $0x80000047;
	s7 =	ssub.s32 $0x2, s7;
	s30 =	smul.u32 $0x4F0, s3  }
0x9: {  	p0 =	seq.s32 s3, $0xF;
	s26 =	sshrl.u32 s7, $0x1;
	s9 =	sadd.s32 s5, s6  }
0xa: {  	s5 =	sadd.s32 $0x3DA00, s6;
	s8 =	sshrl.u32 s8, $0x2;
	s13 =	ssub.s32 s7, s26  }
0xb: {  	s28 =	sadd.s32 s11, s10;
	s29 =	sshrl.u32 s10, $0x3;
	s11 =	sadd.s32 $0x128400, s1  }
.Ltmp0:
0xc: {  	s14 =	sadd.s32 s8, s1;
	s6 =	sshrl.u32 s28, $0x3;
	(pc) =	sbr.rel .LBB2_1-.Ltmp0, $4  }
0xd: {  	s7 =	sadd.s32 s12, s29;
	s31 =	sadd.s32 s30, s9;
	s8 =	smax.u32 s13, $0x1  }
0xe: {  	s11 =	sshrl.u32 @p0 s11, $0x3;
	s6 =	sadd.s32 s12, s6;
	s7 =	sadd.s32 $0x25080, s7  }
0xf: {  	s9 =	sadd.s32 $0x2C00, s31;
	s12 =	sshll.u32 @!p0 s3, $0x6;
	s10 =	sadd.s32 $0xCA00, s31  }
0x10: {  	s13 =	sshrl.u32 @!p0 s14, $0x3;
	s14 =	simm.s32 $0x80;
	s12 =	sor.u32 @!p0 $0x1C0A, s12  }
.LBB2_7:
0x11: {  	_ =	swait.ge [sflag:s15], $0x4000  }
0x12: {  	[sflag:s15] =	ssyncset.done $0x0  }
0x13: {  	[sflag:s15] =	ssyncadd.s32 $0xFFFFC000  }
0x14: {  	_ =	swait.ge [sflag:s16], $0x4000  }
0x15: {  	[sflag:s16] =	ssyncset.done $0x0  }
0x16: {  	[sflag:s16] =	ssyncadd.s32 $0xFFFFC000  }
0x17: {  	_ =	swait.ge [sflag:s17], $0x4000  }
0x18: {  	[sflag:s17] =	ssyncset.done $0x0  }
0x19: {  	[sflag:s17] =	ssyncadd.s32 $0xFFFFC000  }
0x1a: {  	s19 =	simm.s32 @p0 $0x1FCA;
	[bflag:$0x0] =	sbarrier.arrive $0xFFFF  }
0x1b: {  	[hbm:s7], [sflag:s19] =	dma.local @p0 [spmem:s11], $0x2700  }
0x1c: {  	s19 =	simm.s32 @p0 $0xA  }
0x1d: {  	s18 =	sadd.s32 $0x1, s18;
	_ =	swait.ge @p0 [sflag:s19], $0x2700  }
0x1e: {  	p1 =	sne.s32 s18, s8;
	[sflag:s19] =	ssyncset.done @p0 $0x0  }
.Ltmp1:
0x1f: {  	[sflag:s19] =	ssyncadd.s32 @p0 $0xFFFFD900;
	s19 =	simm.s32 @!p0 $0xA;
	(pc) =	sbr.rel @!p1 .LBB2_8-.Ltmp1, $4  }
0x20: {  	[hbm:s6], [sflag:s12] =	dma.local @!p0 [spmem:s13], $0x2780  }
0x21: {  	_ =	swait.ge @!p0 [sflag:s19], $0x2780  }
0x22: {  	[sflag:s19] =	ssyncset.done @!p0 $0x0  }
0x23: {  	[sflag:s19] =	ssyncadd.s32 @!p0 $0xFFFFD880  }
.LBB2_1:
0x24: {  	s19 =	simm.s32 @p0 $0x1FCA  }
0x25: {  	[spmem:s11], [sflag:s19] =	dma.local @p0 [hbm:s5], $0x2700  }
0x26: {  	s19 =	simm.s32 @p0 $0xA  }
0x27: {  	_ =	swait.ge @p0 [sflag:s19], $0x2700  }
0x28: {  	[sflag:s19] =	ssyncset.done @p0 $0x0  }
0x29: {  	[sflag:s19] =	ssyncadd.s32 @p0 $0xFFFFD900;
	s19 =	simm.s32 @!p0 $0xA  }
0x2a: {  	[spmem:s13], [sflag:s12] =	dma.local @!p0 [hbm:s5], $0x2780  }
.Ltmp2:
0x2b: {  	_ =	swait.ge @!p0 [sflag:s19], $0x2780;
	(pc) =	sbr.rel .LBB2_2-.Ltmp2, $4  }
0x2c: {  	[sflag:s19] =	ssyncset.done @!p0 $0x0  }
0x2d: {  	[sflag:s19] =	ssyncadd.s32 @!p0 $0xFFFFD880  }
0x2e: {  	[bflag:$0x0] =	sbarrier.arrive $0xFFFF  }
0x2f: {  	s20 =	smov.u32 s9;
	s21 =	simm.s32 $0x0;
	s19 =	smov.u32 s10  }
.LBB2_5:
0x30: {  	s23 =	sshll.u32 s22, $0x7  }
0x31: {  	s31 =	sadd.s32 $0x1, s22;
	s23 =	sand.u32 $0x3FFFFF80, s23  }
0x32: {  	[tilespmem:s23], [sflag:s31] =	stream.linear.gather [hbm4b:s20+s2], $0x80, $0x38;
	v63 =	vld [tilespmem:$0x0]  }
0x33: {  	s23 =	sadd.s32 $0x200, s23  }
0x34: {  	[tilespmem:s23], [sflag:s31] =	stream.linear.gather [hbm4b:s19+s2], $0x80, $0x38;
	v63 =	vld [tilespmem:$0x0]  }
.LBB2_6:
0x35: {  	p1 =	seq.s32 s21, $0x0  }
0x36: {  	p2 =	seq.s32 @!p1 s21, $0x50  }
0x37: {  	p1 =	por p2, p1  }
0x38: {  	s22 =	sadd.s32 @!p1 $0xFFFFFFFF, s21  }
0x39: {  	s23 =	sand.u32 @!p1 $0xFF, s22  }
0x3a: {  	s23 =	smul.u32 @!p1 $0xAB, s23;
	_ =	sdelay $0x1  }
0x3b: {  	s23 =	sshrl.u32 @!p1 s23, $0x9  }
0x3c: {  	s23 =	smul.u32 @!p1 $0x3, s23;
	_ =	sdelay $0x1  }
0x3d: {  	s22 =	ssub.s32 @!p1 s22, s23  }
0x3e: {  	s22 =	sand.u32 @!p1 $0xFF, s22  }
0x3f: {  	s23 =	sadd.s32 @!p1 $0x1, s22  }
0x40: {  	_ =	swait.ge @!p1 [sflag:s23], $0x80  }
0x41: {  	[sflag:s23] =	ssyncset.done @!p1 $0x0  }
0x42: {  	[sflag:s23] =	ssyncadd.s32 @!p1 $0xFFFFFF80  }
0x43: {  	_ =	swait.ge @!p1 [sflag:s23], $0x80  }
0x44: {  	s25 =	simm.s32 @!p1 $0x80;
	[sflag:s23] =	ssyncset.done @!p1 $0x0  }
0x45: {  	s21 =	sadd.s32 $0x1, s21;
	[sflag:s23] =	ssyncadd.s32 @!p1 $0xFFFFFF80;
	s23 =	sshll.u32 @!p1 s22, $0xE  }
0x46: {  	s24 =	sshll.u32 @!p1 s22, $0x7;
	s22 =	sor.u32 @!p1 $0x4, s22;
	s23 =	sor.u32 @!p1 $0x400, s23  }
0x47: {  	[tilespmem:s23], [sflag:s22] =	stream.indirect.gather @!p1 [hbm4b:s4+s25], $0x80, s24, s25, $0xb8;
	v63 =	vld [tilespmem:$0x0]  }
0x48: {  	p1 =	sne.s32 s21, $0x51  }
.Ltmp3:
0x49: {  	_ = 	snop;
	(pc) =	sbr.rel @!p1 .LBB2_7-.Ltmp3, $2  }
0x4a: {  	_ =	sdelay $0x2  }
0x4b: {  	s20 =	sadd.s32 $0x10, s20;
	s19 =	sadd.s32 $0x10, s19  }
.LBB2_2:
0x4c: {  	p1 =	slt.u32 s21, $0x2  }
.Ltmp4:
0x4d: {  	_ = 	snop;
	(pc) =	sbr.rel @p1 .LBB2_5-.Ltmp4, $2  }
0x4e: {  	_ =	sdelay $0x2  }
0x4f: {  	s22 =	smov.u32 s21  }
0x50: {  	s22 =	sadd.s32 $0xFFFFFFFE, s21  }
0x51: {  	s23 =	sand.u32 $0xFF, s22  }
0x52: {  	s23 =	smul.u32 $0xAB, s23;
	_ =	sdelay $0x1  }
0x53: {  	s23 =	sshrl.u32 s23, $0x9  }
0x54: {  	s23 =	smul.u32 $0x3, s23;
	_ =	sdelay $0x1  }
0x55: {  	s22 =	ssub.s32 s22, s23  }
0x56: {  	p1 =	sgt.u32 s21, $0x4E;
	s22 =	sand.u32 $0xFF, s22  }
.Ltmp5:
0x57: {  	s30 =	sor.u32 $0x4, s22;
	(pc) =	sbr.rel @p1 .LBB2_6-.Ltmp5, $4  }
0x58: {  	s24 =	sshll.u32 s22, $0xE;
	_ =	swait.ge [sflag:s30], $0x4000  }
0x59: {  	s31 =	sshll.u32 s22, $0x7;
	s22 =	sadd.s32 $0x7, s22;
	[sflag:s30] =	ssyncset.done $0x0  }
0x5a: {  	s24 =	sor.u32 $0x400, s24;
	s23 =	sor.u32 $0x200, s31;
	[sflag:s30] =	ssyncadd.s32 $0xFFFFC000  }
0x5b: {  	[spmem:s1] =	stream.indirect.scatter.add.f32 [tilespmem:s24], [sflag:s22], $0x80, s23, s14, $0xb8;
	v63 =	vld [tilespmem:$0x0]  }
0x5c: {  	s22 =	smul.u32 $0xAB, s21;
	_ =	sdelay $0x1  }
0x5d: {  	s22 =	sshrl.u32 s22, $0x9  }
0x5e: {  	s22 =	sand.u32 $0x7F, s22  }
0x5f: {  	s22 =	smul.u32 $0x3, s22;
	_ =	sdelay $0x1  }
0x60: {  	s22 =	ssub.s32 s21, s22  }
.Ltmp6:
0x61: {  	p1 =	seq.s32 s21, $0x2;
	s22 =	sand.u32 $0xFF, s22;
	(pc) =	sbr.rel .LBB2_5-.Ltmp6, $4  }
0x62: {  	s23 =	sadd.s32 @!p1 $0x7, s22  }
0x63: {  	_ =	swait.ge @!p1 [sflag:s23], $0x4000  }
0x64: {  	[sflag:s23] =	ssyncset.done @!p1 $0x0  }
0x65: {  	[sflag:s23] =	ssyncadd.s32 @!p1 $0xFFFFC000  }
.LBB2_8:
0x66: {  	_ =	sfence.sel $0x180000  }
0x67: {  	[bflag:$0x0] =	sbarrier.arrive $0xFFFF  }
0x68: {  	p0 =	sne.s32 s3, $0x0;
	_ =	strace $0x90000047  }
0x69: {  	s0 =	sadd.s32 @!p0 $0x100000, s0;
	[bflag:$0x2] =	sbarrier.arrive $0xFFFF  }
0x6a: {  	[sflag:s0] =	ssyncadd.tile.s32 @!p0 $0x1;
	_ =	shalt  }
.Lfunc_end2:
_tile_overlayer_lowered:
.L_overlay_start_2:
0x6b: {  	(tag) =	ssettag $0x2  }
0x6c: {  	s0 =	rddreg [dreg:$0x0];
	s2 =	stileid.u32  }
0x6d: {  	s1 =	rddreg [dreg:$0x1];
	p0 =	sne.s32 s2, $0x0  }
0x6e: {  	s3 =	rddreg [dreg:$0x2];
	[bflag:$0x3] =	sbarrier.arrive $0xFFFF;
	s2 =	simm.s32 @!p0 $0x1C0A  }
0x6f: {  	[timem:s3], [sflag:s2] =	dma.local @!p0 [hbm:s0], s1  }
0x70: {  	s0 =	simm.s32 @!p0 $0xA  }
0x71: {  	_ =	swait.ge @!p0 [sflag:s0], s1  }
0x72: {  	s1 =	ssub.s32 @!p0 $0x0, s1;
	[sflag:s0] =	ssyncset.done @!p0 $0x0  }
0x73: {  	[sflag:s0] =	ssyncadd.s32 @!p0 s1  }
0x74: {  	[bflag:$0x3] =	sbarrier.arrive $0xFFFF  }
0x75: {  	_ =	shalt  }

// kernel: kernel.16.cloned.1.call-start
scs
__scs_entry_jumppad:
0x0: {  	(pc) =	sbr.rel $0x88, $3  }
0x1: {  	(tag) =	ssettag $0x0;
	lr =	simm.s32 $0x1  }
0x2: {  	[smem:$0x3F96] =	sst lr;
	_ =	strace $0xD0000000  }
0x3: {  	_ = 	snop  }
0x4: {  	_ = 	snop  }
0x5: {  	_ = 	snop  }
0x6: {  	_ = 	snop  }
0x7: {  	_ = 	snop  }
__scs_overlays_trampoline_lowered:
0x8: {  	[smem:$0x3FA5] =	sst s0  }
0x9: {  	[smem:$0x3FA6] =	sst s1  }
0xa: {  	[smem:$0x3FA7] =	sst s2  }
0xb: {  	[smem:$0x3FA8] =	sst s3  }
0xc: {  	[smem:$0x3FA9] =	sst s4  }
0xd: {  	[smem:$0x3FAA] =	sst s5  }
0xe: {  	[smem:$0x3FAB] =	sst s6  }
0xf: {  	[smem:$0x3FAC] =	sst s7  }
0x10: {  	[smem:$0x3FAD] =	sst s8  }
0x11: {  	[smem:$0x3FAE] =	sst s9;
	s0 =	simm.s32 @!p0 $0x0  }
0x12: {  	s1 =	sld [smem:$0x3F94];
	s0 =	simm.s32 @p0 $0x1  }
0x13: {  	[smem:$0x3FAF] =	sst s0;
	s0 =	simm.s32 @!p1 $0x0  }
0x14: {  	s2 =	sld [smem:$0x3F93];
	s0 =	simm.s32 @p1 $0x1  }
0x15: {  	[smem:$0x3FB0] =	sst s0;
	s0 =	simm.s32 @!p2 $0x0  }
0x16: {  	s3 =	sld [smem:$0x3FDB];
	s0 =	simm.s32 @p2 $0x1  }
0x17: {  	s4 =	simm.s32 $0x1BF5;
	[smem:$0x3FB2] =	sst s0  }
0x18: {  	s0 =	sld [smem:$0x3F95];
	_ =	swait.ge [sflag:s4], $0x0  }
0x19: {  	s7 =	sld [smem:$0x3F96]  }
0x1a: {  	s8 =	sadd.s32 $0xFFFFE003, lr  }
0x1b: {  	s9 =	sadd.s32 $0xFFFFFEF7, lr;
	s5 =	simm.s32 $0xFFFFFFFF;
	p2 =	slt.u32 s8, $0xFFFFF086  }
0x1c: {  	p1 =	slt.u32 s9, $0xF7A;
	s5 =	simm.s32 @!p2 $0x0  }
0x1d: {  	s5 =	simm.s32 @p1 $0x1;
	p0 =	seq.s32 s7, s2  }
0x1e: {  	s7 =	smul.u32 @!p0 $0xF7A, s2;
	p2 =	seq.s32 @!p0 s5, $0x0  }
0x1f: {  	s9 =	smul.u32 $0xF7A, s1;
	s8 =	simm.s32 @!p0 $0x1BF5;
	p2 =	por !p2, p0  }
0x20: {  	[sflag:s8] =	ssyncset.s32 @!p0 $0xFFFFF086;
	s6 =	sadd.s32 @!p0 s3, s7;
	s7 =	simm.s32 @!p0 $0x108  }
0x21: {  	s3 =	sadd.s32 s3, s9;
	s6 =	sadd.s32 @!p0 $0x88, s6;
	s7 =	simm.s32 @p2 $0x1082  }
0x22: {  	[simem:s7], [sflag:s8] =	dma.local @!p0 [hbm:s6], $0xF7A  }
0x23: {  	s9 =	sor.u32 $0xD0000000, s2;
	s6 =	simm.s32 $0x108;
	_ =	swait.ge @!p0 [sflag:s8], $0x0  }
0x24: {  	s3 =	sadd.s32 $0x88, s3;
	s6 =	simm.s32 @!p1 $0x1082;
	[sflag:s4] =	ssyncset.s32 $0xFFFFF086  }
0x25: {  	[simem:s6], [sflag:s4] =	dma.local [hbm:s3], $0xF7A  }
0x26: {  	[smem:$0x3F96] =	sst s1;
	(tag) =	ssettag s2;
	_ =	strace s9  }
0x27: {  	s1 =	sld [smem:$0x3FA6]  }
0x28: {  	s2 =	sld [smem:$0x3FA7]  }
0x29: {  	s4 =	sld [smem:$0x3FA9]  }
0x2a: {  	p0 =	seq.s32 s5, $0x0;
	s5 =	sld [smem:$0x3FAA]  }
0x2b: {  	s6 =	sld [smem:$0x3FAB]  }
0x2c: {  	s7 =	sld [smem:$0x3FAC]  }
0x2d: {  	s3 =	simm.s32 $0x108;
	s8 =	sld [smem:$0x3FAD]  }
0x2e: {  	s3 =	simm.s32 @!p0 $0x1082;
	s9 =	sld [smem:$0x3FAE]  }
0x2f: {  	lr =	sadd.s32 s0, s3;
	s0 =	sld [smem:$0x3FA5]  }
0x30: {  	s3 =	sld [smem:$0x3FA8]  }
0x31: {  	[smem:$0x3FB1] =	sst s10  }
0x32: {  	s10 =	sld [smem:$0x3FAF];
	_ =	sdelay $0x3  }
0x33: {  	p0 =	seq.s32 s10, $0x1;
	s10 =	sld [smem:$0x3FB1];
	_ =	sdelay $0x3  }
0x34: {  	[smem:$0x3FB1] =	sst s10  }
0x35: {  	s10 =	sld [smem:$0x3FB0];
	_ =	sdelay $0x3  }
0x36: {  	p1 =	seq.s32 s10, $0x1;
	s10 =	sld [smem:$0x3FB1];
	_ =	sdelay $0x3  }
0x37: {  	[smem:$0x3FB1] =	sst s10  }
0x38: {  	s10 =	sld [smem:$0x3FB2]  }
0x39: {  	_ = 	snop;
	(pc) =	sbr.ind lr, $3  }
0x3a: {  	_ = 	snop  }
0x3b: {  	_ = 	snop  }
0x3c: {  	p2 =	seq.s32 s10, $0x1;
	s10 =	sld [smem:$0x3FB1]  }
0x3d: {  	_ =	shalt  }
0x3e: {  	_ =	shalt  }
0x3f: {  	_ =	shalt  }
0x40: {  	_ =	shalt  }
0x41: {  	_ =	shalt  }
0x42: {  	_ =	shalt  }
0x43: {  	_ =	shalt  }
0x44: {  	_ =	shalt  }
0x45: {  	_ =	shalt  }
0x46: {  	_ =	shalt  }
0x47: {  	_ =	shalt  }
0x48: {  	_ =	shalt  }
0x49: {  	_ =	shalt  }
0x4a: {  	_ =	shalt  }
0x4b: {  	_ =	shalt  }
0x4c: {  	_ =	shalt  }
0x4d: {  	_ =	shalt  }
0x4e: {  	_ =	shalt  }
0x4f: {  	_ =	shalt  }
0x50: {  	_ =	shalt  }
0x51: {  	_ =	shalt  }
0x52: {  	_ =	shalt  }
0x53: {  	_ =	shalt  }
0x54: {  	_ =	shalt  }
0x55: {  	_ =	shalt  }
0x56: {  	_ =	shalt  }
0x57: {  	_ =	shalt  }
0x58: {  	_ =	shalt  }
0x59: {  	_ =	shalt  }
0x5a: {  	_ =	shalt  }
0x5b: {  	_ =	shalt  }
0x5c: {  	_ =	shalt  }
0x5d: {  	_ =	shalt  }
0x5e: {  	_ =	shalt  }
0x5f: {  	_ =	shalt  }
0x60: {  	_ =	shalt  }
0x61: {  	_ =	shalt  }
0x62: {  	_ =	shalt  }
0x63: {  	_ =	shalt  }
0x64: {  	_ =	shalt  }
0x65: {  	_ =	shalt  }
0x66: {  	_ =	shalt  }
0x67: {  	_ =	shalt  }
0x68: {  	_ =	shalt  }
0x69: {  	_ =	shalt  }
0x6a: {  	_ =	shalt  }
0x6b: {  	_ =	shalt  }
0x6c: {  	_ =	shalt  }
0x6d: {  	_ =	shalt  }
0x6e: {  	_ =	shalt  }
0x6f: {  	_ =	shalt  }
0x70: {  	_ =	shalt  }
0x71: {  	_ =	shalt  }
0x72: {  	_ =	shalt  }
0x73: {  	_ =	shalt  }
0x74: {  	_ =	shalt  }
0x75: {  	_ =	shalt  }
0x76: {  	_ =	shalt  }
0x77: {  	_ =	shalt  }
0x78: {  	_ =	shalt  }
0x79: {  	_ =	shalt  }
0x7a: {  	_ =	shalt  }
0x7b: {  	_ =	shalt  }
0x7c: {  	_ =	shalt  }
0x7d: {  	_ =	shalt  }
0x7e: {  	_ =	shalt  }
0x7f: {  	_ =	shalt  }
0x80: {  	_ =	shalt  }
0x81: {  	_ =	shalt  }
0x82: {  	_ =	shalt  }
0x83: {  	_ =	shalt  }
0x84: {  	_ =	shalt  }
0x85: {  	_ =	shalt  }
0x86: {  	_ =	shalt  }
0x87: {  	_ =	shalt  }
.Lfunc_end0:
.L_simem_size_0:
called_computation.2_lowered:
.L_overlay_start_0:
0x88: {  	s2 =	sld [smem:$0x3FD9]  }
0x89: {  	s3 =	sld [smem:$0x3FFE];
	_ =	sdelay $0x1  }
0x8a: {  	s1 =	srdreg.scid  }
0x8b: {  	s0 =	sand.u32 $0x1, s1  }
0x8c: {  	s16 =	sshll.u32 s0, $0xA;
	s2 =	sadd.s32 s3, s2  }
0x8d: {  	s2 =	sadd.s32 s2, s16  }
0x8e: {  	[smem:$0x3FBD] =	sst s2  }
0x8f: {  	_ = 	snop  }
0x90: {  	(tm) =	ssettm $0x1  }
0x91: {  	s17 =	sld [smem:$0x3FFB];
	_ =	sdelay $0x3  }
0x92: {  	_ =	strace s17  }
0x93: {  	s2 =	sld [smem:$0x3FFC];
	_ =	sdelay $0x3  }
0x94: {  	_ =	strace s2  }
0x95: {  	s2 =	sld [smem:$0x3FFD];
	_ =	sdelay $0x3  }
0x96: {  	_ =	strace s2  }
0x97: {  	_ =	strace $0x8FFFFFFF  }
0x98: {  	s18 =	sld [smem:$0x3FDB];
	_ =	sdelay $0x1  }
0x99: {  	s19 =	simm.s32 $_scs_section_size  }
0x9a: {  	s4 =	simm.s32 $_size__tile_overlayer_lowered;
	s5 =	simm.s32 $_tile_overlayer_lowered  }
0x9b: {  	s22 =	simm.s32 $0x1BFF;
	s21 =	sshll.u32 s5, $0x1;
	s2 =	sadd.s32 s19, s18  }
0x9c: {  	s6 =	simm.s32 $0x0;
	s20 =	sshll.u32 s4, $0x1;
	s4 =	sadd.s32 s21, s2  }
0x9d: {  	[timem:s6], [sflag:s22] =	dma.local [hbm:s4], s20  }
0x9e: {  	_ =	swait.ge [sflag:s22], s20  }
0x9f: {  	s3 =	ssub.s32 $0x0, s20;
	[sflag:s22] =	ssyncset.done $0x0  }
0xa0: {  	[sflag:s22] =	ssyncadd.s32 s3;
	_ =	sdelay $0x1  }
0xa1: {  	s23 =	simm.s32 $0x1B8B  }
0xa2: {  	_ =	swait.ge [sflag:s23], $0x1  }
0xa3: {  	[sflag:s23] =	ssyncset.done $0x0  }
0xa4: {  	s25 =	simm.s32 $0x1B8E;
	s24 =	sld [smem:$0x3FFE];
	[sflag:s23] =	ssyncadd.s32 $0xFFFFFFFF  }
0xa5: {  	s26 =	simm.s32 $execute0_lowered;
	[smem:$0x3FD2] =	sst s25  }
0xa6: {  	s4 =	sshll.u32 s26, $0x1;
	_ =	strace $0x8000004C;
	[dreg:$0x1] =	wrdreg $0xFFFFFFFF  }
0xa7: {  	s28 =	simm.s32 $_size_execute0_lowered;
	s2 =	sadd.s32 s2, s4;
	[dreg:$0x0] =	wrdreg $0x0  }
0xa8: {  	s4 =	sshll.u32 s28, $0x1;
	[dreg:$0x2] =	wrdreg s2  }
0xa9: {  	[dreg:$0x3] =	wrdreg s4  }
0xaa: {  	[dreg:$0x4] =	wrdreg $0xC0  }
0xab: {  	_ =	task [dreg:s6], $0x5FFFF  }
0xac: {  	[dreg:$0x1] =	wrdreg $0xFFFFFFFF  }
0xad: {  	[dreg:$0x0] =	wrdreg $0x60  }
0xae: {  	[dreg:$0x2] =	wrdreg s24  }
0xaf: {  	[dreg:$0x3] =	wrdreg $0xC4000  }
0xb0: {  	[dreg:$0x4] =	wrdreg $0x9  }
0xb1: {  	_ =	task.clear_ibuf [dreg:s6], $0x5FFFF;
	_ =	strace $0x9000004C  }
0xb2: {  	s29 =	simm.s32 $0x9;
	_ =	strace $0x8000004E  }
0xb3: {  	_ =	swait.ge [sflag:s29], $0x1  }
0xb4: {  	[sflag:s29] =	ssyncadd.s32 $0xFFFFFFFF  }
0xb5: {  	_ =	strace $0x9000004E  }
0xb6: {  	_ =	sfence  }
0xb7: {  	s30 =	sld [smem:$0x0];
	_ =	sdelay $0x2  }
0xb8: {  	s31 =	sshll.u32 s1, $0xD;
	s1 =	sshrl.u32 s1, $0x2  }
0xb9: {  	s3 =	sand.u32 $0x4000, s31;
	s1 =	sadd.s32 s1, s30  }
0xba: {  	s0 =	sor.u32 s3, s0;
	s1 =	sshll.u32 s1, $0x11  }
0xbb: {  	s0 =	sor.u32 s1, s0  }
0xbc: {  	s0 =	sadd.s32 $0x8F2B, s0  }
0xbd: {  	[sflag:s0] =	ssyncadd.remote.s32 $0x1  }
0xbe: {  	_ =	sfence.sel $0xFFFF  }
0xbf: {  	[dreg:$0x0] =	wrdreg $0xFFFFFFFF;
	(pc) =	sbr.abs _section_cstart, $3  }
0xc0: {  	[dreg:$0x1] =	wrdreg $0xFFFFFFFF  }
0xc1: {  	_ =	task.clear_ibuf [dreg:s6], $0x2FFFF;
	_ =	strace $0x9FFFFFFF  }
0xc2: {  	(tm) =	ssettm $0x7FFFFFFF  }
0xc3: {  	_ =	shalt  }
tec
execute0_lowered:
.L_overlay_start_1:
0x0: {  	(tag) =	ssettag $0x1  }
0x1: {  	s6 =	rddreg [dreg:$0x0]  }
0x2: {  	s1 =	rddreg [dreg:$0x1];
	s3 =	srdreg.scid  }
0x3: {  	s0 =	rddreg [dreg:$0x2];
	s2 =	simm.s32 $0x0;
	s7 =	sand.u32 $0x1, s3  }
0x4: {  	s15 =	simm.s32 $0x8;
	s3 =	stileid.u32;
	s5 =	smul.u32 $0x4F00, s7  }
0x5: {  	s16 =	simm.s32 $0x9;
	s17 =	simm.s32 $0x7;
	s8 =	smul.u32 $0x4F000, s3  }
0x6: {  	s18 =	simm.s32 $0x0;
	[smem:$0x7FF] =	sst s2;
	s10 =	smul.u32 $0x13BC00, s7  }
0x7: {  	s4 =	sadd.s32 $0x16800, s6;
	s12 =	sadd.s32 $0x40200, s6;
	s11 =	smul.u32 $0x13C00, s3  }
0x8: {  	_ =	strace $0x8000004D;
	s7 =	ssub.s32 $0x2, s7;
	s30 =	smul.u32 $0x4F0, s3  }
0x9: {  	p0 =	seq.s32 s3, $0xF;
	s26 =	sshrl.u32 s7, $0x1;
	s9 =	sadd.s32 s5, s6  }
0xa: {  	s5 =	sadd.s32 $0x3DA00, s6;
	s8 =	sshrl.u32 s8, $0x2;
	s13 =	ssub.s32 s7, s26  }
0xb: {  	s28 =	sadd.s32 s11, s10;
	s29 =	sshrl.u32 s10, $0x3;
	s11 =	sadd.s32 $0x128400, s1  }
.Ltmp0:
0xc: {  	s14 =	sadd.s32 s8, s1;
	s6 =	sshrl.u32 s28, $0x3;
	(pc) =	sbr.rel .LBB2_1-.Ltmp0, $4  }
0xd: {  	s7 =	sadd.s32 s12, s29;
	s31 =	sadd.s32 s30, s9;
	s8 =	smax.u32 s13, $0x1  }
0xe: {  	s11 =	sshrl.u32 @p0 s11, $0x3;
	s6 =	sadd.s32 s12, s6;
	s7 =	sadd.s32 $0x25080, s7  }
0xf: {  	s9 =	sadd.s32 $0x2C00, s31;
	s12 =	sshll.u32 @!p0 s3, $0x6;
	s10 =	sadd.s32 $0xCA00, s31  }
0x10: {  	s13 =	sshrl.u32 @!p0 s14, $0x3;
	s14 =	simm.s32 $0x80;
	s12 =	sor.u32 @!p0 $0x1C0A, s12  }
.LBB2_7:
0x11: {  	_ =	swait.ge [sflag:s15], $0x4000  }
0x12: {  	[sflag:s15] =	ssyncset.done $0x0  }
0x13: {  	[sflag:s15] =	ssyncadd.s32 $0xFFFFC000  }
0x14: {  	_ =	swait.ge [sflag:s16], $0x4000  }
0x15: {  	[sflag:s16] =	ssyncset.done $0x0  }
0x16: {  	[sflag:s16] =	ssyncadd.s32 $0xFFFFC000  }
0x17: {  	_ =	swait.ge [sflag:s17], $0x4000  }
0x18: {  	[sflag:s17] =	ssyncset.done $0x0  }
0x19: {  	[sflag:s17] =	ssyncadd.s32 $0xFFFFC000  }
0x1a: {  	s19 =	simm.s32 @p0 $0x1FCA;
	[bflag:$0x0] =	sbarrier.arrive $0xFFFF  }
0x1b: {  	[hbm:s7], [sflag:s19] =	dma.local @p0 [spmem:s11], $0x2700  }
0x1c: {  	s19 =	simm.s32 @p0 $0xA  }
0x1d: {  	s18 =	sadd.s32 $0x1, s18;
	_ =	swait.ge @p0 [sflag:s19], $0x2700  }
0x1e: {  	p1 =	sne.s32 s18, s8;
	[sflag:s19] =	ssyncset.done @p0 $0x0  }
.Ltmp1:
0x1f: {  	[sflag:s19] =	ssyncadd.s32 @p0 $0xFFFFD900;
	s19 =	simm.s32 @!p0 $0xA;
	(pc) =	sbr.rel @!p1 .LBB2_8-.Ltmp1, $4  }
0x20: {  	[hbm:s6], [sflag:s12] =	dma.local @!p0 [spmem:s13], $0x2780  }
0x21: {  	_ =	swait.ge @!p0 [sflag:s19], $0x2780  }
0x22: {  	[sflag:s19] =	ssyncset.done @!p0 $0x0  }
0x23: {  	[sflag:s19] =	ssyncadd.s32 @!p0 $0xFFFFD880  }
.LBB2_1:
0x24: {  	s19 =	simm.s32 @p0 $0x1FCA  }
0x25: {  	[spmem:s11], [sflag:s19] =	dma.local @p0 [hbm:s5], $0x2700  }
0x26: {  	s19 =	simm.s32 @p0 $0xA  }
0x27: {  	_ =	swait.ge @p0 [sflag:s19], $0x2700  }
0x28: {  	[sflag:s19] =	ssyncset.done @p0 $0x0  }
0x29: {  	[sflag:s19] =	ssyncadd.s32 @p0 $0xFFFFD900;
	s19 =	simm.s32 @!p0 $0xA  }
0x2a: {  	[spmem:s13], [sflag:s12] =	dma.local @!p0 [hbm:s5], $0x2780  }
.Ltmp2:
0x2b: {  	_ =	swait.ge @!p0 [sflag:s19], $0x2780;
	(pc) =	sbr.rel .LBB2_2-.Ltmp2, $4  }
0x2c: {  	[sflag:s19] =	ssyncset.done @!p0 $0x0  }
0x2d: {  	[sflag:s19] =	ssyncadd.s32 @!p0 $0xFFFFD880  }
0x2e: {  	[bflag:$0x0] =	sbarrier.arrive $0xFFFF  }
0x2f: {  	s20 =	smov.u32 s9;
	s21 =	simm.s32 $0x0;
	s19 =	smov.u32 s10  }
.LBB2_5:
0x30: {  	s23 =	sshll.u32 s22, $0x7  }
0x31: {  	s31 =	sadd.s32 $0x1, s22;
	s23 =	sand.u32 $0x3FFFFF80, s23  }
0x32: {  	[tilespmem:s23], [sflag:s31] =	stream.linear.gather [hbm4b:s20+s2], $0x80, $0x38;
	v63 =	vld [tilespmem:$0x0]  }
0x33: {  	s23 =	sadd.s32 $0x200, s23  }
0x34: {  	[tilespmem:s23], [sflag:s31] =	stream.linear.gather [hbm4b:s19+s2], $0x80, $0x38;
	v63 =	vld [tilespmem:$0x0]  }
.LBB2_6:
0x35: {  	p1 =	seq.s32 s21, $0x0  }
0x36: {  	p2 =	seq.s32 @!p1 s21, $0x50  }
0x37: {  	p1 =	por p2, p1  }
0x38: {  	s22 =	sadd.s32 @!p1 $0xFFFFFFFF, s21  }
0x39: {  	s23 =	sand.u32 @!p1 $0xFF, s22  }
0x3a: {  	s23 =	smul.u32 @!p1 $0xAB, s23;
	_ =	sdelay $0x1  }
0x3b: {  	s23 =	sshrl.u32 @!p1 s23, $0x9  }
0x3c: {  	s23 =	smul.u32 @!p1 $0x3, s23;
	_ =	sdelay $0x1  }
0x3d: {  	s22 =	ssub.s32 @!p1 s22, s23  }
0x3e: {  	s22 =	sand.u32 @!p1 $0xFF, s22  }
0x3f: {  	s23 =	sadd.s32 @!p1 $0x1, s22  }
0x40: {  	_ =	swait.ge @!p1 [sflag:s23], $0x80  }
0x41: {  	[sflag:s23] =	ssyncset.done @!p1 $0x0  }
0x42: {  	[sflag:s23] =	ssyncadd.s32 @!p1 $0xFFFFFF80  }
0x43: {  	_ =	swait.ge @!p1 [sflag:s23], $0x80  }
0x44: {  	s25 =	simm.s32 @!p1 $0x80;
	[sflag:s23] =	ssyncset.done @!p1 $0x0  }
0x45: {  	s21 =	sadd.s32 $0x1, s21;
	[sflag:s23] =	ssyncadd.s32 @!p1 $0xFFFFFF80;
	s23 =	sshll.u32 @!p1 s22, $0xE  }
0x46: {  	s24 =	sshll.u32 @!p1 s22, $0x7;
	s22 =	sor.u32 @!p1 $0x4, s22;
	s23 =	sor.u32 @!p1 $0x400, s23  }
0x47: {  	[tilespmem:s23], [sflag:s22] =	stream.indirect.gather @!p1 [hbm4b:s4+s25], $0x80, s24, s25, $0xb8;
	v63 =	vld [tilespmem:$0x0]  }
0x48: {  	p1 =	sne.s32 s21, $0x51  }
.Ltmp3:
0x49: {  	_ = 	snop;
	(pc) =	sbr.rel @!p1 .LBB2_7-.Ltmp3, $2  }
0x4a: {  	_ =	sdelay $0x2  }
0x4b: {  	s20 =	sadd.s32 $0x10, s20;
	s19 =	sadd.s32 $0x10, s19  }
.LBB2_2:
0x4c: {  	p1 =	slt.u32 s21, $0x2  }
.Ltmp4:
0x4d: {  	_ = 	snop;
	(pc) =	sbr.rel @p1 .LBB2_5-.Ltmp4, $2  }
0x4e: {  	_ =	sdelay $0x2  }
0x4f: {  	s22 =	smov.u32 s21  }
0x50: {  	s22 =	sadd.s32 $0xFFFFFFFE, s21  }
0x51: {  	s23 =	sand.u32 $0xFF, s22  }
0x52: {  	s23 =	smul.u32 $0xAB, s23;
	_ =	sdelay $0x1  }
0x53: {  	s23 =	sshrl.u32 s23, $0x9  }
0x54: {  	s23 =	smul.u32 $0x3, s23;
	_ =	sdelay $0x1  }
0x55: {  	s22 =	ssub.s32 s22, s23  }
0x56: {  	p1 =	sgt.u32 s21, $0x4E;
	s22 =	sand.u32 $0xFF, s22  }
.Ltmp5:
0x57: {  	s30 =	sor.u32 $0x4, s22;
	(pc) =	sbr.rel @p1 .LBB2_6-.Ltmp5, $4  }
0x58: {  	s24 =	sshll.u32 s22, $0xE;
	_ =	swait.ge [sflag:s30], $0x4000  }
0x59: {  	s31 =	sshll.u32 s22, $0x7;
	s22 =	sadd.s32 $0x7, s22;
	[sflag:s30] =	ssyncset.done $0x0  }
0x5a: {  	s24 =	sor.u32 $0x400, s24;
	s23 =	sor.u32 $0x200, s31;
	[sflag:s30] =	ssyncadd.s32 $0xFFFFC000  }
0x5b: {  	[spmem:s1] =	stream.indirect.scatter.add.f32 [tilespmem:s24], [sflag:s22], $0x80, s23, s14, $0xb8;
	v63 =	vld [tilespmem:$0x0]  }
0x5c: {  	s22 =	smul.u32 $0xAB, s21;
	_ =	sdelay $0x1  }
0x5d: {  	s22 =	sshrl.u32 s22, $0x9  }
0x5e: {  	s22 =	sand.u32 $0x7F, s22  }
0x5f: {  	s22 =	smul.u32 $0x3, s22;
	_ =	sdelay $0x1  }
0x60: {  	s22 =	ssub.s32 s21, s22  }
.Ltmp6:
0x61: {  	p1 =	seq.s32 s21, $0x2;
	s22 =	sand.u32 $0xFF, s22;
	(pc) =	sbr.rel .LBB2_5-.Ltmp6, $4  }
0x62: {  	s23 =	sadd.s32 @!p1 $0x7, s22  }
0x63: {  	_ =	swait.ge @!p1 [sflag:s23], $0x4000  }
0x64: {  	[sflag:s23] =	ssyncset.done @!p1 $0x0  }
0x65: {  	[sflag:s23] =	ssyncadd.s32 @!p1 $0xFFFFC000  }
.LBB2_8:
0x66: {  	_ =	sfence.sel $0x180000  }
0x67: {  	[bflag:$0x0] =	sbarrier.arrive $0xFFFF  }
0x68: {  	p0 =	sne.s32 s3, $0x0;
	_ =	strace $0x9000004D  }
0x69: {  	s0 =	sadd.s32 @!p0 $0x100000, s0;
	[bflag:$0x2] =	sbarrier.arrive $0xFFFF  }
0x6a: {  	[sflag:s0] =	ssyncadd.tile.s32 @!p0 $0x1;
	_ =	shalt  }
.Lfunc_end2:
_tile_overlayer_lowered:
.L_overlay_start_2:
0x6b: {  	(tag) =	ssettag $0x2  }
0x6c: {  	s0 =	rddreg [dreg:$0x0];
	s2 =	stileid.u32  }
0x6d: {  	s1 =	rddreg [dreg:$0x1];
	p0 =	sne.s32 s2, $0x0  }
0x6e: {  	s3 =	rddreg [dreg:$0x2];
	[bflag:$0x3] =	sbarrier.arrive $0xFFFF;
	s2 =	simm.s32 @!p0 $0x1C0A  }
0x6f: {  	[timem:s3], [sflag:s2] =	dma.local @!p0 [hbm:s0], s1  }
0x70: {  	s0 =	simm.s32 @!p0 $0xA  }
0x71: {  	_ =	swait.ge @!p0 [sflag:s0], s1  }
0x72: {  	s1 =	ssub.s32 @!p0 $0x0, s1;
	[sflag:s0] =	ssyncset.done @!p0 $0x0  }
0x73: {  	[sflag:s0] =	ssyncadd.s32 @!p0 s1  }
0x74: {  	[bflag:$0x3] =	sbarrier.arrive $0xFFFF  }
0x75: {  	_ =	shalt  }

// kernel: kernel.19.cloned.1.call-start
scs
__scs_entry_jumppad:
0x0: {  	(pc) =	sbr.rel $0x88, $3  }
0x1: {  	(tag) =	ssettag $0x0;
	lr =	simm.s32 $0x1  }
0x2: {  	[smem:$0x3F96] =	sst lr;
	_ =	strace $0xD0000000  }
0x3: {  	_ = 	snop  }
0x4: {  	_ = 	snop  }
0x5: {  	_ = 	snop  }
0x6: {  	_ = 	snop  }
0x7: {  	_ = 	snop  }
__scs_overlays_trampoline_lowered:
0x8: {  	[smem:$0x3FA5] =	sst s0  }
0x9: {  	[smem:$0x3FA6] =	sst s1  }
0xa: {  	[smem:$0x3FA7] =	sst s2  }
0xb: {  	[smem:$0x3FA8] =	sst s3  }
0xc: {  	[smem:$0x3FA9] =	sst s4  }
0xd: {  	[smem:$0x3FAA] =	sst s5  }
0xe: {  	[smem:$0x3FAB] =	sst s6  }
0xf: {  	[smem:$0x3FAC] =	sst s7  }
0x10: {  	[smem:$0x3FAD] =	sst s8  }
0x11: {  	[smem:$0x3FAE] =	sst s9;
	s0 =	simm.s32 @!p0 $0x0  }
0x12: {  	s1 =	sld [smem:$0x3F94];
	s0 =	simm.s32 @p0 $0x1  }
0x13: {  	[smem:$0x3FAF] =	sst s0;
	s0 =	simm.s32 @!p1 $0x0  }
0x14: {  	s2 =	sld [smem:$0x3F93];
	s0 =	simm.s32 @p1 $0x1  }
0x15: {  	[smem:$0x3FB0] =	sst s0;
	s0 =	simm.s32 @!p2 $0x0  }
0x16: {  	s3 =	sld [smem:$0x3FDB];
	s0 =	simm.s32 @p2 $0x1  }
0x17: {  	s4 =	simm.s32 $0x1BF5;
	[smem:$0x3FB2] =	sst s0  }
0x18: {  	s0 =	sld [smem:$0x3F95];
	_ =	swait.ge [sflag:s4], $0x0  }
0x19: {  	s7 =	sld [smem:$0x3F96]  }
0x1a: {  	s8 =	sadd.s32 $0xFFFFE003, lr  }
0x1b: {  	s9 =	sadd.s32 $0xFFFFFEF7, lr;
	s5 =	simm.s32 $0xFFFFFFFF;
	p2 =	slt.u32 s8, $0xFFFFF086  }
0x1c: {  	p1 =	slt.u32 s9, $0xF7A;
	s5 =	simm.s32 @!p2 $0x0  }
0x1d: {  	s5 =	simm.s32 @p1 $0x1;
	p0 =	seq.s32 s7, s2  }
0x1e: {  	s7 =	smul.u32 @!p0 $0xF7A, s2;
	p2 =	seq.s32 @!p0 s5, $0x0  }
0x1f: {  	s9 =	smul.u32 $0xF7A, s1;
	s8 =	simm.s32 @!p0 $0x1BF5;
	p2 =	por !p2, p0  }
0x20: {  	[sflag:s8] =	ssyncset.s32 @!p0 $0xFFFFF086;
	s6 =	sadd.s32 @!p0 s3, s7;
	s7 =	simm.s32 @!p0 $0x108  }
0x21: {  	s3 =	sadd.s32 s3, s9;
	s6 =	sadd.s32 @!p0 $0x88, s6;
	s7 =	simm.s32 @p2 $0x1082  }
0x22: {  	[simem:s7], [sflag:s8] =	dma.local @!p0 [hbm:s6], $0xF7A  }
0x23: {  	s9 =	sor.u32 $0xD0000000, s2;
	s6 =	simm.s32 $0x108;
	_ =	swait.ge @!p0 [sflag:s8], $0x0  }
0x24: {  	s3 =	sadd.s32 $0x88, s3;
	s6 =	simm.s32 @!p1 $0x1082;
	[sflag:s4] =	ssyncset.s32 $0xFFFFF086  }
0x25: {  	[simem:s6], [sflag:s4] =	dma.local [hbm:s3], $0xF7A  }
0x26: {  	[smem:$0x3F96] =	sst s1;
	(tag) =	ssettag s2;
	_ =	strace s9  }
0x27: {  	s1 =	sld [smem:$0x3FA6]  }
0x28: {  	s2 =	sld [smem:$0x3FA7]  }
0x29: {  	s4 =	sld [smem:$0x3FA9]  }
0x2a: {  	p0 =	seq.s32 s5, $0x0;
	s5 =	sld [smem:$0x3FAA]  }
0x2b: {  	s6 =	sld [smem:$0x3FAB]  }
0x2c: {  	s7 =	sld [smem:$0x3FAC]  }
0x2d: {  	s3 =	simm.s32 $0x108;
	s8 =	sld [smem:$0x3FAD]  }
0x2e: {  	s3 =	simm.s32 @!p0 $0x1082;
	s9 =	sld [smem:$0x3FAE]  }
0x2f: {  	lr =	sadd.s32 s0, s3;
	s0 =	sld [smem:$0x3FA5]  }
0x30: {  	s3 =	sld [smem:$0x3FA8]  }
0x31: {  	[smem:$0x3FB1] =	sst s10  }
0x32: {  	s10 =	sld [smem:$0x3FAF];
	_ =	sdelay $0x3  }
0x33: {  	p0 =	seq.s32 s10, $0x1;
	s10 =	sld [smem:$0x3FB1];
	_ =	sdelay $0x3  }
0x34: {  	[smem:$0x3FB1] =	sst s10  }
0x35: {  	s10 =	sld [smem:$0x3FB0];
	_ =	sdelay $0x3  }
0x36: {  	p1 =	seq.s32 s10, $0x1;
	s10 =	sld [smem:$0x3FB1];
	_ =	sdelay $0x3  }
0x37: {  	[smem:$0x3FB1] =	sst s10  }
0x38: {  	s10 =	sld [smem:$0x3FB2]  }
0x39: {  	_ = 	snop;
	(pc) =	sbr.ind lr, $3  }
0x3a: {  	_ = 	snop  }
0x3b: {  	_ = 	snop  }
0x3c: {  	p2 =	seq.s32 s10, $0x1;
	s10 =	sld [smem:$0x3FB1]  }
0x3d: {  	_ =	shalt  }
0x3e: {  	_ =	shalt  }
0x3f: {  	_ =	shalt  }
0x40: {  	_ =	shalt  }
0x41: {  	_ =	shalt  }
0x42: {  	_ =	shalt  }
0x43: {  	_ =	shalt  }
0x44: {  	_ =	shalt  }
0x45: {  	_ =	shalt  }
0x46: {  	_ =	shalt  }
0x47: {  	_ =	shalt  }
0x48: {  	_ =	shalt  }
0x49: {  	_ =	shalt  }
0x4a: {  	_ =	shalt  }
0x4b: {  	_ =	shalt  }
0x4c: {  	_ =	shalt  }
0x4d: {  	_ =	shalt  }
0x4e: {  	_ =	shalt  }
0x4f: {  	_ =	shalt  }
0x50: {  	_ =	shalt  }
0x51: {  	_ =	shalt  }
0x52: {  	_ =	shalt  }
0x53: {  	_ =	shalt  }
0x54: {  	_ =	shalt  }
0x55: {  	_ =	shalt  }
0x56: {  	_ =	shalt  }
0x57: {  	_ =	shalt  }
0x58: {  	_ =	shalt  }
0x59: {  	_ =	shalt  }
0x5a: {  	_ =	shalt  }
0x5b: {  	_ =	shalt  }
0x5c: {  	_ =	shalt  }
0x5d: {  	_ =	shalt  }
0x5e: {  	_ =	shalt  }
0x5f: {  	_ =	shalt  }
0x60: {  	_ =	shalt  }
0x61: {  	_ =	shalt  }
0x62: {  	_ =	shalt  }
0x63: {  	_ =	shalt  }
0x64: {  	_ =	shalt  }
0x65: {  	_ =	shalt  }
0x66: {  	_ =	shalt  }
0x67: {  	_ =	shalt  }
0x68: {  	_ =	shalt  }
0x69: {  	_ =	shalt  }
0x6a: {  	_ =	shalt  }
0x6b: {  	_ =	shalt  }
0x6c: {  	_ =	shalt  }
0x6d: {  	_ =	shalt  }
0x6e: {  	_ =	shalt  }
0x6f: {  	_ =	shalt  }
0x70: {  	_ =	shalt  }
0x71: {  	_ =	shalt  }
0x72: {  	_ =	shalt  }
0x73: {  	_ =	shalt  }
0x74: {  	_ =	shalt  }
0x75: {  	_ =	shalt  }
0x76: {  	_ =	shalt  }
0x77: {  	_ =	shalt  }
0x78: {  	_ =	shalt  }
0x79: {  	_ =	shalt  }
0x7a: {  	_ =	shalt  }
0x7b: {  	_ =	shalt  }
0x7c: {  	_ =	shalt  }
0x7d: {  	_ =	shalt  }
0x7e: {  	_ =	shalt  }
0x7f: {  	_ =	shalt  }
0x80: {  	_ =	shalt  }
0x81: {  	_ =	shalt  }
0x82: {  	_ =	shalt  }
0x83: {  	_ =	shalt  }
0x84: {  	_ =	shalt  }
0x85: {  	_ =	shalt  }
0x86: {  	_ =	shalt  }
0x87: {  	_ =	shalt  }
.Lfunc_end0:
.L_simem_size_0:
called_computation.3_lowered:
.L_overlay_start_0:
0x88: {  	s2 =	sld [smem:$0x3FD9]  }
0x89: {  	s3 =	sld [smem:$0x3FFE];
	_ =	sdelay $0x1  }
0x8a: {  	s1 =	srdreg.scid  }
0x8b: {  	s0 =	sand.u32 $0x1, s1  }
0x8c: {  	s16 =	sshll.u32 s0, $0xA;
	s2 =	sadd.s32 s3, s2  }
0x8d: {  	s2 =	sadd.s32 s2, s16  }
0x8e: {  	[smem:$0x3FBD] =	sst s2  }
0x8f: {  	_ = 	snop  }
0x90: {  	(tm) =	ssettm $0x1  }
0x91: {  	s17 =	sld [smem:$0x3FFB];
	_ =	sdelay $0x3  }
0x92: {  	_ =	strace s17  }
0x93: {  	s2 =	sld [smem:$0x3FFC];
	_ =	sdelay $0x3  }
0x94: {  	_ =	strace s2  }
0x95: {  	s2 =	sld [smem:$0x3FFD];
	_ =	sdelay $0x3  }
0x96: {  	_ =	strace s2  }
0x97: {  	_ =	strace $0x8FFFFFFF  }
0x98: {  	s18 =	sld [smem:$0x3FDB];
	_ =	sdelay $0x1  }
0x99: {  	s19 =	simm.s32 $_scs_section_size  }
0x9a: {  	s4 =	simm.s32 $_size__tile_overlayer_lowered;
	s5 =	simm.s32 $_tile_overlayer_lowered  }
0x9b: {  	s22 =	simm.s32 $0x1BFF;
	s21 =	sshll.u32 s5, $0x1;
	s2 =	sadd.s32 s19, s18  }
0x9c: {  	s6 =	simm.s32 $0x0;
	s20 =	sshll.u32 s4, $0x1;
	s4 =	sadd.s32 s21, s2  }
0x9d: {  	[timem:s6], [sflag:s22] =	dma.local [hbm:s4], s20  }
0x9e: {  	_ =	swait.ge [sflag:s22], s20  }
0x9f: {  	s3 =	ssub.s32 $0x0, s20;
	[sflag:s22] =	ssyncset.done $0x0  }
0xa0: {  	[sflag:s22] =	ssyncadd.s32 s3;
	_ =	sdelay $0x1  }
0xa1: {  	s23 =	simm.s32 $0x1B8B  }
0xa2: {  	_ =	swait.ge [sflag:s23], $0x1  }
0xa3: {  	[sflag:s23] =	ssyncset.done $0x0  }
0xa4: {  	s25 =	simm.s32 $0x1B8E;
	s24 =	sld [smem:$0x3FFE];
	[sflag:s23] =	ssyncadd.s32 $0xFFFFFFFF  }
0xa5: {  	s26 =	simm.s32 $execute0_lowered;
	[smem:$0x3FD2] =	sst s25  }
0xa6: {  	s4 =	sshll.u32 s26, $0x1;
	_ =	strace $0x8000004F;
	[dreg:$0x1] =	wrdreg $0xFFFFFFFF  }
0xa7: {  	s28 =	simm.s32 $_size_execute0_lowered;
	s2 =	sadd.s32 s2, s4;
	[dreg:$0x0] =	wrdreg $0x0  }
0xa8: {  	s4 =	sshll.u32 s28, $0x1;
	[dreg:$0x2] =	wrdreg s2  }
0xa9: {  	[dreg:$0x3] =	wrdreg s4  }
0xaa: {  	[dreg:$0x4] =	wrdreg $0xC0  }
0xab: {  	_ =	task [dreg:s6], $0x5FFFF  }
0xac: {  	[dreg:$0x1] =	wrdreg $0xFFFFFFFF  }
0xad: {  	[dreg:$0x0] =	wrdreg $0x60  }
0xae: {  	[dreg:$0x2] =	wrdreg s24  }
0xaf: {  	[dreg:$0x3] =	wrdreg $0xC4000  }
0xb0: {  	[dreg:$0x4] =	wrdreg $0x9  }
0xb1: {  	_ =	task.clear_ibuf [dreg:s6], $0x5FFFF;
	_ =	strace $0x9000004F  }
0xb2: {  	s29 =	simm.s32 $0x9;
	_ =	strace $0x80000051  }
0xb3: {  	_ =	swait.ge [sflag:s29], $0x1  }
0xb4: {  	[sflag:s29] =	ssyncadd.s32 $0xFFFFFFFF  }
0xb5: {  	_ =	strace $0x90000051  }
0xb6: {  	_ =	sfence  }
0xb7: {  	s30 =	sld [smem:$0x0];
	_ =	sdelay $0x2  }
0xb8: {  	s31 =	sshll.u32 s1, $0xD;
	s1 =	sshrl.u32 s1, $0x2  }
0xb9: {  	s3 =	sand.u32 $0x4000, s31;
	s1 =	sadd.s32 s1, s30  }
0xba: {  	s0 =	sor.u32 s3, s0;
	s1 =	sshll.u32 s1, $0x11  }
0xbb: {  	s0 =	sor.u32 s1, s0  }
0xbc: {  	s0 =	sadd.s32 $0x8F2B, s0  }
0xbd: {  	[sflag:s0] =	ssyncadd.remote.s32 $0x1  }
0xbe: {  	_ =	sfence.sel $0xFFFF  }
0xbf: {  	[dreg:$0x0] =	wrdreg $0xFFFFFFFF;
	(pc) =	sbr.abs _section_cstart, $3  }
0xc0: {  	[dreg:$0x1] =	wrdreg $0xFFFFFFFF  }
0xc1: {  	_ =	task.clear_ibuf [dreg:s6], $0x2FFFF;
	_ =	strace $0x9FFFFFFF  }
0xc2: {  	(tm) =	ssettm $0x7FFFFFFF  }
0xc3: {  	_ =	shalt  }
tec
execute0_lowered:
.L_overlay_start_1:
0x0: {  	(tag) =	ssettag $0x1  }
0x1: {  	s6 =	rddreg [dreg:$0x0]  }
0x2: {  	s1 =	rddreg [dreg:$0x1];
	s3 =	srdreg.scid  }
0x3: {  	s0 =	rddreg [dreg:$0x2];
	s2 =	simm.s32 $0x0;
	s7 =	sand.u32 $0x1, s3  }
0x4: {  	s15 =	simm.s32 $0x8;
	s3 =	stileid.u32;
	s5 =	smul.u32 $0x4F00, s7  }
0x5: {  	s16 =	simm.s32 $0x9;
	s17 =	simm.s32 $0x7;
	s8 =	smul.u32 $0x4F000, s3  }
0x6: {  	s18 =	simm.s32 $0x0;
	[smem:$0x7FF] =	sst s2;
	s10 =	smul.u32 $0x13BC00, s7  }
0x7: {  	s4 =	sadd.s32 $0x16800, s6;
	s12 =	sadd.s32 $0x40200, s6;
	s11 =	smul.u32 $0x13C00, s3  }
0x8: {  	_ =	strace $0x80000050;
	s7 =	ssub.s32 $0x2, s7;
	s30 =	smul.u32 $0x4F0, s3  }
0x9: {  	p0 =	seq.s32 s3, $0xF;
	s26 =	sshrl.u32 s7, $0x1;
	s9 =	sadd.s32 s5, s6  }
0xa: {  	s5 =	sadd.s32 $0x3DA00, s6;
	s8 =	sshrl.u32 s8, $0x2;
	s13 =	ssub.s32 s7, s26  }
0xb: {  	s28 =	sadd.s32 s11, s10;
	s29 =	sshrl.u32 s10, $0x3;
	s11 =	sadd.s32 $0x128400, s1  }
.Ltmp0:
0xc: {  	s14 =	sadd.s32 s8, s1;
	s6 =	sshrl.u32 s28, $0x3;
	(pc) =	sbr.rel .LBB2_1-.Ltmp0, $4  }
0xd: {  	s7 =	sadd.s32 s12, s29;
	s31 =	sadd.s32 s30, s9;
	s8 =	smax.u32 s13, $0x1  }
0xe: {  	s11 =	sshrl.u32 @p0 s11, $0x3;
	s6 =	sadd.s32 s12, s6;
	s7 =	sadd.s32 $0x25080, s7  }
0xf: {  	s9 =	sadd.s32 $0x2C00, s31;
	s12 =	sshll.u32 @!p0 s3, $0x6;
	s10 =	sadd.s32 $0xCA00, s31  }
0x10: {  	s13 =	sshrl.u32 @!p0 s14, $0x3;
	s14 =	simm.s32 $0x80;
	s12 =	sor.u32 @!p0 $0x1C0A, s12  }
.LBB2_7:
0x11: {  	_ =	swait.ge [sflag:s15], $0x4000  }
0x12: {  	[sflag:s15] =	ssyncset.done $0x0  }
0x13: {  	[sflag:s15] =	ssyncadd.s32 $0xFFFFC000  }
0x14: {  	_ =	swait.ge [sflag:s16], $0x4000  }
0x15: {  	[sflag:s16] =	ssyncset.done $0x0  }
0x16: {  	[sflag:s16] =	ssyncadd.s32 $0xFFFFC000  }
0x17: {  	_ =	swait.ge [sflag:s17], $0x4000  }
0x18: {  	[sflag:s17] =	ssyncset.done $0x0  }
0x19: {  	[sflag:s17] =	ssyncadd.s32 $0xFFFFC000  }
0x1a: {  	s19 =	simm.s32 @p0 $0x1FCA;
	[bflag:$0x0] =	sbarrier.arrive $0xFFFF  }
0x1b: {  	[hbm:s7], [sflag:s19] =	dma.local @p0 [spmem:s11], $0x2700  }
0x1c: {  	s19 =	simm.s32 @p0 $0xA  }
0x1d: {  	s18 =	sadd.s32 $0x1, s18;
	_ =	swait.ge @p0 [sflag:s19], $0x2700  }
0x1e: {  	p1 =	sne.s32 s18, s8;
	[sflag:s19] =	ssyncset.done @p0 $0x0  }
.Ltmp1:
0x1f: {  	[sflag:s19] =	ssyncadd.s32 @p0 $0xFFFFD900;
	s19 =	simm.s32 @!p0 $0xA;
	(pc) =	sbr.rel @!p1 .LBB2_8-.Ltmp1, $4  }
0x20: {  	[hbm:s6], [sflag:s12] =	dma.local @!p0 [spmem:s13], $0x2780  }
0x21: {  	_ =	swait.ge @!p0 [sflag:s19], $0x2780  }
0x22: {  	[sflag:s19] =	ssyncset.done @!p0 $0x0  }
0x23: {  	[sflag:s19] =	ssyncadd.s32 @!p0 $0xFFFFD880  }
.LBB2_1:
0x24: {  	s19 =	simm.s32 @p0 $0x1FCA  }
0x25: {  	[spmem:s11], [sflag:s19] =	dma.local @p0 [hbm:s5], $0x2700  }
0x26: {  	s19 =	simm.s32 @p0 $0xA  }
0x27: {  	_ =	swait.ge @p0 [sflag:s19], $0x2700  }
0x28: {  	[sflag:s19] =	ssyncset.done @p0 $0x0  }
0x29: {  	[sflag:s19] =	ssyncadd.s32 @p0 $0xFFFFD900;
	s19 =	simm.s32 @!p0 $0xA  }
0x2a: {  	[spmem:s13], [sflag:s12] =	dma.local @!p0 [hbm:s5], $0x2780  }
.Ltmp2:
0x2b: {  	_ =	swait.ge @!p0 [sflag:s19], $0x2780;
	(pc) =	sbr.rel .LBB2_2-.Ltmp2, $4  }
0x2c: {  	[sflag:s19] =	ssyncset.done @!p0 $0x0  }
0x2d: {  	[sflag:s19] =	ssyncadd.s32 @!p0 $0xFFFFD880  }
0x2e: {  	[bflag:$0x0] =	sbarrier.arrive $0xFFFF  }
0x2f: {  	s20 =	smov.u32 s9;
	s21 =	simm.s32 $0x0;
	s19 =	smov.u32 s10  }
.LBB2_5:
0x30: {  	s23 =	sshll.u32 s22, $0x7  }
0x31: {  	s31 =	sadd.s32 $0x1, s22;
	s23 =	sand.u32 $0x3FFFFF80, s23  }
0x32: {  	[tilespmem:s23], [sflag:s31] =	stream.linear.gather [hbm4b:s20+s2], $0x80, $0x38;
	v63 =	vld [tilespmem:$0x0]  }
0x33: {  	s23 =	sadd.s32 $0x200, s23  }
0x34: {  	[tilespmem:s23], [sflag:s31] =	stream.linear.gather [hbm4b:s19+s2], $0x80, $0x38;
	v63 =	vld [tilespmem:$0x0]  }
.LBB2_6:
0x35: {  	p1 =	seq.s32 s21, $0x0  }
0x36: {  	p2 =	seq.s32 @!p1 s21, $0x50  }
0x37: {  	p1 =	por p2, p1  }
0x38: {  	s22 =	sadd.s32 @!p1 $0xFFFFFFFF, s21  }
0x39: {  	s23 =	sand.u32 @!p1 $0xFF, s22  }
0x3a: {  	s23 =	smul.u32 @!p1 $0xAB, s23;
	_ =	sdelay $0x1  }
0x3b: {  	s23 =	sshrl.u32 @!p1 s23, $0x9  }
0x3c: {  	s23 =	smul.u32 @!p1 $0x3, s23;
	_ =	sdelay $0x1  }
0x3d: {  	s22 =	ssub.s32 @!p1 s22, s23  }
0x3e: {  	s22 =	sand.u32 @!p1 $0xFF, s22  }
0x3f: {  	s23 =	sadd.s32 @!p1 $0x1, s22  }
0x40: {  	_ =	swait.ge @!p1 [sflag:s23], $0x80  }
0x41: {  	[sflag:s23] =	ssyncset.done @!p1 $0x0  }
0x42: {  	[sflag:s23] =	ssyncadd.s32 @!p1 $0xFFFFFF80  }
0x43: {  	_ =	swait.ge @!p1 [sflag:s23], $0x80  }
0x44: {  	s25 =	simm.s32 @!p1 $0x80;
	[sflag:s23] =	ssyncset.done @!p1 $0x0  }
0x45: {  	s21 =	sadd.s32 $0x1, s21;
	[sflag:s23] =	ssyncadd.s32 @!p1 $0xFFFFFF80;
	s23 =	sshll.u32 @!p1 s22, $0xE  }
0x46: {  	s24 =	sshll.u32 @!p1 s22, $0x7;
	s22 =	sor.u32 @!p1 $0x4, s22;
	s23 =	sor.u32 @!p1 $0x400, s23  }
0x47: {  	[tilespmem:s23], [sflag:s22] =	stream.indirect.gather @!p1 [hbm4b:s4+s25], $0x80, s24, s25, $0xb8;
	v63 =	vld [tilespmem:$0x0]  }
0x48: {  	p1 =	sne.s32 s21, $0x51  }
.Ltmp3:
0x49: {  	_ = 	snop;
	(pc) =	sbr.rel @!p1 .LBB2_7-.Ltmp3, $2  }
0x4a: {  	_ =	sdelay $0x2  }
0x4b: {  	s20 =	sadd.s32 $0x10, s20;
	s19 =	sadd.s32 $0x10, s19  }
.LBB2_2:
0x4c: {  	p1 =	slt.u32 s21, $0x2  }
.Ltmp4:
0x4d: {  	_ = 	snop;
	(pc) =	sbr.rel @p1 .LBB2_5-.Ltmp4, $2  }
0x4e: {  	_ =	sdelay $0x2  }
0x4f: {  	s22 =	smov.u32 s21  }
0x50: {  	s22 =	sadd.s32 $0xFFFFFFFE, s21  }
0x51: {  	s23 =	sand.u32 $0xFF, s22  }
0x52: {  	s23 =	smul.u32 $0xAB, s23;
	_ =	sdelay $0x1  }
0x53: {  	s23 =	sshrl.u32 s23, $0x9  }
0x54: {  	s23 =	smul.u32 $0x3, s23;
	_ =	sdelay $0x1  }
0x55: {  	s22 =	ssub.s32 s22, s23  }
0x56: {  	p1 =	sgt.u32 s21, $0x4E;
	s22 =	sand.u32 $0xFF, s22  }
.Ltmp5:
0x57: {  	s30 =	sor.u32 $0x4, s22;
	(pc) =	sbr.rel @p1 .LBB2_6-.Ltmp5, $4  }
0x58: {  	s24 =	sshll.u32 s22, $0xE;
	_ =	swait.ge [sflag:s30], $0x4000  }
0x59: {  	s31 =	sshll.u32 s22, $0x7;
	s22 =	sadd.s32 $0x7, s22;
	[sflag:s30] =	ssyncset.done $0x0  }
0x5a: {  	s24 =	sor.u32 $0x400, s24;
	s23 =	sor.u32 $0x200, s31;
	[sflag:s30] =	ssyncadd.s32 $0xFFFFC000  }
0x5b: {  	[spmem:s1] =	stream.indirect.scatter.add.f32 [tilespmem:s24], [sflag:s22], $0x80, s23, s14, $0xb8;
	v63 =	vld [tilespmem:$0x0]  }
0x5c: {  	s22 =	smul.u32 $0xAB, s21;
	_ =	sdelay $0x1  }
0x5d: {  	s22 =	sshrl.u32 s22, $0x9  }
0x5e: {  	s22 =	sand.u32 $0x7F, s22  }
0x5f: {  	s22 =	smul.u32 $0x3, s22;
	_ =	sdelay $0x1  }
0x60: {  	s22 =	ssub.s32 s21, s22  }
.Ltmp6:
0x61: {  	p1 =	seq.s32 s21, $0x2;
	s22 =	sand.u32 $0xFF, s22;
	(pc) =	sbr.rel .LBB2_5-.Ltmp6, $4  }
0x62: {  	s23 =	sadd.s32 @!p1 $0x7, s22  }
0x63: {  	_ =	swait.ge @!p1 [sflag:s23], $0x4000  }
0x64: {  	[sflag:s23] =	ssyncset.done @!p1 $0x0  }
0x65: {  	[sflag:s23] =	ssyncadd.s32 @!p1 $0xFFFFC000  }
.LBB2_8:
0x66: {  	_ =	sfence.sel $0x180000  }
0x67: {  	[bflag:$0x0] =	sbarrier.arrive $0xFFFF  }
0x68: {  	p0 =	sne.s32 s3, $0x0;
	_ =	strace $0x90000050  }
0x69: {  	s0 =	sadd.s32 @!p0 $0x100000, s0;
	[bflag:$0x2] =	sbarrier.arrive $0xFFFF  }
0x6a: {  	[sflag:s0] =	ssyncadd.tile.s32 @!p0 $0x1;
	_ =	shalt  }
.Lfunc_end2:
_tile_overlayer_lowered:
.L_overlay_start_2:
0x6b: {  	(tag) =	ssettag $0x2  }
0x6c: {  	s0 =	rddreg [dreg:$0x0];
	s2 =	stileid.u32  }
0x6d: {  	s1 =	rddreg [dreg:$0x1];
	p0 =	sne.s32 s2, $0x0  }
0x6e: {  	s3 =	rddreg [dreg:$0x2];
	[bflag:$0x3] =	sbarrier.arrive $0xFFFF;
	s2 =	simm.s32 @!p0 $0x1C0A  }
0x6f: {  	[timem:s3], [sflag:s2] =	dma.local @!p0 [hbm:s0], s1  }
0x70: {  	s0 =	simm.s32 @!p0 $0xA  }
0x71: {  	_ =	swait.ge @!p0 [sflag:s0], s1  }
0x72: {  	s1 =	ssub.s32 @!p0 $0x0, s1;
	[sflag:s0] =	ssyncset.done @!p0 $0x0  }
0x73: {  	[sflag:s0] =	ssyncadd.s32 @!p0 s1  }
0x74: {  	[bflag:$0x3] =	sbarrier.arrive $0xFFFF  }
0x75: {  	_ =	shalt  }

</sc_bundles>
